<compile_context>
chip_gen: v7x
topology: tpu7x:2x2x1
jax: 0.10.2.dev20260603
libtpu: 0.0.44.dev20260713+nightly
codegen_flags: <defaults>
</compile_context>

<pallas_src>
import functools
import jax
import jax.numpy as jnp
from jax import lax
from jax.experimental import pallas as pl
from jax.experimental.pallas import tpu as pltpu
from jax.experimental.pallas import tpu_sc as plsc

B, S, D = 4, 8192, 1024
NC, NS, L = 2, 16, 16
NW = NC * NS
SPW = S // NW
CHUNK = 8
NCH = SPW // CHUNK
NSLOT = 8
NGROUP = NCH // 2

_mesh = plsc.VectorSubcoreMesh(core_axis_name="c", subcore_axis_name="s")

_scratch = (
    [pltpu.VMEM((CHUNK, D), jnp.float32) for _ in range(NSLOT)]
    + [pltpu.VMEM((CHUNK, D), jnp.float32) for _ in range(2)]
    + [pltpu.SemaphoreType.DMA for _ in range(NSLOT)]
    + [pltpu.SemaphoreType.DMA for _ in range(NSLOT)]
    + [pltpu.SemaphoreType.DMA for _ in range(2)]
)


@functools.partial(
    pl.kernel,
    out_type=jax.ShapeDtypeStruct((B, S, D), jnp.float32),
    mesh=_mesh,
    scratch_types=_scratch,
)
def _sc_add(x_hbm, emb_hbm, out_hbm, *scr):
    xb = scr[0:NSLOT]
    eb = scr[NSLOT:NSLOT + 2]
    sin = scr[NSLOT + 2:2 * NSLOT + 2]
    sout = scr[2 * NSLOT + 2:3 * NSLOT + 2]
    se = scr[3 * NSLOT + 2:3 * NSLOT + 4]

    wid = lax.axis_index("s") * NC + lax.axis_index("c")
    s_base = wid * SPW

    def srow(c):
        return s_base + c * CHUNK

    def start_in(slot, c, b):
        pltpu.async_copy(x_hbm.at[b, pl.ds(srow(c), CHUNK)], xb[slot], sin[slot])

    def wait_in(slot):
        pltpu.make_async_copy(x_hbm.at[0, pl.ds(0, CHUNK)], xb[slot], sin[slot]).wait()

    def start_out(slot, c, b):
        pltpu.async_copy(xb[slot], out_hbm.at[b, pl.ds(srow(c), CHUNK)], sout[slot])

    def wait_out(slot):
        pltpu.make_async_copy(xb[slot], out_hbm.at[0, pl.ds(0, CHUNK)], sout[slot]).wait()

    def start_e(par, c):
        pltpu.async_copy(emb_hbm.at[pl.ds(srow(c), CHUNK)], eb[par], se[par])

    def wait_e(par):
        pltpu.make_async_copy(emb_hbm.at[pl.ds(0, CHUNK)], eb[par], se[par]).wait()

    start_e(0, 0)
    start_e(1, 1)
    for k in range(NSLOT):
        start_in(k, k // 4, k % 4)

    def group_body(g, carry):
        for k in range(NSLOT):
            c = 2 * g + (k // 4)
            b = k % 4
            par = k // 4
            if k == 0:
                wait_e(0)
            if k == 4:
                wait_e(1)
            wait_in(k)

            @plsc.parallel_loop(0, D, step=L, unroll=4)
            def add_body(i):
                for r in range(CHUNK):
                    plsc.addupdate(xb[k].at[r, pl.ds(i, L)], eb[par][r, pl.ds(i, L)])

            start_out(k, c, b)
            if k == 3:
                start_e(0, lax.min(2 * g + 2, NCH - 2))
            if k == 7:
                start_e(1, lax.min(2 * g + 3, NCH - 1))
            nslot = (k + 4) % NSLOT
            nc = lax.min(c + 1, NCH - 1)
            if k >= 4:
                wait_out(nslot)
                start_in(nslot, nc, b)
            else:

                @pl.when(g > 0)
                def _():
                    wait_out(nslot)
                    start_in(nslot, nc, b)

        return carry

    lax.fori_loop(0, NGROUP, group_body, 0)

    for k in range(4, 8):
        wait_out(k)
    for k in range(0, 4):
        wait_in(k)
    wait_e(0)
    wait_e(1)


def kernel(x, emb_table):
    return _sc_add(x, emb_table)

# --- scband reference (transcript-rebuilt; emitter-appended) ---
"""Pipeline reference for scband-learned-embeddings-50629074485677 (READ-ONLY COPY).

The authoritative reference and input builder live on the scoring server;
editing this copy changes nothing except your own understanding.
"""

import jax, jax.numpy as jnp
import numpy as np

MAX_LEN = 8192
D_MODEL = 1024

def setup_inputs(seed: int = 0) -> dict:
    key = jax.random.key(seed)
    k1, k2 = jax.random.split(key)
    x = jax.random.normal(k1, (4, 8192, 1024), dtype=jnp.float32)
    # nn.Embedding weight init: N(0, 1)
    emb_table = jax.random.normal(k2, (MAX_LEN, D_MODEL), dtype=jnp.float32)
    return {"x": x, "emb_table": emb_table}

def reference(x, emb_table):
    # self.range[:x.shape[1]] -> positions 0..S-1
    positions = jnp.arange(x.shape[1])
    # embedding lookup (gather rows)
    embeddings = jnp.take(emb_table, positions, axis=0)  # [S, d_model]
    # broadcast add over batch
    return x + embeddings[None, :, :]

if __name__ == "__main__":
    import jax
    _d = setup_inputs()
    print(jax.jit(kernel)(*tuple(_d.values())))

</pallas_src>

<mosaic_0001>
#map = affine_map<(d0, d1) -> (0, 0, 0)>
#map1 = affine_map<(d0, d1) -> (0, 0)>
module attributes {stable_mosaic.version = 14 : i64} {
  func.func @_sc_add(%arg0: i32, %arg1: i32, %arg2: memref<4x8192x1024xf32, #tpu.memory_space<hbm>>, %arg3: memref<8192x1024xf32, #tpu.memory_space<hbm>>, %arg4: memref<4x8192x1024xf32, #tpu.memory_space<hbm>>, %arg5: memref<8x1024xf32, #tpu.memory_space<vmem>>, %arg6: memref<8x1024xf32, #tpu.memory_space<vmem>>, %arg7: memref<8x1024xf32, #tpu.memory_space<vmem>>, %arg8: memref<8x1024xf32, #tpu.memory_space<vmem>>, %arg9: memref<8x1024xf32, #tpu.memory_space<vmem>>, %arg10: memref<8x1024xf32, #tpu.memory_space<vmem>>, %arg11: memref<8x1024xf32, #tpu.memory_space<vmem>>, %arg12: memref<8x1024xf32, #tpu.memory_space<vmem>>, %arg13: memref<8x1024xf32, #tpu.memory_space<vmem>>, %arg14: memref<8x1024xf32, #tpu.memory_space<vmem>>, %arg15: memref<!tpu.dma_semaphore, #tpu.memory_space<semaphore_mem>>, %arg16: memref<!tpu.dma_semaphore, #tpu.memory_space<semaphore_mem>>, %arg17: memref<!tpu.dma_semaphore, #tpu.memory_space<semaphore_mem>>, %arg18: memref<!tpu.dma_semaphore, #tpu.memory_space<semaphore_mem>>, %arg19: memref<!tpu.dma_semaphore, #tpu.memory_space<semaphore_mem>>, %arg20: memref<!tpu.dma_semaphore, #tpu.memory_space<semaphore_mem>>, %arg21: memref<!tpu.dma_semaphore, #tpu.memory_space<semaphore_mem>>, %arg22: memref<!tpu.dma_semaphore, #tpu.memory_space<semaphore_mem>>, %arg23: memref<!tpu.dma_semaphore, #tpu.memory_space<semaphore_mem>>, %arg24: memref<!tpu.dma_semaphore, #tpu.memory_space<semaphore_mem>>, %arg25: memref<!tpu.dma_semaphore, #tpu.memory_space<semaphore_mem>>, %arg26: memref<!tpu.dma_semaphore, #tpu.memory_space<semaphore_mem>>, %arg27: memref<!tpu.dma_semaphore, #tpu.memory_space<semaphore_mem>>, %arg28: memref<!tpu.dma_semaphore, #tpu.memory_space<semaphore_mem>>, %arg29: memref<!tpu.dma_semaphore, #tpu.memory_space<semaphore_mem>>, %arg30: memref<!tpu.dma_semaphore, #tpu.memory_space<semaphore_mem>>, %arg31: memref<!tpu.dma_semaphore, #tpu.memory_space<semaphore_mem>>, %arg32: memref<!tpu.dma_semaphore, #tpu.memory_space<semaphore_mem>>) attributes {dimension_semantics = [#tpu.dimension_semantics<core_parallel>, #tpu.dimension_semantics<subcore_parallel>], iteration_bounds = array<i64: 2, 16>, scalar_prefetch = 0 : i64, scratch_operands = 28 : i64, tpu.core_type = #tpu.core_type<sc_vector_subcore>, window_params = [{transform_indices = #map}, {transform_indices = #map1}, {transform_indices = #map}]} {
    %mul3A = arith.constant 2 : i32
    %mul3A_0 = arith.muli %arg1, %mul3A : i32
    %add3A = arith.addi %mul3A_0, %arg0 : i32
    %mul3A_1 = arith.constant 256 : i32
    %mul3A_2 = arith.muli %add3A, %mul3A_1 : i32
    %add3A_3 = arith.constant 0 : i32
    %add3A_4 = arith.addi %mul3A_2, %add3A_3 : i32
    %dma_start3A = arith.constant 0 : i32
    %dma_start3A_5 = tpu.memref_slice %arg3[%add3A_4, %dma_start3A] : memref<8192x1024xf32, #tpu.memory_space<hbm>> -> memref<8x1024xf32, #tpu.memory_space<hbm>>
    %dma_start3A_6 = arith.constant 0 : i32
    %dma_start3A_7 = tpu.memref_slice %arg3[%add3A_4, %dma_start3A_6] : memref<8192x1024xf32, #tpu.memory_space<hbm>> -> memref<8x1024xf32, #tpu.memory_space<hbm>>
    tpu.enqueue_dma source(%dma_start3A_7 : memref<8x1024xf32, #tpu.memory_space<hbm>>) target(%arg13 : memref<8x1024xf32, #tpu.memory_space<vmem>>) target_semaphore(%arg31 : memref<!tpu.dma_semaphore, #tpu.memory_space<semaphore_mem>>)
    %add3A_8 = arith.constant 8 : i32
    %add3A_9 = arith.addi %mul3A_2, %add3A_8 : i32
    %dma_start3A_10 = arith.constant 0 : i32
    %dma_start3A_11 = tpu.memref_slice %arg3[%add3A_9, %dma_start3A_10] : memref<8192x1024xf32, #tpu.memory_space<hbm>> -> memref<8x1024xf32, #tpu.memory_space<hbm>>
    %dma_start3A_12 = arith.constant 0 : i32
    %dma_start3A_13 = tpu.memref_slice %arg3[%add3A_9, %dma_start3A_12] : memref<8192x1024xf32, #tpu.memory_space<hbm>> -> memref<8x1024xf32, #tpu.memory_space<hbm>>
    tpu.enqueue_dma source(%dma_start3A_13 : memref<8x1024xf32, #tpu.memory_space<hbm>>) target(%arg14 : memref<8x1024xf32, #tpu.memory_space<vmem>>) target_semaphore(%arg32 : memref<!tpu.dma_semaphore, #tpu.memory_space<semaphore_mem>>)
    %add3A_14 = arith.constant 0 : i32
    %add3A_15 = arith.addi %mul3A_2, %add3A_14 : i32
    %dma_start3A_16 = arith.constant 0 : i32
    %dma_start3A_17 = arith.constant 0 : i32
    %dma_start3A_18 = tpu.memref_slice %arg2[%dma_start3A_16, %add3A_15, %dma_start3A_17] : memref<4x8192x1024xf32, #tpu.memory_space<hbm>> -> memref<1x8x1024xf32, #tpu.memory_space<hbm>>
    %dma_start3A_19 = tpu.memref_squeeze %dma_start3A_18 : memref<1x8x1024xf32, #tpu.memory_space<hbm>> -> memref<8x1024xf32, #tpu.memory_space<hbm>>
    %dma_start3A_20 = arith.constant 0 : i32
    %dma_start3A_21 = tpu.memref_slice %arg2[%dma_start3A_16, %add3A_15, %dma_start3A_20] : memref<4x8192x1024xf32, #tpu.memory_space<hbm>> -> memref<1x8x1024xf32, #tpu.memory_space<hbm>>
    %dma_start3A_22 = tpu.memref_squeeze %dma_start3A_21 : memref<1x8x1024xf32, #tpu.memory_space<hbm>> -> memref<8x1024xf32, #tpu.memory_space<hbm>>
    tpu.enqueue_dma source(%dma_start3A_22 : memref<8x1024xf32, #tpu.memory_space<hbm>>) target(%arg5 : memref<8x1024xf32, #tpu.memory_space<vmem>>) target_semaphore(%arg15 : memref<!tpu.dma_semaphore, #tpu.memory_space<semaphore_mem>>)
    %add3A_23 = arith.constant 0 : i32
    %add3A_24 = arith.addi %mul3A_2, %add3A_23 : i32
    %dma_start3A_25 = arith.constant 1 : i32
    %dma_start3A_26 = arith.constant 0 : i32
    %dma_start3A_27 = tpu.memref_slice %arg2[%dma_start3A_25, %add3A_24, %dma_start3A_26] : memref<4x8192x1024xf32, #tpu.memory_space<hbm>> -> memref<1x8x1024xf32, #tpu.memory_space<hbm>>
    %dma_start3A_28 = tpu.memref_squeeze %dma_start3A_27 : memref<1x8x1024xf32, #tpu.memory_space<hbm>> -> memref<8x1024xf32, #tpu.memory_space<hbm>>
    %dma_start3A_29 = arith.constant 0 : i32
    %dma_start3A_30 = tpu.memref_slice %arg2[%dma_start3A_25, %add3A_24, %dma_start3A_29] : memref<4x8192x1024xf32, #tpu.memory_space<hbm>> -> memref<1x8x1024xf32, #tpu.memory_space<hbm>>
    %dma_start3A_31 = tpu.memref_squeeze %dma_start3A_30 : memref<1x8x1024xf32, #tpu.memory_space<hbm>> -> memref<8x1024xf32, #tpu.memory_space<hbm>>
    tpu.enqueue_dma source(%dma_start3A_31 : memref<8x1024xf32, #tpu.memory_space<hbm>>) target(%arg6 : memref<8x1024xf32, #tpu.memory_space<vmem>>) target_semaphore(%arg16 : memref<!tpu.dma_semaphore, #tpu.memory_space<semaphore_mem>>)
    %add3A_32 = arith.constant 0 : i32
    %add3A_33 = arith.addi %mul3A_2, %add3A_32 : i32
    %dma_start3A_34 = arith.constant 2 : i32
    %dma_start3A_35 = arith.constant 0 : i32
    %dma_start3A_36 = tpu.memref_slice %arg2[%dma_start3A_34, %add3A_33, %dma_start3A_35] : memref<4x8192x1024xf32, #tpu.memory_space<hbm>> -> memref<1x8x1024xf32, #tpu.memory_space<hbm>>
    %dma_start3A_37 = tpu.memref_squeeze %dma_start3A_36 : memref<1x8x1024xf32, #tpu.memory_space<hbm>> -> memref<8x1024xf32, #tpu.memory_space<hbm>>
    %dma_start3A_38 = arith.constant 0 : i32
    %dma_start3A_39 = tpu.memref_slice %arg2[%dma_start3A_34, %add3A_33, %dma_start3A_38] : memref<4x8192x1024xf32, #tpu.memory_space<hbm>> -> memref<1x8x1024xf32, #tpu.memory_space<hbm>>
    %dma_start3A_40 = tpu.memref_squeeze %dma_start3A_39 : memref<1x8x1024xf32, #tpu.memory_space<hbm>> -> memref<8x1024xf32, #tpu.memory_space<hbm>>
    tpu.enqueue_dma source(%dma_start3A_40 : memref<8x1024xf32, #tpu.memory_space<hbm>>) target(%arg7 : memref<8x1024xf32, #tpu.memory_space<vmem>>) target_semaphore(%arg17 : memref<!tpu.dma_semaphore, #tpu.memory_space<semaphore_mem>>)
    %add3A_41 = arith.constant 0 : i32
    %add3A_42 = arith.addi %mul3A_2, %add3A_41 : i32
    %dma_start3A_43 = arith.constant 3 : i32
    %dma_start3A_44 = arith.constant 0 : i32
    %dma_start3A_45 = tpu.memref_slice %arg2[%dma_start3A_43, %add3A_42, %dma_start3A_44] : memref<4x8192x1024xf32, #tpu.memory_space<hbm>> -> memref<1x8x1024xf32, #tpu.memory_space<hbm>>
    %dma_start3A_46 = tpu.memref_squeeze %dma_start3A_45 : memref<1x8x1024xf32, #tpu.memory_space<hbm>> -> memref<8x1024xf32, #tpu.memory_space<hbm>>
    %dma_start3A_47 = arith.constant 0 : i32
    %dma_start3A_48 = tpu.memref_slice %arg2[%dma_start3A_43, %add3A_42, %dma_start3A_47] : memref<4x8192x1024xf32, #tpu.memory_space<hbm>> -> memref<1x8x1024xf32, #tpu.memory_space<hbm>>
    %dma_start3A_49 = tpu.memref_squeeze %dma_start3A_48 : memref<1x8x1024xf32, #tpu.memory_space<hbm>> -> memref<8x1024xf32, #tpu.memory_space<hbm>>
    tpu.enqueue_dma source(%dma_start3A_49 : memref<8x1024xf32, #tpu.memory_space<hbm>>) target(%arg8 : memref<8x1024xf32, #tpu.memory_space<vmem>>) target_semaphore(%arg18 : memref<!tpu.dma_semaphore, #tpu.memory_space<semaphore_mem>>)
    %add3A_50 = arith.constant 8 : i32
    %add3A_51 = arith.addi %mul3A_2, %add3A_50 : i32
    %dma_start3A_52 = arith.constant 0 : i32
    %dma_start3A_53 = arith.constant 0 : i32
    %dma_start3A_54 = tpu.memref_slice %arg2[%dma_start3A_52, %add3A_51, %dma_start3A_53] : memref<4x8192x1024xf32, #tpu.memory_space<hbm>> -> memref<1x8x1024xf32, #tpu.memory_space<hbm>>
    %dma_start3A_55 = tpu.memref_squeeze %dma_start3A_54 : memref<1x8x1024xf32, #tpu.memory_space<hbm>> -> memref<8x1024xf32, #tpu.memory_space<hbm>>
    %dma_start3A_56 = arith.constant 0 : i32
    %dma_start3A_57 = tpu.memref_slice %arg2[%dma_start3A_52, %add3A_51, %dma_start3A_56] : memref<4x8192x1024xf32, #tpu.memory_space<hbm>> -> memref<1x8x1024xf32, #tpu.memory_space<hbm>>
    %dma_start3A_58 = tpu.memref_squeeze %dma_start3A_57 : memref<1x8x1024xf32, #tpu.memory_space<hbm>> -> memref<8x1024xf32, #tpu.memory_space<hbm>>
    tpu.enqueue_dma source(%dma_start3A_58 : memref<8x1024xf32, #tpu.memory_space<hbm>>) target(%arg9 : memref<8x1024xf32, #tpu.memory_space<vmem>>) target_semaphore(%arg19 : memref<!tpu.dma_semaphore, #tpu.memory_space<semaphore_mem>>)
    %add3A_59 = arith.constant 8 : i32
    %add3A_60 = arith.addi %mul3A_2, %add3A_59 : i32
    %dma_start3A_61 = arith.constant 1 : i32
    %dma_start3A_62 = arith.constant 0 : i32
    %dma_start3A_63 = tpu.memref_slice %arg2[%dma_start3A_61, %add3A_60, %dma_start3A_62] : memref<4x8192x1024xf32, #tpu.memory_space<hbm>> -> memref<1x8x1024xf32, #tpu.memory_space<hbm>>
    %dma_start3A_64 = tpu.memref_squeeze %dma_start3A_63 : memref<1x8x1024xf32, #tpu.memory_space<hbm>> -> memref<8x1024xf32, #tpu.memory_space<hbm>>
    %dma_start3A_65 = arith.constant 0 : i32
    %dma_start3A_66 = tpu.memref_slice %arg2[%dma_start3A_61, %add3A_60, %dma_start3A_65] : memref<4x8192x1024xf32, #tpu.memory_space<hbm>> -> memref<1x8x1024xf32, #tpu.memory_space<hbm>>
    %dma_start3A_67 = tpu.memref_squeeze %dma_start3A_66 : memref<1x8x1024xf32, #tpu.memory_space<hbm>> -> memref<8x1024xf32, #tpu.memory_space<hbm>>
    tpu.enqueue_dma source(%dma_start3A_67 : memref<8x1024xf32, #tpu.memory_space<hbm>>) target(%arg10 : memref<8x1024xf32, #tpu.memory_space<vmem>>) target_semaphore(%arg20 : memref<!tpu.dma_semaphore, #tpu.memory_space<semaphore_mem>>)
    %add3A_68 = arith.constant 8 : i32
    %add3A_69 = arith.addi %mul3A_2, %add3A_68 : i32
    %dma_start3A_70 = arith.constant 2 : i32
    %dma_start3A_71 = arith.constant 0 : i32
    %dma_start3A_72 = tpu.memref_slice %arg2[%dma_start3A_70, %add3A_69, %dma_start3A_71] : memref<4x8192x1024xf32, #tpu.memory_space<hbm>> -> memref<1x8x1024xf32, #tpu.memory_space<hbm>>
    %dma_start3A_73 = tpu.memref_squeeze %dma_start3A_72 : memref<1x8x1024xf32, #tpu.memory_space<hbm>> -> memref<8x1024xf32, #tpu.memory_space<hbm>>
    %dma_start3A_74 = arith.constant 0 : i32
    %dma_start3A_75 = tpu.memref_slice %arg2[%dma_start3A_70, %add3A_69, %dma_start3A_74] : memref<4x8192x1024xf32, #tpu.memory_space<hbm>> -> memref<1x8x1024xf32, #tpu.memory_space<hbm>>
    %dma_start3A_76 = tpu.memref_squeeze %dma_start3A_75 : memref<1x8x1024xf32, #tpu.memory_space<hbm>> -> memref<8x1024xf32, #tpu.memory_space<hbm>>
    tpu.enqueue_dma source(%dma_start3A_76 : memref<8x1024xf32, #tpu.memory_space<hbm>>) target(%arg11 : memref<8x1024xf32, #tpu.memory_space<vmem>>) target_semaphore(%arg21 : memref<!tpu.dma_semaphore, #tpu.memory_space<semaphore_mem>>)
    %add3A_77 = arith.constant 8 : i32
    %add3A_78 = arith.addi %mul3A_2, %add3A_77 : i32
    %dma_start3A_79 = arith.constant 3 : i32
    %dma_start3A_80 = arith.constant 0 : i32
    %dma_start3A_81 = tpu.memref_slice %arg2[%dma_start3A_79, %add3A_78, %dma_start3A_80] : memref<4x8192x1024xf32, #tpu.memory_space<hbm>> -> memref<1x8x1024xf32, #tpu.memory_space<hbm>>
    %dma_start3A_82 = tpu.memref_squeeze %dma_start3A_81 : memref<1x8x1024xf32, #tpu.memory_space<hbm>> -> memref<8x1024xf32, #tpu.memory_space<hbm>>
    %dma_start3A_83 = arith.constant 0 : i32
    %dma_start3A_84 = tpu.memref_slice %arg2[%dma_start3A_79, %add3A_78, %dma_start3A_83] : memref<4x8192x1024xf32, #tpu.memory_space<hbm>> -> memref<1x8x1024xf32, #tpu.memory_space<hbm>>
    %dma_start3A_85 = tpu.memref_squeeze %dma_start3A_84 : memref<1x8x1024xf32, #tpu.memory_space<hbm>> -> memref<8x1024xf32, #tpu.memory_space<hbm>>
    tpu.enqueue_dma source(%dma_start3A_85 : memref<8x1024xf32, #tpu.memory_space<hbm>>) target(%arg12 : memref<8x1024xf32, #tpu.memory_space<vmem>>) target_semaphore(%arg22 : memref<!tpu.dma_semaphore, #tpu.memory_space<semaphore_mem>>)
    %scan3A = arith.constant 0 : i32
    %scan3A_86 = arith.constant 0 : i32
    %scan3A_87 = arith.constant 16 : i32
    %scan3A_88 = arith.addi %scan3A_86, %scan3A_87 : i32
    %scan3A_89 = arith.constant 1 : i32
    scf.for %scan3A_174 = %scan3A_86 to %scan3A_88 step %scan3A_89  : i32 {
      %mul3A_175 = arith.constant 2 : i32
      %mul3A_176 = arith.muli %mul3A_175, %scan3A_174 : i32
      %add3A_177 = arith.constant 0 : i32
      %add3A_178 = arith.addi %mul3A_176, %add3A_177 : i32
      %dma_wait3A_179 = arith.constant 0 : i32
      %dma_wait3A_180 = arith.constant 0 : i32
      %dma_wait3A_181 = tpu.memref_slice %arg3[%dma_wait3A_179, %dma_wait3A_180] : memref<8192x1024xf32, #tpu.memory_space<hbm>> -> memref<8x1024xf32, #tpu.memory_space<hbm>>
      %dma_wait3A_182 = arith.constant 0 : i32
      %dma_wait3A_183 = arith.constant 0 : i32
      %dma_wait3A_184 = tpu.memref_slice %arg3[%dma_wait3A_182, %dma_wait3A_183] : memref<8192x1024xf32, #tpu.memory_space<hbm>> -> memref<8x1024xf32, #tpu.memory_space<hbm>>
      tpu.wait_dma2 semaphore(%arg31 : memref<!tpu.dma_semaphore, #tpu.memory_space<semaphore_mem>>) src(%dma_wait3A_184 : memref<8x1024xf32, #tpu.memory_space<hbm>>) dst(%arg13 : memref<8x1024xf32, #tpu.memory_space<vmem>>)
      %dma_wait3A_185 = arith.constant 0 : i32
      %dma_wait3A_186 = arith.constant 0 : i32
      %dma_wait3A_187 = arith.constant 0 : i32
      %dma_wait3A_188 = tpu.memref_slice %arg2[%dma_wait3A_185, %dma_wait3A_186, %dma_wait3A_187] : memref<4x8192x1024xf32, #tpu.memory_space<hbm>> -> memref<1x8x1024xf32, #tpu.memory_space<hbm>>
      %dma_wait3A_189 = tpu.memref_squeeze %dma_wait3A_188 : memref<1x8x1024xf32, #tpu.memory_space<hbm>> -> memref<8x1024xf32, #tpu.memory_space<hbm>>
      %dma_wait3A_190 = arith.constant 0 : i32
      %dma_wait3A_191 = arith.constant 0 : i32
      %dma_wait3A_192 = tpu.memref_slice %arg2[%dma_wait3A_185, %dma_wait3A_190, %dma_wait3A_191] : memref<4x8192x1024xf32, #tpu.memory_space<hbm>> -> memref<1x8x1024xf32, #tpu.memory_space<hbm>>
      %dma_wait3A_193 = tpu.memref_squeeze %dma_wait3A_192 : memref<1x8x1024xf32, #tpu.memory_space<hbm>> -> memref<8x1024xf32, #tpu.memory_space<hbm>>
      tpu.wait_dma2 semaphore(%arg15 : memref<!tpu.dma_semaphore, #tpu.memory_space<semaphore_mem>>) src(%dma_wait3A_193 : memref<8x1024xf32, #tpu.memory_space<hbm>>) dst(%arg5 : memref<8x1024xf32, #tpu.memory_space<vmem>>)
      %parallel_loop3A = arith.constant 0 : i32
      %parallel_loop3A_194 = arith.constant 1024 : i32
      %parallel_loop3A_195 = arith.constant 16 : i32
      scf.for %parallel_loop3A_544 = %parallel_loop3A to %parallel_loop3A_194 step %parallel_loop3A_195  : i32 {
        %parallel_loop3A_545 = arith.constant 0 : i32
        %parallel_loop3A_546 = arith.index_cast %parallel_loop3A_545 : i32 to index
        %parallel_loop3A_547 = arith.index_cast %parallel_loop3A_544 : i32 to index
        %parallel_loop3A_548 = tpu.vector_load %arg13[%parallel_loop3A_546, %parallel_loop3A_547] {strides = array<i32>} : memref<8x1024xf32, #tpu.memory_space<vmem>>, vector<1x16xf32>,
        %parallel_loop3A_549 = vector.shape_cast %parallel_loop3A_548 : vector<1x16xf32> to vector<16xf32>
        %parallel_loop3A_550 = arith.constant 0 : i32
        %parallel_loop3A_551 = arith.index_cast %parallel_loop3A_550 : i32 to index
        %parallel_loop3A_552 = arith.index_cast %parallel_loop3A_544 : i32 to index
        %parallel_loop3A_553 = tpu.vector_load %arg5[%parallel_loop3A_551, %parallel_loop3A_552] {strides = array<i32>} : memref<8x1024xf32, #tpu.memory_space<vmem>>, vector<1x16xf32>,
        %parallel_loop3A_554 = vector.shape_cast %parallel_loop3A_553 : vector<1x16xf32> to vector<16xf32>
        %parallel_loop3A_555 = vector.shape_cast %parallel_loop3A_549 : vector<16xf32> to vector<1x16xf32>
        tpu.vector_store %arg5[%parallel_loop3A_551, %parallel_loop3A_552], %parallel_loop3A_555 {add = true, strides = array<i32>} : memref<8x1024xf32, #tpu.memory_space<vmem>>, vector<1x16xf32>,
        %parallel_loop3A_556 = arith.constant 1 : i32
        %parallel_loop3A_557 = arith.index_cast %parallel_loop3A_556 : i32 to index
        %parallel_loop3A_558 = arith.index_cast %parallel_loop3A_544 : i32 to index
        %parallel_loop3A_559 = tpu.vector_load %arg13[%parallel_loop3A_557, %parallel_loop3A_558] {strides = array<i32>} : memref<8x1024xf32, #tpu.memory_space<vmem>>, vector<1x16xf32>,
        %parallel_loop3A_560 = vector.shape_cast %parallel_loop3A_559 : vector<1x16xf32> to vector<16xf32>
        %parallel_loop3A_561 = arith.constant 1 : i32
        %parallel_loop3A_562 = arith.index_cast %parallel_loop3A_561 : i32 to index
        %parallel_loop3A_563 = arith.index_cast %parallel_loop3A_544 : i32 to index
        %parallel_loop3A_564 = tpu.vector_load %arg5[%parallel_loop3A_562, %parallel_loop3A_563] {strides = array<i32>} : memref<8x1024xf32, #tpu.memory_space<vmem>>, vector<1x16xf32>,
        %parallel_loop3A_565 = vector.shape_cast %parallel_loop3A_564 : vector<1x16xf32> to vector<16xf32>
        %parallel_loop3A_566 = vector.shape_cast %parallel_loop3A_560 : vector<16xf32> to vector<1x16xf32>
        tpu.vector_store %arg5[%parallel_loop3A_562, %parallel_loop3A_563], %parallel_loop3A_566 {add = true, strides = array<i32>} : memref<8x1024xf32, #tpu.memory_space<vmem>>, vector<1x16xf32>,
        %parallel_loop3A_567 = arith.constant 2 : i32
        %parallel_loop3A_568 = arith.index_cast %parallel_loop3A_567 : i32 to index
        %parallel_loop3A_569 = arith.index_cast %parallel_loop3A_544 : i32 to index
        %parallel_loop3A_570 = tpu.vector_load %arg13[%parallel_loop3A_568, %parallel_loop3A_569] {strides = array<i32>} : memref<8x1024xf32, #tpu.memory_space<vmem>>, vector<1x16xf32>,
        %parallel_loop3A_571 = vector.shape_cast %parallel_loop3A_570 : vector<1x16xf32> to vector<16xf32>
        %parallel_loop3A_572 = arith.constant 2 : i32
        %parallel_loop3A_573 = arith.index_cast %parallel_loop3A_572 : i32 to index
        %parallel_loop3A_574 = arith.index_cast %parallel_loop3A_544 : i32 to index
        %parallel_loop3A_575 = tpu.vector_load %arg5[%parallel_loop3A_573, %parallel_loop3A_574] {strides = array<i32>} : memref<8x1024xf32, #tpu.memory_space<vmem>>, vector<1x16xf32>,
        %parallel_loop3A_576 = vector.shape_cast %parallel_loop3A_575 : vector<1x16xf32> to vector<16xf32>
        %parallel_loop3A_577 = vector.shape_cast %parallel_loop3A_571 : vector<16xf32> to vector<1x16xf32>
        tpu.vector_store %arg5[%parallel_loop3A_573, %parallel_loop3A_574], %parallel_loop3A_577 {add = true, strides = array<i32>} : memref<8x1024xf32, #tpu.memory_space<vmem>>, vector<1x16xf32>,
        %parallel_loop3A_578 = arith.constant 3 : i32
        %parallel_loop3A_579 = arith.index_cast %parallel_loop3A_578 : i32 to index
        %parallel_loop3A_580 = arith.index_cast %parallel_loop3A_544 : i32 to index
        %parallel_loop3A_581 = tpu.vector_load %arg13[%parallel_loop3A_579, %parallel_loop3A_580] {strides = array<i32>} : memref<8x1024xf32, #tpu.memory_space<vmem>>, vector<1x16xf32>,
        %parallel_loop3A_582 = vector.shape_cast %parallel_loop3A_581 : vector<1x16xf32> to vector<16xf32>
        %parallel_loop3A_583 = arith.constant 3 : i32
        %parallel_loop3A_584 = arith.index_cast %parallel_loop3A_583 : i32 to index
        %parallel_loop3A_585 = arith.index_cast %parallel_loop3A_544 : i32 to index
        %parallel_loop3A_586 = tpu.vector_load %arg5[%parallel_loop3A_584, %parallel_loop3A_585] {strides = array<i32>} : memref<8x1024xf32, #tpu.memory_space<vmem>>, vector<1x16xf32>,
        %parallel_loop3A_587 = vector.shape_cast %parallel_loop3A_586 : vector<1x16xf32> to vector<16xf32>
        %parallel_loop3A_588 = vector.shape_cast %parallel_loop3A_582 : vector<16xf32> to vector<1x16xf32>
        tpu.vector_store %arg5[%parallel_loop3A_584, %parallel_loop3A_585], %parallel_loop3A_588 {add = true, strides = array<i32>} : memref<8x1024xf32, #tpu.memory_space<vmem>>, vector<1x16xf32>,
        %parallel_loop3A_589 = arith.constant 4 : i32
        %parallel_loop3A_590 = arith.index_cast %parallel_loop3A_589 : i32 to index
        %parallel_loop3A_591 = arith.index_cast %parallel_loop3A_544 : i32 to index
        %parallel_loop3A_592 = tpu.vector_load %arg13[%parallel_loop3A_590, %parallel_loop3A_591] {strides = array<i32>} : memref<8x1024xf32, #tpu.memory_space<vmem>>, vector<1x16xf32>,
        %parallel_loop3A_593 = vector.shape_cast %parallel_loop3A_592 : vector<1x16xf32> to vector<16xf32>
        %parallel_loop3A_594 = arith.constant 4 : i32
        %parallel_loop3A_595 = arith.index_cast %parallel_loop3A_594 : i32 to index
        %parallel_loop3A_596 = arith.index_cast %parallel_loop3A_544 : i32 to index
        %parallel_loop3A_597 = tpu.vector_load %arg5[%parallel_loop3A_595, %parallel_loop3A_596] {strides = array<i32>} : memref<8x1024xf32, #tpu.memory_space<vmem>>, vector<1x16xf32>,
        %parallel_loop3A_598 = vector.shape_cast %parallel_loop3A_597 : vector<1x16xf32> to vector<16xf32>
        %parallel_loop3A_599 = vector.shape_cast %parallel_loop3A_593 : vector<16xf32> to vector<1x16xf32>
        tpu.vector_store %arg5[%parallel_loop3A_595, %parallel_loop3A_596], %parallel_loop3A_599 {add = true, strides = array<i32>} : memref<8x1024xf32, #tpu.memory_space<vmem>>, vector<1x16xf32>,
        %parallel_loop3A_600 = arith.constant 5 : i32
        %parallel_loop3A_601 = arith.index_cast %parallel_loop3A_600 : i32 to index
        %parallel_loop3A_602 = arith.index_cast %parallel_loop3A_544 : i32 to index
        %parallel_loop3A_603 = tpu.vector_load %arg13[%parallel_loop3A_601, %parallel_loop3A_602] {strides = array<i32>} : memref<8x1024xf32, #tpu.memory_space<vmem>>, vector<1x16xf32>,
        %parallel_loop3A_604 = vector.shape_cast %parallel_loop3A_603 : vector<1x16xf32> to vector<16xf32>
        %parallel_loop3A_605 = arith.constant 5 : i32
        %parallel_loop3A_606 = arith.index_cast %parallel_loop3A_605 : i32 to index
        %parallel_loop3A_607 = arith.index_cast %parallel_loop3A_544 : i32 to index
        %parallel_loop3A_608 = tpu.vector_load %arg5[%parallel_loop3A_606, %parallel_loop3A_607] {strides = array<i32>} : memref<8x1024xf32, #tpu.memory_space<vmem>>, vector<1x16xf32>,
        %parallel_loop3A_609 = vector.shape_cast %parallel_loop3A_608 : vector<1x16xf32> to vector<16xf32>
        %parallel_loop3A_610 = vector.shape_cast %parallel_loop3A_604 : vector<16xf32> to vector<1x16xf32>
        tpu.vector_store %arg5[%parallel_loop3A_606, %parallel_loop3A_607], %parallel_loop3A_610 {add = true, strides = array<i32>} : memref<8x1024xf32, #tpu.memory_space<vmem>>, vector<1x16xf32>,
        %parallel_loop3A_611 = arith.constant 6 : i32
        %parallel_loop3A_612 = arith.index_cast %parallel_loop3A_611 : i32 to index
        %parallel_loop3A_613 = arith.index_cast %parallel_loop3A_544 : i32 to index
        %parallel_loop3A_614 = tpu.vector_load %arg13[%parallel_loop3A_612, %parallel_loop3A_613] {strides = array<i32>} : memref<8x1024xf32, #tpu.memory_space<vmem>>, vector<1x16xf32>,
        %parallel_loop3A_615 = vector.shape_cast %parallel_loop3A_614 : vector<1x16xf32> to vector<16xf32>
        %parallel_loop3A_616 = arith.constant 6 : i32
        %parallel_loop3A_617 = arith.index_cast %parallel_loop3A_616 : i32 to index
        %parallel_loop3A_618 = arith.index_cast %parallel_loop3A_544 : i32 to index
        %parallel_loop3A_619 = tpu.vector_load %arg5[%parallel_loop3A_617, %parallel_loop3A_618] {strides = array<i32>} : memref<8x1024xf32, #tpu.memory_space<vmem>>, vector<1x16xf32>,
        %parallel_loop3A_620 = vector.shape_cast %parallel_loop3A_619 : vector<1x16xf32> to vector<16xf32>
        %parallel_loop3A_621 = vector.shape_cast %parallel_loop3A_615 : vector<16xf32> to vector<1x16xf32>
        tpu.vector_store %arg5[%parallel_loop3A_617, %parallel_loop3A_618], %parallel_loop3A_621 {add = true, strides = array<i32>} : memref<8x1024xf32, #tpu.memory_space<vmem>>, vector<1x16xf32>,
        %parallel_loop3A_622 = arith.constant 7 : i32
        %parallel_loop3A_623 = arith.index_cast %parallel_loop3A_622 : i32 to index
        %parallel_loop3A_624 = arith.index_cast %parallel_loop3A_544 : i32 to index
        %parallel_loop3A_625 = tpu.vector_load %arg13[%parallel_loop3A_623, %parallel_loop3A_624] {strides = array<i32>} : memref<8x1024xf32, #tpu.memory_space<vmem>>, vector<1x16xf32>,
        %parallel_loop3A_626 = vector.shape_cast %parallel_loop3A_625 : vector<1x16xf32> to vector<16xf32>
        %parallel_loop3A_627 = arith.constant 7 : i32
        %parallel_loop3A_628 = arith.index_cast %parallel_loop3A_627 : i32 to index
        %parallel_loop3A_629 = arith.index_cast %parallel_loop3A_544 : i32 to index
        %parallel_loop3A_630 = tpu.vector_load %arg5[%parallel_loop3A_628, %parallel_loop3A_629] {strides = array<i32>} : memref<8x1024xf32, #tpu.memory_space<vmem>>, vector<1x16xf32>,
        %parallel_loop3A_631 = vector.shape_cast %parallel_loop3A_630 : vector<1x16xf32> to vector<16xf32>
        %parallel_loop3A_632 = vector.shape_cast %parallel_loop3A_626 : vector<16xf32> to vector<1x16xf32>
        tpu.vector_store %arg5[%parallel_loop3A_628, %parallel_loop3A_629], %parallel_loop3A_632 {add = true, strides = array<i32>} : memref<8x1024xf32, #tpu.memory_space<vmem>>, vector<1x16xf32>,
      } {sc.loop_unroll_factor = 4 : i64, sc.parallel_access}
      %mul3A_196 = arith.constant 8 : i32
      %mul3A_197 = arith.muli %add3A_178, %mul3A_196 : i32
      %add3A_198 = arith.addi %mul3A_2, %mul3A_197 : i32
      %dma_start3A_199 = arith.constant 0 : i32
      %dma_start3A_200 = arith.constant 0 : i32
      %dma_start3A_201 = tpu.memref_slice %arg4[%dma_start3A_199, %add3A_198, %dma_start3A_200] : memref<4x8192x1024xf32, #tpu.memory_space<hbm>> -> memref<1x8x1024xf32, #tpu.memory_space<hbm>>
      %dma_start3A_202 = tpu.memref_squeeze %dma_start3A_201 : memref<1x8x1024xf32, #tpu.memory_space<hbm>> -> memref<8x1024xf32, #tpu.memory_space<hbm>>
      %dma_start3A_203 = arith.constant 0 : i32
      %dma_start3A_204 = tpu.memref_slice %arg4[%dma_start3A_199, %add3A_198, %dma_start3A_203] : memref<4x8192x1024xf32, #tpu.memory_space<hbm>> -> memref<1x8x1024xf32, #tpu.memory_space<hbm>>
      %dma_start3A_205 = tpu.memref_squeeze %dma_start3A_204 : memref<1x8x1024xf32, #tpu.memory_space<hbm>> -> memref<8x1024xf32, #tpu.memory_space<hbm>>
      tpu.enqueue_dma source(%arg5 : memref<8x1024xf32, #tpu.memory_space<vmem>>) target(%dma_start3A_205 : memref<8x1024xf32, #tpu.memory_space<hbm>>) target_semaphore(%arg23 : memref<!tpu.dma_semaphore, #tpu.memory_space<semaphore_mem>>)
      %add3A_206 = arith.constant 1 : i32
      %add3A_207 = arith.addi %add3A_178, %add3A_206 : i32
      %min3A = arith.constant 31 : i32
      %min3A_208 = arith.minsi %add3A_207, %min3A : i32
      %gt3A = arith.constant 0 : i32
      %gt3A_209 = arith.cmpi sgt, %scan3A_174, %gt3A : i32
      %convert_element_type3A = arith.extui %gt3A_209 : i1 to i32
      %cond3A = arith.constant 0 : i32
      %cond3A_210 = arith.cmpi ne, %convert_element_type3A, %cond3A : i32
      scf.if %cond3A_210 {
        %dma_wait3A_544 = arith.constant 0 : i32
        %dma_wait3A_545 = arith.constant 0 : i32
        %dma_wait3A_546 = arith.constant 0 : i32
        %dma_wait3A_547 = tpu.memref_slice %arg4[%dma_wait3A_544, %dma_wait3A_545, %dma_wait3A_546] : memref<4x8192x1024xf32, #tpu.memory_space<hbm>> -> memref<1x8x1024xf32, #tpu.memory_space<hbm>>
        %dma_wait3A_548 = tpu.memref_squeeze %dma_wait3A_547 : memref<1x8x1024xf32, #tpu.memory_space<hbm>> -> memref<8x1024xf32, #tpu.memory_space<hbm>>
        %dma_wait3A_549 = arith.constant 0 : i32
        %dma_wait3A_550 = arith.constant 0 : i32
        %dma_wait3A_551 = tpu.memref_slice %arg4[%dma_wait3A_544, %dma_wait3A_549, %dma_wait3A_550] : memref<4x8192x1024xf32, #tpu.memory_space<hbm>> -> memref<1x8x1024xf32, #tpu.memory_space<hbm>>
        %dma_wait3A_552 = tpu.memref_squeeze %dma_wait3A_551 : memref<1x8x1024xf32, #tpu.memory_space<hbm>> -> memref<8x1024xf32, #tpu.memory_space<hbm>>
        tpu.wait_dma2 semaphore(%arg27 : memref<!tpu.dma_semaphore, #tpu.memory_space<semaphore_mem>>) src(%arg9 : memref<8x1024xf32, #tpu.memory_space<vmem>>) dst(%dma_wait3A_552 : memref<8x1024xf32, #tpu.memory_space<hbm>>)
        %mul3A_553 = arith.constant 8 : i32
        %mul3A_554 = arith.muli %min3A_208, %mul3A_553 : i32
        %add3A_555 = arith.addi %mul3A_2, %mul3A_554 : i32
        %dma_start3A_556 = arith.constant 0 : i32
        %dma_start3A_557 = arith.constant 0 : i32
        %dma_start3A_558 = tpu.memref_slice %arg2[%dma_start3A_556, %add3A_555, %dma_start3A_557] : memref<4x8192x1024xf32, #tpu.memory_space<hbm>> -> memref<1x8x1024xf32, #tpu.memory_space<hbm>>
        %dma_start3A_559 = tpu.memref_squeeze %dma_start3A_558 : memref<1x8x1024xf32, #tpu.memory_space<hbm>> -> memref<8x1024xf32, #tpu.memory_space<hbm>>
        %dma_start3A_560 = arith.constant 0 : i32
        %dma_start3A_561 = tpu.memref_slice %arg2[%dma_start3A_556, %add3A_555, %dma_start3A_560] : memref<4x8192x1024xf32, #tpu.memory_space<hbm>> -> memref<1x8x1024xf32, #tpu.memory_space<hbm>>
        %dma_start3A_562 = tpu.memref_squeeze %dma_start3A_561 : memref<1x8x1024xf32, #tpu.memory_space<hbm>> -> memref<8x1024xf32, #tpu.memory_space<hbm>>
        tpu.enqueue_dma source(%dma_start3A_562 : memref<8x1024xf32, #tpu.memory_space<hbm>>) target(%arg9 : memref<8x1024xf32, #tpu.memory_space<vmem>>) target_semaphore(%arg19 : memref<!tpu.dma_semaphore, #tpu.memory_space<semaphore_mem>>)
      } else {
      }
      %mul3A_211 = arith.constant 2 : i32
      %mul3A_212 = arith.muli %mul3A_211, %scan3A_174 : i32
      %add3A_213 = arith.constant 0 : i32
      %add3A_214 = arith.addi %mul3A_212, %add3A_213 : i32
      %dma_wait3A_215 = arith.constant 0 : i32
      %dma_wait3A_216 = arith.constant 0 : i32
      %dma_wait3A_217 = arith.constant 0 : i32
      %dma_wait3A_218 = tpu.memref_slice %arg2[%dma_wait3A_215, %dma_wait3A_216, %dma_wait3A_217] : memref<4x8192x1024xf32, #tpu.memory_space<hbm>> -> memref<1x8x1024xf32, #tpu.memory_space<hbm>>
      %dma_wait3A_219 = tpu.memref_squeeze %dma_wait3A_218 : memref<1x8x1024xf32, #tpu.memory_space<hbm>> -> memref<8x1024xf32, #tpu.memory_space<hbm>>
      %dma_wait3A_220 = arith.constant 0 : i32
      %dma_wait3A_221 = arith.constant 0 : i32
      %dma_wait3A_222 = tpu.memref_slice %arg2[%dma_wait3A_215, %dma_wait3A_220, %dma_wait3A_221] : memref<4x8192x1024xf32, #tpu.memory_space<hbm>> -> memref<1x8x1024xf32, #tpu.memory_space<hbm>>
      %dma_wait3A_223 = tpu.memref_squeeze %dma_wait3A_222 : memref<1x8x1024xf32, #tpu.memory_space<hbm>> -> memref<8x1024xf32, #tpu.memory_space<hbm>>
      tpu.wait_dma2 semaphore(%arg16 : memref<!tpu.dma_semaphore, #tpu.memory_space<semaphore_mem>>) src(%dma_wait3A_223 : memref<8x1024xf32, #tpu.memory_space<hbm>>) dst(%arg6 : memref<8x1024xf32, #tpu.memory_space<vmem>>)
      %parallel_loop3A_224 = arith.constant 0 : i32
      %parallel_loop3A_225 = arith.constant 1024 : i32
      %parallel_loop3A_226 = arith.constant 16 : i32
      scf.for %parallel_loop3A_544 = %parallel_loop3A_224 to %parallel_loop3A_225 step %parallel_loop3A_226  : i32 {
        %parallel_loop3A_545 = arith.constant 0 : i32
        %parallel_loop3A_546 = arith.index_cast %parallel_loop3A_545 : i32 to index
        %parallel_loop3A_547 = arith.index_cast %parallel_loop3A_544 : i32 to index
        %parallel_loop3A_548 = tpu.vector_load %arg13[%parallel_loop3A_546, %parallel_loop3A_547] {strides = array<i32>} : memref<8x1024xf32, #tpu.memory_space<vmem>>, vector<1x16xf32>,
        %parallel_loop3A_549 = vector.shape_cast %parallel_loop3A_548 : vector<1x16xf32> to vector<16xf32>
        %parallel_loop3A_550 = arith.constant 0 : i32
        %parallel_loop3A_551 = arith.index_cast %parallel_loop3A_550 : i32 to index
        %parallel_loop3A_552 = arith.index_cast %parallel_loop3A_544 : i32 to index
        %parallel_loop3A_553 = tpu.vector_load %arg6[%parallel_loop3A_551, %parallel_loop3A_552] {strides = array<i32>} : memref<8x1024xf32, #tpu.memory_space<vmem>>, vector<1x16xf32>,
        %parallel_loop3A_554 = vector.shape_cast %parallel_loop3A_553 : vector<1x16xf32> to vector<16xf32>
        %parallel_loop3A_555 = vector.shape_cast %parallel_loop3A_549 : vector<16xf32> to vector<1x16xf32>
        tpu.vector_store %arg6[%parallel_loop3A_551, %parallel_loop3A_552], %parallel_loop3A_555 {add = true, strides = array<i32>} : memref<8x1024xf32, #tpu.memory_space<vmem>>, vector<1x16xf32>,
        %parallel_loop3A_556 = arith.constant 1 : i32
        %parallel_loop3A_557 = arith.index_cast %parallel_loop3A_556 : i32 to index
        %parallel_loop3A_558 = arith.index_cast %parallel_loop3A_544 : i32 to index
        %parallel_loop3A_559 = tpu.vector_load %arg13[%parallel_loop3A_557, %parallel_loop3A_558] {strides = array<i32>} : memref<8x1024xf32, #tpu.memory_space<vmem>>, vector<1x16xf32>,
        %parallel_loop3A_560 = vector.shape_cast %parallel_loop3A_559 : vector<1x16xf32> to vector<16xf32>
        %parallel_loop3A_561 = arith.constant 1 : i32
        %parallel_loop3A_562 = arith.index_cast %parallel_loop3A_561 : i32 to index
        %parallel_loop3A_563 = arith.index_cast %parallel_loop3A_544 : i32 to index
        %parallel_loop3A_564 = tpu.vector_load %arg6[%parallel_loop3A_562, %parallel_loop3A_563] {strides = array<i32>} : memref<8x1024xf32, #tpu.memory_space<vmem>>, vector<1x16xf32>,
        %parallel_loop3A_565 = vector.shape_cast %parallel_loop3A_564 : vector<1x16xf32> to vector<16xf32>
        %parallel_loop3A_566 = vector.shape_cast %parallel_loop3A_560 : vector<16xf32> to vector<1x16xf32>
        tpu.vector_store %arg6[%parallel_loop3A_562, %parallel_loop3A_563], %parallel_loop3A_566 {add = true, strides = array<i32>} : memref<8x1024xf32, #tpu.memory_space<vmem>>, vector<1x16xf32>,
        %parallel_loop3A_567 = arith.constant 2 : i32
        %parallel_loop3A_568 = arith.index_cast %parallel_loop3A_567 : i32 to index
        %parallel_loop3A_569 = arith.index_cast %parallel_loop3A_544 : i32 to index
        %parallel_loop3A_570 = tpu.vector_load %arg13[%parallel_loop3A_568, %parallel_loop3A_569] {strides = array<i32>} : memref<8x1024xf32, #tpu.memory_space<vmem>>, vector<1x16xf32>,
        %parallel_loop3A_571 = vector.shape_cast %parallel_loop3A_570 : vector<1x16xf32> to vector<16xf32>
        %parallel_loop3A_572 = arith.constant 2 : i32
        %parallel_loop3A_573 = arith.index_cast %parallel_loop3A_572 : i32 to index
        %parallel_loop3A_574 = arith.index_cast %parallel_loop3A_544 : i32 to index
        %parallel_loop3A_575 = tpu.vector_load %arg6[%parallel_loop3A_573, %parallel_loop3A_574] {strides = array<i32>} : memref<8x1024xf32, #tpu.memory_space<vmem>>, vector<1x16xf32>,
        %parallel_loop3A_576 = vector.shape_cast %parallel_loop3A_575 : vector<1x16xf32> to vector<16xf32>
        %parallel_loop3A_577 = vector.shape_cast %parallel_loop3A_571 : vector<16xf32> to vector<1x16xf32>
        tpu.vector_store %arg6[%parallel_loop3A_573, %parallel_loop3A_574], %parallel_loop3A_577 {add = true, strides = array<i32>} : memref<8x1024xf32, #tpu.memory_space<vmem>>, vector<1x16xf32>,
        %parallel_loop3A_578 = arith.constant 3 : i32
        %parallel_loop3A_579 = arith.index_cast %parallel_loop3A_578 : i32 to index
        %parallel_loop3A_580 = arith.index_cast %parallel_loop3A_544 : i32 to index
        %parallel_loop3A_581 = tpu.vector_load %arg13[%parallel_loop3A_579, %parallel_loop3A_580] {strides = array<i32>} : memref<8x1024xf32, #tpu.memory_space<vmem>>, vector<1x16xf32>,
        %parallel_loop3A_582 = vector.shape_cast %parallel_loop3A_581 : vector<1x16xf32> to vector<16xf32>
        %parallel_loop3A_583 = arith.constant 3 : i32
        %parallel_loop3A_584 = arith.index_cast %parallel_loop3A_583 : i32 to index
        %parallel_loop3A_585 = arith.index_cast %parallel_loop3A_544 : i32 to index
        %parallel_loop3A_586 = tpu.vector_load %arg6[%parallel_loop3A_584, %parallel_loop3A_585] {strides = array<i32>} : memref<8x1024xf32, #tpu.memory_space<vmem>>, vector<1x16xf32>,
        %parallel_loop3A_587 = vector.shape_cast %parallel_loop3A_586 : vector<1x16xf32> to vector<16xf32>
        %parallel_loop3A_588 = vector.shape_cast %parallel_loop3A_582 : vector<16xf32> to vector<1x16xf32>
        tpu.vector_store %arg6[%parallel_loop3A_584, %parallel_loop3A_585], %parallel_loop3A_588 {add = true, strides = array<i32>} : memref<8x1024xf32, #tpu.memory_space<vmem>>, vector<1x16xf32>,
        %parallel_loop3A_589 = arith.constant 4 : i32
        %parallel_loop3A_590 = arith.index_cast %parallel_loop3A_589 : i32 to index
        %parallel_loop3A_591 = arith.index_cast %parallel_loop3A_544 : i32 to index
        %parallel_loop3A_592 = tpu.vector_load %arg13[%parallel_loop3A_590, %parallel_loop3A_591] {strides = array<i32>} : memref<8x1024xf32, #tpu.memory_space<vmem>>, vector<1x16xf32>,
        %parallel_loop3A_593 = vector.shape_cast %parallel_loop3A_592 : vector<1x16xf32> to vector<16xf32>
        %parallel_loop3A_594 = arith.constant 4 : i32
        %parallel_loop3A_595 = arith.index_cast %parallel_loop3A_594 : i32 to index
        %parallel_loop3A_596 = arith.index_cast %parallel_loop3A_544 : i32 to index
        %parallel_loop3A_597 = tpu.vector_load %arg6[%parallel_loop3A_595, %parallel_loop3A_596] {strides = array<i32>} : memref<8x1024xf32, #tpu.memory_space<vmem>>, vector<1x16xf32>,
        %parallel_loop3A_598 = vector.shape_cast %parallel_loop3A_597 : vector<1x16xf32> to vector<16xf32>
        %parallel_loop3A_599 = vector.shape_cast %parallel_loop3A_593 : vector<16xf32> to vector<1x16xf32>
        tpu.vector_store %arg6[%parallel_loop3A_595, %parallel_loop3A_596], %parallel_loop3A_599 {add = true, strides = array<i32>} : memref<8x1024xf32, #tpu.memory_space<vmem>>, vector<1x16xf32>,
        %parallel_loop3A_600 = arith.constant 5 : i32
        %parallel_loop3A_601 = arith.index_cast %parallel_loop3A_600 : i32 to index
        %parallel_loop3A_602 = arith.index_cast %parallel_loop3A_544 : i32 to index
        %parallel_loop3A_603 = tpu.vector_load %arg13[%parallel_loop3A_601, %parallel_loop3A_602] {strides = array<i32>} : memref<8x1024xf32, #tpu.memory_space<vmem>>, vector<1x16xf32>,
        %parallel_loop3A_604 = vector.shape_cast %parallel_loop3A_603 : vector<1x16xf32> to vector<16xf32>
        %parallel_loop3A_605 = arith.constant 5 : i32
        %parallel_loop3A_606 = arith.index_cast %parallel_loop3A_605 : i32 to index
        %parallel_loop3A_607 = arith.index_cast %parallel_loop3A_544 : i32 to index
        %parallel_loop3A_608 = tpu.vector_load %arg6[%parallel_loop3A_606, %parallel_loop3A_607] {strides = array<i32>} : memref<8x1024xf32, #tpu.memory_space<vmem>>, vector<1x16xf32>,
        %parallel_loop3A_609 = vector.shape_cast %parallel_loop3A_608 : vector<1x16xf32> to vector<16xf32>
        %parallel_loop3A_610 = vector.shape_cast %parallel_loop3A_604 : vector<16xf32> to vector<1x16xf32>
        tpu.vector_store %arg6[%parallel_loop3A_606, %parallel_loop3A_607], %parallel_loop3A_610 {add = true, strides = array<i32>} : memref<8x1024xf32, #tpu.memory_space<vmem>>, vector<1x16xf32>,
        %parallel_loop3A_611 = arith.constant 6 : i32
        %parallel_loop3A_612 = arith.index_cast %parallel_loop3A_611 : i32 to index
        %parallel_loop3A_613 = arith.index_cast %parallel_loop3A_544 : i32 to index
        %parallel_loop3A_614 = tpu.vector_load %arg13[%parallel_loop3A_612, %parallel_loop3A_613] {strides = array<i32>} : memref<8x1024xf32, #tpu.memory_space<vmem>>, vector<1x16xf32>,
        %parallel_loop3A_615 = vector.shape_cast %parallel_loop3A_614 : vector<1x16xf32> to vector<16xf32>
        %parallel_loop3A_616 = arith.constant 6 : i32
        %parallel_loop3A_617 = arith.index_cast %parallel_loop3A_616 : i32 to index
        %parallel_loop3A_618 = arith.index_cast %parallel_loop3A_544 : i32 to index
        %parallel_loop3A_619 = tpu.vector_load %arg6[%parallel_loop3A_617, %parallel_loop3A_618] {strides = array<i32>} : memref<8x1024xf32, #tpu.memory_space<vmem>>, vector<1x16xf32>,
        %parallel_loop3A_620 = vector.shape_cast %parallel_loop3A_619 : vector<1x16xf32> to vector<16xf32>
        %parallel_loop3A_621 = vector.shape_cast %parallel_loop3A_615 : vector<16xf32> to vector<1x16xf32>
        tpu.vector_store %arg6[%parallel_loop3A_617, %parallel_loop3A_618], %parallel_loop3A_621 {add = true, strides = array<i32>} : memref<8x1024xf32, #tpu.memory_space<vmem>>, vector<1x16xf32>,
        %parallel_loop3A_622 = arith.constant 7 : i32
        %parallel_loop3A_623 = arith.index_cast %parallel_loop3A_622 : i32 to index
        %parallel_loop3A_624 = arith.index_cast %parallel_loop3A_544 : i32 to index
        %parallel_loop3A_625 = tpu.vector_load %arg13[%parallel_loop3A_623, %parallel_loop3A_624] {strides = array<i32>} : memref<8x1024xf32, #tpu.memory_space<vmem>>, vector<1x16xf32>,
        %parallel_loop3A_626 = vector.shape_cast %parallel_loop3A_625 : vector<1x16xf32> to vector<16xf32>
        %parallel_loop3A_627 = arith.constant 7 : i32
        %parallel_loop3A_628 = arith.index_cast %parallel_loop3A_627 : i32 to index
        %parallel_loop3A_629 = arith.index_cast %parallel_loop3A_544 : i32 to index
        %parallel_loop3A_630 = tpu.vector_load %arg6[%parallel_loop3A_628, %parallel_loop3A_629] {strides = array<i32>} : memref<8x1024xf32, #tpu.memory_space<vmem>>, vector<1x16xf32>,
        %parallel_loop3A_631 = vector.shape_cast %parallel_loop3A_630 : vector<1x16xf32> to vector<16xf32>
        %parallel_loop3A_632 = vector.shape_cast %parallel_loop3A_626 : vector<16xf32> to vector<1x16xf32>
        tpu.vector_store %arg6[%parallel_loop3A_628, %parallel_loop3A_629], %parallel_loop3A_632 {add = true, strides = array<i32>} : memref<8x1024xf32, #tpu.memory_space<vmem>>, vector<1x16xf32>,
      } {sc.loop_unroll_factor = 4 : i64, sc.parallel_access}
      %mul3A_227 = arith.constant 8 : i32
      %mul3A_228 = arith.muli %add3A_214, %mul3A_227 : i32
      %add3A_229 = arith.addi %mul3A_2, %mul3A_228 : i32
      %dma_start3A_230 = arith.constant 1 : i32
      %dma_start3A_231 = arith.constant 0 : i32
      %dma_start3A_232 = tpu.memref_slice %arg4[%dma_start3A_230, %add3A_229, %dma_start3A_231] : memref<4x8192x1024xf32, #tpu.memory_space<hbm>> -> memref<1x8x1024xf32, #tpu.memory_space<hbm>>
      %dma_start3A_233 = tpu.memref_squeeze %dma_start3A_232 : memref<1x8x1024xf32, #tpu.memory_space<hbm>> -> memref<8x1024xf32, #tpu.memory_space<hbm>>
      %dma_start3A_234 = arith.constant 0 : i32
      %dma_start3A_235 = tpu.memref_slice %arg4[%dma_start3A_230, %add3A_229, %dma_start3A_234] : memref<4x8192x1024xf32, #tpu.memory_space<hbm>> -> memref<1x8x1024xf32, #tpu.memory_space<hbm>>
      %dma_start3A_236 = tpu.memref_squeeze %dma_start3A_235 : memref<1x8x1024xf32, #tpu.memory_space<hbm>> -> memref<8x1024xf32, #tpu.memory_space<hbm>>
      tpu.enqueue_dma source(%arg6 : memref<8x1024xf32, #tpu.memory_space<vmem>>) target(%dma_start3A_236 : memref<8x1024xf32, #tpu.memory_space<hbm>>) target_semaphore(%arg24 : memref<!tpu.dma_semaphore, #tpu.memory_space<semaphore_mem>>)
      %add3A_237 = arith.constant 1 : i32
      %add3A_238 = arith.addi %add3A_214, %add3A_237 : i32
      %min3A_239 = arith.constant 31 : i32
      %min3A_240 = arith.minsi %add3A_238, %min3A_239 : i32
      %gt3A_241 = arith.constant 0 : i32
      %gt3A_242 = arith.cmpi sgt, %scan3A_174, %gt3A_241 : i32
      %convert_element_type3A_243 = arith.extui %gt3A_242 : i1 to i32
      %cond3A_244 = arith.constant 0 : i32
      %cond3A_245 = arith.cmpi ne, %convert_element_type3A_243, %cond3A_244 : i32
      scf.if %cond3A_245 {
        %dma_wait3A_544 = arith.constant 0 : i32
        %dma_wait3A_545 = arith.constant 0 : i32
        %dma_wait3A_546 = arith.constant 0 : i32
        %dma_wait3A_547 = tpu.memref_slice %arg4[%dma_wait3A_544, %dma_wait3A_545, %dma_wait3A_546] : memref<4x8192x1024xf32, #tpu.memory_space<hbm>> -> memref<1x8x1024xf32, #tpu.memory_space<hbm>>
        %dma_wait3A_548 = tpu.memref_squeeze %dma_wait3A_547 : memref<1x8x1024xf32, #tpu.memory_space<hbm>> -> memref<8x1024xf32, #tpu.memory_space<hbm>>
        %dma_wait3A_549 = arith.constant 0 : i32
        %dma_wait3A_550 = arith.constant 0 : i32
        %dma_wait3A_551 = tpu.memref_slice %arg4[%dma_wait3A_544, %dma_wait3A_549, %dma_wait3A_550] : memref<4x8192x1024xf32, #tpu.memory_space<hbm>> -> memref<1x8x1024xf32, #tpu.memory_space<hbm>>
        %dma_wait3A_552 = tpu.memref_squeeze %dma_wait3A_551 : memref<1x8x1024xf32, #tpu.memory_space<hbm>> -> memref<8x1024xf32, #tpu.memory_space<hbm>>
        tpu.wait_dma2 semaphore(%arg28 : memref<!tpu.dma_semaphore, #tpu.memory_space<semaphore_mem>>) src(%arg10 : memref<8x1024xf32, #tpu.memory_space<vmem>>) dst(%dma_wait3A_552 : memref<8x1024xf32, #tpu.memory_space<hbm>>)
        %mul3A_553 = arith.constant 8 : i32
        %mul3A_554 = arith.muli %min3A_240, %mul3A_553 : i32
        %add3A_555 = arith.addi %mul3A_2, %mul3A_554 : i32
        %dma_start3A_556 = arith.constant 1 : i32
        %dma_start3A_557 = arith.constant 0 : i32
        %dma_start3A_558 = tpu.memref_slice %arg2[%dma_start3A_556, %add3A_555, %dma_start3A_557] : memref<4x8192x1024xf32, #tpu.memory_space<hbm>> -> memref<1x8x1024xf32, #tpu.memory_space<hbm>>
        %dma_start3A_559 = tpu.memref_squeeze %dma_start3A_558 : memref<1x8x1024xf32, #tpu.memory_space<hbm>> -> memref<8x1024xf32, #tpu.memory_space<hbm>>
        %dma_start3A_560 = arith.constant 0 : i32
        %dma_start3A_561 = tpu.memref_slice %arg2[%dma_start3A_556, %add3A_555, %dma_start3A_560] : memref<4x8192x1024xf32, #tpu.memory_space<hbm>> -> memref<1x8x1024xf32, #tpu.memory_space<hbm>>
        %dma_start3A_562 = tpu.memref_squeeze %dma_start3A_561 : memref<1x8x1024xf32, #tpu.memory_space<hbm>> -> memref<8x1024xf32, #tpu.memory_space<hbm>>
        tpu.enqueue_dma source(%dma_start3A_562 : memref<8x1024xf32, #tpu.memory_space<hbm>>) target(%arg10 : memref<8x1024xf32, #tpu.memory_space<vmem>>) target_semaphore(%arg20 : memref<!tpu.dma_semaphore, #tpu.memory_space<semaphore_mem>>)
      } else {
      }
      %mul3A_246 = arith.constant 2 : i32
      %mul3A_247 = arith.muli %mul3A_246, %scan3A_174 : i32
      %add3A_248 = arith.constant 0 : i32
      %add3A_249 = arith.addi %mul3A_247, %add3A_248 : i32
      %dma_wait3A_250 = arith.constant 0 : i32
      %dma_wait3A_251 = arith.constant 0 : i32
      %dma_wait3A_252 = arith.constant 0 : i32
      %dma_wait3A_253 = tpu.memref_slice %arg2[%dma_wait3A_250, %dma_wait3A_251, %dma_wait3A_252] : memref<4x8192x1024xf32, #tpu.memory_space<hbm>> -> memref<1x8x1024xf32, #tpu.memory_space<hbm>>
      %dma_wait3A_254 = tpu.memref_squeeze %dma_wait3A_253 : memref<1x8x1024xf32, #tpu.memory_space<hbm>> -> memref<8x1024xf32, #tpu.memory_space<hbm>>
      %dma_wait3A_255 = arith.constant 0 : i32
      %dma_wait3A_256 = arith.constant 0 : i32
      %dma_wait3A_257 = tpu.memref_slice %arg2[%dma_wait3A_250, %dma_wait3A_255, %dma_wait3A_256] : memref<4x8192x1024xf32, #tpu.memory_space<hbm>> -> memref<1x8x1024xf32, #tpu.memory_space<hbm>>
      %dma_wait3A_258 = tpu.memref_squeeze %dma_wait3A_257 : memref<1x8x1024xf32, #tpu.memory_space<hbm>> -> memref<8x1024xf32, #tpu.memory_space<hbm>>
      tpu.wait_dma2 semaphore(%arg17 : memref<!tpu.dma_semaphore, #tpu.memory_space<semaphore_mem>>) src(%dma_wait3A_258 : memref<8x1024xf32, #tpu.memory_space<hbm>>) dst(%arg7 : memref<8x1024xf32, #tpu.memory_space<vmem>>)
      %parallel_loop3A_259 = arith.constant 0 : i32
      %parallel_loop3A_260 = arith.constant 1024 : i32
      %parallel_loop3A_261 = arith.constant 16 : i32
      scf.for %parallel_loop3A_544 = %parallel_loop3A_259 to %parallel_loop3A_260 step %parallel_loop3A_261  : i32 {
        %parallel_loop3A_545 = arith.constant 0 : i32
        %parallel_loop3A_546 = arith.index_cast %parallel_loop3A_545 : i32 to index
        %parallel_loop3A_547 = arith.index_cast %parallel_loop3A_544 : i32 to index
        %parallel_loop3A_548 = tpu.vector_load %arg13[%parallel_loop3A_546, %parallel_loop3A_547] {strides = array<i32>} : memref<8x1024xf32, #tpu.memory_space<vmem>>, vector<1x16xf32>,
        %parallel_loop3A_549 = vector.shape_cast %parallel_loop3A_548 : vector<1x16xf32> to vector<16xf32>
        %parallel_loop3A_550 = arith.constant 0 : i32
        %parallel_loop3A_551 = arith.index_cast %parallel_loop3A_550 : i32 to index
        %parallel_loop3A_552 = arith.index_cast %parallel_loop3A_544 : i32 to index
        %parallel_loop3A_553 = tpu.vector_load %arg7[%parallel_loop3A_551, %parallel_loop3A_552] {strides = array<i32>} : memref<8x1024xf32, #tpu.memory_space<vmem>>, vector<1x16xf32>,
        %parallel_loop3A_554 = vector.shape_cast %parallel_loop3A_553 : vector<1x16xf32> to vector<16xf32>
        %parallel_loop3A_555 = vector.shape_cast %parallel_loop3A_549 : vector<16xf32> to vector<1x16xf32>
        tpu.vector_store %arg7[%parallel_loop3A_551, %parallel_loop3A_552], %parallel_loop3A_555 {add = true, strides = array<i32>} : memref<8x1024xf32, #tpu.memory_space<vmem>>, vector<1x16xf32>,
        %parallel_loop3A_556 = arith.constant 1 : i32
        %parallel_loop3A_557 = arith.index_cast %parallel_loop3A_556 : i32 to index
        %parallel_loop3A_558 = arith.index_cast %parallel_loop3A_544 : i32 to index
        %parallel_loop3A_559 = tpu.vector_load %arg13[%parallel_loop3A_557, %parallel_loop3A_558] {strides = array<i32>} : memref<8x1024xf32, #tpu.memory_space<vmem>>, vector<1x16xf32>,
        %parallel_loop3A_560 = vector.shape_cast %parallel_loop3A_559 : vector<1x16xf32> to vector<16xf32>
        %parallel_loop3A_561 = arith.constant 1 : i32
        %parallel_loop3A_562 = arith.index_cast %parallel_loop3A_561 : i32 to index
        %parallel_loop3A_563 = arith.index_cast %parallel_loop3A_544 : i32 to index
        %parallel_loop3A_564 = tpu.vector_load %arg7[%parallel_loop3A_562, %parallel_loop3A_563] {strides = array<i32>} : memref<8x1024xf32, #tpu.memory_space<vmem>>, vector<1x16xf32>,
        %parallel_loop3A_565 = vector.shape_cast %parallel_loop3A_564 : vector<1x16xf32> to vector<16xf32>
        %parallel_loop3A_566 = vector.shape_cast %parallel_loop3A_560 : vector<16xf32> to vector<1x16xf32>
        tpu.vector_store %arg7[%parallel_loop3A_562, %parallel_loop3A_563], %parallel_loop3A_566 {add = true, strides = array<i32>} : memref<8x1024xf32, #tpu.memory_space<vmem>>, vector<1x16xf32>,
        %parallel_loop3A_567 = arith.constant 2 : i32
        %parallel_loop3A_568 = arith.index_cast %parallel_loop3A_567 : i32 to index
        %parallel_loop3A_569 = arith.index_cast %parallel_loop3A_544 : i32 to index
        %parallel_loop3A_570 = tpu.vector_load %arg13[%parallel_loop3A_568, %parallel_loop3A_569] {strides = array<i32>} : memref<8x1024xf32, #tpu.memory_space<vmem>>, vector<1x16xf32>,
        %parallel_loop3A_571 = vector.shape_cast %parallel_loop3A_570 : vector<1x16xf32> to vector<16xf32>
        %parallel_loop3A_572 = arith.constant 2 : i32
        %parallel_loop3A_573 = arith.index_cast %parallel_loop3A_572 : i32 to index
        %parallel_loop3A_574 = arith.index_cast %parallel_loop3A_544 : i32 to index
        %parallel_loop3A_575 = tpu.vector_load %arg7[%parallel_loop3A_573, %parallel_loop3A_574] {strides = array<i32>} : memref<8x1024xf32, #tpu.memory_space<vmem>>, vector<1x16xf32>,
        %parallel_loop3A_576 = vector.shape_cast %parallel_loop3A_575 : vector<1x16xf32> to vector<16xf32>
        %parallel_loop3A_577 = vector.shape_cast %parallel_loop3A_571 : vector<16xf32> to vector<1x16xf32>
        tpu.vector_store %arg7[%parallel_loop3A_573, %parallel_loop3A_574], %parallel_loop3A_577 {add = true, strides = array<i32>} : memref<8x1024xf32, #tpu.memory_space<vmem>>, vector<1x16xf32>,
        %parallel_loop3A_578 = arith.constant 3 : i32
        %parallel_loop3A_579 = arith.index_cast %parallel_loop3A_578 : i32 to index
        %parallel_loop3A_580 = arith.index_cast %parallel_loop3A_544 : i32 to index
        %parallel_loop3A_581 = tpu.vector_load %arg13[%parallel_loop3A_579, %parallel_loop3A_580] {strides = array<i32>} : memref<8x1024xf32, #tpu.memory_space<vmem>>, vector<1x16xf32>,
        %parallel_loop3A_582 = vector.shape_cast %parallel_loop3A_581 : vector<1x16xf32> to vector<16xf32>
        %parallel_loop3A_583 = arith.constant 3 : i32
        %parallel_loop3A_584 = arith.index_cast %parallel_loop3A_583 : i32 to index
        %parallel_loop3A_585 = arith.index_cast %parallel_loop3A_544 : i32 to index
        %parallel_loop3A_586 = tpu.vector_load %arg7[%parallel_loop3A_584, %parallel_loop3A_585] {strides = array<i32>} : memref<8x1024xf32, #tpu.memory_space<vmem>>, vector<1x16xf32>,
        %parallel_loop3A_587 = vector.shape_cast %parallel_loop3A_586 : vector<1x16xf32> to vector<16xf32>
        %parallel_loop3A_588 = vector.shape_cast %parallel_loop3A_582 : vector<16xf32> to vector<1x16xf32>
        tpu.vector_store %arg7[%parallel_loop3A_584, %parallel_loop3A_585], %parallel_loop3A_588 {add = true, strides = array<i32>} : memref<8x1024xf32, #tpu.memory_space<vmem>>, vector<1x16xf32>,
        %parallel_loop3A_589 = arith.constant 4 : i32
        %parallel_loop3A_590 = arith.index_cast %parallel_loop3A_589 : i32 to index
        %parallel_loop3A_591 = arith.index_cast %parallel_loop3A_544 : i32 to index
        %parallel_loop3A_592 = tpu.vector_load %arg13[%parallel_loop3A_590, %parallel_loop3A_591] {strides = array<i32>} : memref<8x1024xf32, #tpu.memory_space<vmem>>, vector<1x16xf32>,
        %parallel_loop3A_593 = vector.shape_cast %parallel_loop3A_592 : vector<1x16xf32> to vector<16xf32>
        %parallel_loop3A_594 = arith.constant 4 : i32
        %parallel_loop3A_595 = arith.index_cast %parallel_loop3A_594 : i32 to index
        %parallel_loop3A_596 = arith.index_cast %parallel_loop3A_544 : i32 to index
        %parallel_loop3A_597 = tpu.vector_load %arg7[%parallel_loop3A_595, %parallel_loop3A_596] {strides = array<i32>} : memref<8x1024xf32, #tpu.memory_space<vmem>>, vector<1x16xf32>,
        %parallel_loop3A_598 = vector.shape_cast %parallel_loop3A_597 : vector<1x16xf32> to vector<16xf32>
        %parallel_loop3A_599 = vector.shape_cast %parallel_loop3A_593 : vector<16xf32> to vector<1x16xf32>
        tpu.vector_store %arg7[%parallel_loop3A_595, %parallel_loop3A_596], %parallel_loop3A_599 {add = true, strides = array<i32>} : memref<8x1024xf32, #tpu.memory_space<vmem>>, vector<1x16xf32>,
        %parallel_loop3A_600 = arith.constant 5 : i32
        %parallel_loop3A_601 = arith.index_cast %parallel_loop3A_600 : i32 to index
        %parallel_loop3A_602 = arith.index_cast %parallel_loop3A_544 : i32 to index
        %parallel_loop3A_603 = tpu.vector_load %arg13[%parallel_loop3A_601, %parallel_loop3A_602] {strides = array<i32>} : memref<8x1024xf32, #tpu.memory_space<vmem>>, vector<1x16xf32>,
        %parallel_loop3A_604 = vector.shape_cast %parallel_loop3A_603 : vector<1x16xf32> to vector<16xf32>
        %parallel_loop3A_605 = arith.constant 5 : i32
        %parallel_loop3A_606 = arith.index_cast %parallel_loop3A_605 : i32 to index
        %parallel_loop3A_607 = arith.index_cast %parallel_loop3A_544 : i32 to index
        %parallel_loop3A_608 = tpu.vector_load %arg7[%parallel_loop3A_606, %parallel_loop3A_607] {strides = array<i32>} : memref<8x1024xf32, #tpu.memory_space<vmem>>, vector<1x16xf32>,
        %parallel_loop3A_609 = vector.shape_cast %parallel_loop3A_608 : vector<1x16xf32> to vector<16xf32>
        %parallel_loop3A_610 = vector.shape_cast %parallel_loop3A_604 : vector<16xf32> to vector<1x16xf32>
        tpu.vector_store %arg7[%parallel_loop3A_606, %parallel_loop3A_607], %parallel_loop3A_610 {add = true, strides = array<i32>} : memref<8x1024xf32, #tpu.memory_space<vmem>>, vector<1x16xf32>,
        %parallel_loop3A_611 = arith.constant 6 : i32
        %parallel_loop3A_612 = arith.index_cast %parallel_loop3A_611 : i32 to index
        %parallel_loop3A_613 = arith.index_cast %parallel_loop3A_544 : i32 to index
        %parallel_loop3A_614 = tpu.vector_load %arg13[%parallel_loop3A_612, %parallel_loop3A_613] {strides = array<i32>} : memref<8x1024xf32, #tpu.memory_space<vmem>>, vector<1x16xf32>,
        %parallel_loop3A_615 = vector.shape_cast %parallel_loop3A_614 : vector<1x16xf32> to vector<16xf32>
        %parallel_loop3A_616 = arith.constant 6 : i32
        %parallel_loop3A_617 = arith.index_cast %parallel_loop3A_616 : i32 to index
        %parallel_loop3A_618 = arith.index_cast %parallel_loop3A_544 : i32 to index
        %parallel_loop3A_619 = tpu.vector_load %arg7[%parallel_loop3A_617, %parallel_loop3A_618] {strides = array<i32>} : memref<8x1024xf32, #tpu.memory_space<vmem>>, vector<1x16xf32>,
        %parallel_loop3A_620 = vector.shape_cast %parallel_loop3A_619 : vector<1x16xf32> to vector<16xf32>
        %parallel_loop3A_621 = vector.shape_cast %parallel_loop3A_615 : vector<16xf32> to vector<1x16xf32>
        tpu.vector_store %arg7[%parallel_loop3A_617, %parallel_loop3A_618], %parallel_loop3A_621 {add = true, strides = array<i32>} : memref<8x1024xf32, #tpu.memory_space<vmem>>, vector<1x16xf32>,
        %parallel_loop3A_622 = arith.constant 7 : i32
        %parallel_loop3A_623 = arith.index_cast %parallel_loop3A_622 : i32 to index
        %parallel_loop3A_624 = arith.index_cast %parallel_loop3A_544 : i32 to index
        %parallel_loop3A_625 = tpu.vector_load %arg13[%parallel_loop3A_623, %parallel_loop3A_624] {strides = array<i32>} : memref<8x1024xf32, #tpu.memory_space<vmem>>, vector<1x16xf32>,
        %parallel_loop3A_626 = vector.shape_cast %parallel_loop3A_625 : vector<1x16xf32> to vector<16xf32>
        %parallel_loop3A_627 = arith.constant 7 : i32
        %parallel_loop3A_628 = arith.index_cast %parallel_loop3A_627 : i32 to index
        %parallel_loop3A_629 = arith.index_cast %parallel_loop3A_544 : i32 to index
        %parallel_loop3A_630 = tpu.vector_load %arg7[%parallel_loop3A_628, %parallel_loop3A_629] {strides = array<i32>} : memref<8x1024xf32, #tpu.memory_space<vmem>>, vector<1x16xf32>,
        %parallel_loop3A_631 = vector.shape_cast %parallel_loop3A_630 : vector<1x16xf32> to vector<16xf32>
        %parallel_loop3A_632 = vector.shape_cast %parallel_loop3A_626 : vector<16xf32> to vector<1x16xf32>
        tpu.vector_store %arg7[%parallel_loop3A_628, %parallel_loop3A_629], %parallel_loop3A_632 {add = true, strides = array<i32>} : memref<8x1024xf32, #tpu.memory_space<vmem>>, vector<1x16xf32>,
      } {sc.loop_unroll_factor = 4 : i64, sc.parallel_access}
      %mul3A_262 = arith.constant 8 : i32
      %mul3A_263 = arith.muli %add3A_249, %mul3A_262 : i32
      %add3A_264 = arith.addi %mul3A_2, %mul3A_263 : i32
      %dma_start3A_265 = arith.constant 2 : i32
      %dma_start3A_266 = arith.constant 0 : i32
      %dma_start3A_267 = tpu.memref_slice %arg4[%dma_start3A_265, %add3A_264, %dma_start3A_266] : memref<4x8192x1024xf32, #tpu.memory_space<hbm>> -> memref<1x8x1024xf32, #tpu.memory_space<hbm>>
      %dma_start3A_268 = tpu.memref_squeeze %dma_start3A_267 : memref<1x8x1024xf32, #tpu.memory_space<hbm>> -> memref<8x1024xf32, #tpu.memory_space<hbm>>
      %dma_start3A_269 = arith.constant 0 : i32
      %dma_start3A_270 = tpu.memref_slice %arg4[%dma_start3A_265, %add3A_264, %dma_start3A_269] : memref<4x8192x1024xf32, #tpu.memory_space<hbm>> -> memref<1x8x1024xf32, #tpu.memory_space<hbm>>
      %dma_start3A_271 = tpu.memref_squeeze %dma_start3A_270 : memref<1x8x1024xf32, #tpu.memory_space<hbm>> -> memref<8x1024xf32, #tpu.memory_space<hbm>>
      tpu.enqueue_dma source(%arg7 : memref<8x1024xf32, #tpu.memory_space<vmem>>) target(%dma_start3A_271 : memref<8x1024xf32, #tpu.memory_space<hbm>>) target_semaphore(%arg25 : memref<!tpu.dma_semaphore, #tpu.memory_space<semaphore_mem>>)
      %add3A_272 = arith.constant 1 : i32
      %add3A_273 = arith.addi %add3A_249, %add3A_272 : i32
      %min3A_274 = arith.constant 31 : i32
      %min3A_275 = arith.minsi %add3A_273, %min3A_274 : i32
      %gt3A_276 = arith.constant 0 : i32
      %gt3A_277 = arith.cmpi sgt, %scan3A_174, %gt3A_276 : i32
      %convert_element_type3A_278 = arith.extui %gt3A_277 : i1 to i32
      %cond3A_279 = arith.constant 0 : i32
      %cond3A_280 = arith.cmpi ne, %convert_element_type3A_278, %cond3A_279 : i32
      scf.if %cond3A_280 {
        %dma_wait3A_544 = arith.constant 0 : i32
        %dma_wait3A_545 = arith.constant 0 : i32
        %dma_wait3A_546 = arith.constant 0 : i32
        %dma_wait3A_547 = tpu.memref_slice %arg4[%dma_wait3A_544, %dma_wait3A_545, %dma_wait3A_546] : memref<4x8192x1024xf32, #tpu.memory_space<hbm>> -> memref<1x8x1024xf32, #tpu.memory_space<hbm>>
        %dma_wait3A_548 = tpu.memref_squeeze %dma_wait3A_547 : memref<1x8x1024xf32, #tpu.memory_space<hbm>> -> memref<8x1024xf32, #tpu.memory_space<hbm>>
        %dma_wait3A_549 = arith.constant 0 : i32
        %dma_wait3A_550 = arith.constant 0 : i32
        %dma_wait3A_551 = tpu.memref_slice %arg4[%dma_wait3A_544, %dma_wait3A_549, %dma_wait3A_550] : memref<4x8192x1024xf32, #tpu.memory_space<hbm>> -> memref<1x8x1024xf32, #tpu.memory_space<hbm>>
        %dma_wait3A_552 = tpu.memref_squeeze %dma_wait3A_551 : memref<1x8x1024xf32, #tpu.memory_space<hbm>> -> memref<8x1024xf32, #tpu.memory_space<hbm>>
        tpu.wait_dma2 semaphore(%arg29 : memref<!tpu.dma_semaphore, #tpu.memory_space<semaphore_mem>>) src(%arg11 : memref<8x1024xf32, #tpu.memory_space<vmem>>) dst(%dma_wait3A_552 : memref<8x1024xf32, #tpu.memory_space<hbm>>)
        %mul3A_553 = arith.constant 8 : i32
        %mul3A_554 = arith.muli %min3A_275, %mul3A_553 : i32
        %add3A_555 = arith.addi %mul3A_2, %mul3A_554 : i32
        %dma_start3A_556 = arith.constant 2 : i32
        %dma_start3A_557 = arith.constant 0 : i32
        %dma_start3A_558 = tpu.memref_slice %arg2[%dma_start3A_556, %add3A_555, %dma_start3A_557] : memref<4x8192x1024xf32, #tpu.memory_space<hbm>> -> memref<1x8x1024xf32, #tpu.memory_space<hbm>>
        %dma_start3A_559 = tpu.memref_squeeze %dma_start3A_558 : memref<1x8x1024xf32, #tpu.memory_space<hbm>> -> memref<8x1024xf32, #tpu.memory_space<hbm>>
        %dma_start3A_560 = arith.constant 0 : i32
        %dma_start3A_561 = tpu.memref_slice %arg2[%dma_start3A_556, %add3A_555, %dma_start3A_560] : memref<4x8192x1024xf32, #tpu.memory_space<hbm>> -> memref<1x8x1024xf32, #tpu.memory_space<hbm>>
        %dma_start3A_562 = tpu.memref_squeeze %dma_start3A_561 : memref<1x8x1024xf32, #tpu.memory_space<hbm>> -> memref<8x1024xf32, #tpu.memory_space<hbm>>
        tpu.enqueue_dma source(%dma_start3A_562 : memref<8x1024xf32, #tpu.memory_space<hbm>>) target(%arg11 : memref<8x1024xf32, #tpu.memory_space<vmem>>) target_semaphore(%arg21 : memref<!tpu.dma_semaphore, #tpu.memory_space<semaphore_mem>>)
      } else {
      }
      %mul3A_281 = arith.constant 2 : i32
      %mul3A_282 = arith.muli %mul3A_281, %scan3A_174 : i32
      %add3A_283 = arith.constant 0 : i32
      %add3A_284 = arith.addi %mul3A_282, %add3A_283 : i32
      %dma_wait3A_285 = arith.constant 0 : i32
      %dma_wait3A_286 = arith.constant 0 : i32
      %dma_wait3A_287 = arith.constant 0 : i32
      %dma_wait3A_288 = tpu.memref_slice %arg2[%dma_wait3A_285, %dma_wait3A_286, %dma_wait3A_287] : memref<4x8192x1024xf32, #tpu.memory_space<hbm>> -> memref<1x8x1024xf32, #tpu.memory_space<hbm>>
      %dma_wait3A_289 = tpu.memref_squeeze %dma_wait3A_288 : memref<1x8x1024xf32, #tpu.memory_space<hbm>> -> memref<8x1024xf32, #tpu.memory_space<hbm>>
      %dma_wait3A_290 = arith.constant 0 : i32
      %dma_wait3A_291 = arith.constant 0 : i32
      %dma_wait3A_292 = tpu.memref_slice %arg2[%dma_wait3A_285, %dma_wait3A_290, %dma_wait3A_291] : memref<4x8192x1024xf32, #tpu.memory_space<hbm>> -> memref<1x8x1024xf32, #tpu.memory_space<hbm>>
      %dma_wait3A_293 = tpu.memref_squeeze %dma_wait3A_292 : memref<1x8x1024xf32, #tpu.memory_space<hbm>> -> memref<8x1024xf32, #tpu.memory_space<hbm>>
      tpu.wait_dma2 semaphore(%arg18 : memref<!tpu.dma_semaphore, #tpu.memory_space<semaphore_mem>>) src(%dma_wait3A_293 : memref<8x1024xf32, #tpu.memory_space<hbm>>) dst(%arg8 : memref<8x1024xf32, #tpu.memory_space<vmem>>)
      %parallel_loop3A_294 = arith.constant 0 : i32
      %parallel_loop3A_295 = arith.constant 1024 : i32
      %parallel_loop3A_296 = arith.constant 16 : i32
      scf.for %parallel_loop3A_544 = %parallel_loop3A_294 to %parallel_loop3A_295 step %parallel_loop3A_296  : i32 {
        %parallel_loop3A_545 = arith.constant 0 : i32
        %parallel_loop3A_546 = arith.index_cast %parallel_loop3A_545 : i32 to index
        %parallel_loop3A_547 = arith.index_cast %parallel_loop3A_544 : i32 to index
        %parallel_loop3A_548 = tpu.vector_load %arg13[%parallel_loop3A_546, %parallel_loop3A_547] {strides = array<i32>} : memref<8x1024xf32, #tpu.memory_space<vmem>>, vector<1x16xf32>,
        %parallel_loop3A_549 = vector.shape_cast %parallel_loop3A_548 : vector<1x16xf32> to vector<16xf32>
        %parallel_loop3A_550 = arith.constant 0 : i32
        %parallel_loop3A_551 = arith.index_cast %parallel_loop3A_550 : i32 to index
        %parallel_loop3A_552 = arith.index_cast %parallel_loop3A_544 : i32 to index
        %parallel_loop3A_553 = tpu.vector_load %arg8[%parallel_loop3A_551, %parallel_loop3A_552] {strides = array<i32>} : memref<8x1024xf32, #tpu.memory_space<vmem>>, vector<1x16xf32>,
        %parallel_loop3A_554 = vector.shape_cast %parallel_loop3A_553 : vector<1x16xf32> to vector<16xf32>
        %parallel_loop3A_555 = vector.shape_cast %parallel_loop3A_549 : vector<16xf32> to vector<1x16xf32>
        tpu.vector_store %arg8[%parallel_loop3A_551, %parallel_loop3A_552], %parallel_loop3A_555 {add = true, strides = array<i32>} : memref<8x1024xf32, #tpu.memory_space<vmem>>, vector<1x16xf32>,
        %parallel_loop3A_556 = arith.constant 1 : i32
        %parallel_loop3A_557 = arith.index_cast %parallel_loop3A_556 : i32 to index
        %parallel_loop3A_558 = arith.index_cast %parallel_loop3A_544 : i32 to index
        %parallel_loop3A_559 = tpu.vector_load %arg13[%parallel_loop3A_557, %parallel_loop3A_558] {strides = array<i32>} : memref<8x1024xf32, #tpu.memory_space<vmem>>, vector<1x16xf32>,
        %parallel_loop3A_560 = vector.shape_cast %parallel_loop3A_559 : vector<1x16xf32> to vector<16xf32>
        %parallel_loop3A_561 = arith.constant 1 : i32
        %parallel_loop3A_562 = arith.index_cast %parallel_loop3A_561 : i32 to index
        %parallel_loop3A_563 = arith.index_cast %parallel_loop3A_544 : i32 to index
        %parallel_loop3A_564 = tpu.vector_load %arg8[%parallel_loop3A_562, %parallel_loop3A_563] {strides = array<i32>} : memref<8x1024xf32, #tpu.memory_space<vmem>>, vector<1x16xf32>,
        %parallel_loop3A_565 = vector.shape_cast %parallel_loop3A_564 : vector<1x16xf32> to vector<16xf32>
        %parallel_loop3A_566 = vector.shape_cast %parallel_loop3A_560 : vector<16xf32> to vector<1x16xf32>
        tpu.vector_store %arg8[%parallel_loop3A_562, %parallel_loop3A_563], %parallel_loop3A_566 {add = true, strides = array<i32>} : memref<8x1024xf32, #tpu.memory_space<vmem>>, vector<1x16xf32>,
        %parallel_loop3A_567 = arith.constant 2 : i32
        %parallel_loop3A_568 = arith.index_cast %parallel_loop3A_567 : i32 to index
        %parallel_loop3A_569 = arith.index_cast %parallel_loop3A_544 : i32 to index
        %parallel_loop3A_570 = tpu.vector_load %arg13[%parallel_loop3A_568, %parallel_loop3A_569] {strides = array<i32>} : memref<8x1024xf32, #tpu.memory_space<vmem>>, vector<1x16xf32>,
        %parallel_loop3A_571 = vector.shape_cast %parallel_loop3A_570 : vector<1x16xf32> to vector<16xf32>
        %parallel_loop3A_572 = arith.constant 2 : i32
        %parallel_loop3A_573 = arith.index_cast %parallel_loop3A_572 : i32 to index
        %parallel_loop3A_574 = arith.index_cast %parallel_loop3A_544 : i32 to index
        %parallel_loop3A_575 = tpu.vector_load %arg8[%parallel_loop3A_573, %parallel_loop3A_574] {strides = array<i32>} : memref<8x1024xf32, #tpu.memory_space<vmem>>, vector<1x16xf32>,
        %parallel_loop3A_576 = vector.shape_cast %parallel_loop3A_575 : vector<1x16xf32> to vector<16xf32>
        %parallel_loop3A_577 = vector.shape_cast %parallel_loop3A_571 : vector<16xf32> to vector<1x16xf32>
        tpu.vector_store %arg8[%parallel_loop3A_573, %parallel_loop3A_574], %parallel_loop3A_577 {add = true, strides = array<i32>} : memref<8x1024xf32, #tpu.memory_space<vmem>>, vector<1x16xf32>,
        %parallel_loop3A_578 = arith.constant 3 : i32
        %parallel_loop3A_579 = arith.index_cast %parallel_loop3A_578 : i32 to index
        %parallel_loop3A_580 = arith.index_cast %parallel_loop3A_544 : i32 to index
        %parallel_loop3A_581 = tpu.vector_load %arg13[%parallel_loop3A_579, %parallel_loop3A_580] {strides = array<i32>} : memref<8x1024xf32, #tpu.memory_space<vmem>>, vector<1x16xf32>,
        %parallel_loop3A_582 = vector.shape_cast %parallel_loop3A_581 : vector<1x16xf32> to vector<16xf32>
        %parallel_loop3A_583 = arith.constant 3 : i32
        %parallel_loop3A_584 = arith.index_cast %parallel_loop3A_583 : i32 to index
        %parallel_loop3A_585 = arith.index_cast %parallel_loop3A_544 : i32 to index
        %parallel_loop3A_586 = tpu.vector_load %arg8[%parallel_loop3A_584, %parallel_loop3A_585] {strides = array<i32>} : memref<8x1024xf32, #tpu.memory_space<vmem>>, vector<1x16xf32>,
        %parallel_loop3A_587 = vector.shape_cast %parallel_loop3A_586 : vector<1x16xf32> to vector<16xf32>
        %parallel_loop3A_588 = vector.shape_cast %parallel_loop3A_582 : vector<16xf32> to vector<1x16xf32>
        tpu.vector_store %arg8[%parallel_loop3A_584, %parallel_loop3A_585], %parallel_loop3A_588 {add = true, strides = array<i32>} : memref<8x1024xf32, #tpu.memory_space<vmem>>, vector<1x16xf32>,
        %parallel_loop3A_589 = arith.constant 4 : i32
        %parallel_loop3A_590 = arith.index_cast %parallel_loop3A_589 : i32 to index
        %parallel_loop3A_591 = arith.index_cast %parallel_loop3A_544 : i32 to index
        %parallel_loop3A_592 = tpu.vector_load %arg13[%parallel_loop3A_590, %parallel_loop3A_591] {strides = array<i32>} : memref<8x1024xf32, #tpu.memory_space<vmem>>, vector<1x16xf32>,
        %parallel_loop3A_593 = vector.shape_cast %parallel_loop3A_592 : vector<1x16xf32> to vector<16xf32>
        %parallel_loop3A_594 = arith.constant 4 : i32
        %parallel_loop3A_595 = arith.index_cast %parallel_loop3A_594 : i32 to index
        %parallel_loop3A_596 = arith.index_cast %parallel_loop3A_544 : i32 to index
        %parallel_loop3A_597 = tpu.vector_load %arg8[%parallel_loop3A_595, %parallel_loop3A_596] {strides = array<i32>} : memref<8x1024xf32, #tpu.memory_space<vmem>>, vector<1x16xf32>,
        %parallel_loop3A_598 = vector.shape_cast %parallel_loop3A_597 : vector<1x16xf32> to vector<16xf32>
        %parallel_loop3A_599 = vector.shape_cast %parallel_loop3A_593 : vector<16xf32> to vector<1x16xf32>
        tpu.vector_store %arg8[%parallel_loop3A_595, %parallel_loop3A_596], %parallel_loop3A_599 {add = true, strides = array<i32>} : memref<8x1024xf32, #tpu.memory_space<vmem>>, vector<1x16xf32>,
        %parallel_loop3A_600 = arith.constant 5 : i32
        %parallel_loop3A_601 = arith.index_cast %parallel_loop3A_600 : i32 to index
        %parallel_loop3A_602 = arith.index_cast %parallel_loop3A_544 : i32 to index
        %parallel_loop3A_603 = tpu.vector_load %arg13[%parallel_loop3A_601, %parallel_loop3A_602] {strides = array<i32>} : memref<8x1024xf32, #tpu.memory_space<vmem>>, vector<1x16xf32>,
        %parallel_loop3A_604 = vector.shape_cast %parallel_loop3A_603 : vector<1x16xf32> to vector<16xf32>
        %parallel_loop3A_605 = arith.constant 5 : i32
        %parallel_loop3A_606 = arith.index_cast %parallel_loop3A_605 : i32 to index
        %parallel_loop3A_607 = arith.index_cast %parallel_loop3A_544 : i32 to index
        %parallel_loop3A_608 = tpu.vector_load %arg8[%parallel_loop3A_606, %parallel_loop3A_607] {strides = array<i32>} : memref<8x1024xf32, #tpu.memory_space<vmem>>, vector<1x16xf32>,
        %parallel_loop3A_609 = vector.shape_cast %parallel_loop3A_608 : vector<1x16xf32> to vector<16xf32>
        %parallel_loop3A_610 = vector.shape_cast %parallel_loop3A_604 : vector<16xf32> to vector<1x16xf32>
        tpu.vector_store %arg8[%parallel_loop3A_606, %parallel_loop3A_607], %parallel_loop3A_610 {add = true, strides = array<i32>} : memref<8x1024xf32, #tpu.memory_space<vmem>>, vector<1x16xf32>,
        %parallel_loop3A_611 = arith.constant 6 : i32
        %parallel_loop3A_612 = arith.index_cast %parallel_loop3A_611 : i32 to index
        %parallel_loop3A_613 = arith.index_cast %parallel_loop3A_544 : i32 to index
        %parallel_loop3A_614 = tpu.vector_load %arg13[%parallel_loop3A_612, %parallel_loop3A_613] {strides = array<i32>} : memref<8x1024xf32, #tpu.memory_space<vmem>>, vector<1x16xf32>,
        %parallel_loop3A_615 = vector.shape_cast %parallel_loop3A_614 : vector<1x16xf32> to vector<16xf32>
        %parallel_loop3A_616 = arith.constant 6 : i32
        %parallel_loop3A_617 = arith.index_cast %parallel_loop3A_616 : i32 to index
        %parallel_loop3A_618 = arith.index_cast %parallel_loop3A_544 : i32 to index
        %parallel_loop3A_619 = tpu.vector_load %arg8[%parallel_loop3A_617, %parallel_loop3A_618] {strides = array<i32>} : memref<8x1024xf32, #tpu.memory_space<vmem>>, vector<1x16xf32>,
        %parallel_loop3A_620 = vector.shape_cast %parallel_loop3A_619 : vector<1x16xf32> to vector<16xf32>
        %parallel_loop3A_621 = vector.shape_cast %parallel_loop3A_615 : vector<16xf32> to vector<1x16xf32>
        tpu.vector_store %arg8[%parallel_loop3A_617, %parallel_loop3A_618], %parallel_loop3A_621 {add = true, strides = array<i32>} : memref<8x1024xf32, #tpu.memory_space<vmem>>, vector<1x16xf32>,
        %parallel_loop3A_622 = arith.constant 7 : i32
        %parallel_loop3A_623 = arith.index_cast %parallel_loop3A_622 : i32 to index
        %parallel_loop3A_624 = arith.index_cast %parallel_loop3A_544 : i32 to index
        %parallel_loop3A_625 = tpu.vector_load %arg13[%parallel_loop3A_623, %parallel_loop3A_624] {strides = array<i32>} : memref<8x1024xf32, #tpu.memory_space<vmem>>, vector<1x16xf32>,
        %parallel_loop3A_626 = vector.shape_cast %parallel_loop3A_625 : vector<1x16xf32> to vector<16xf32>
        %parallel_loop3A_627 = arith.constant 7 : i32
        %parallel_loop3A_628 = arith.index_cast %parallel_loop3A_627 : i32 to index
        %parallel_loop3A_629 = arith.index_cast %parallel_loop3A_544 : i32 to index
        %parallel_loop3A_630 = tpu.vector_load %arg8[%parallel_loop3A_628, %parallel_loop3A_629] {strides = array<i32>} : memref<8x1024xf32, #tpu.memory_space<vmem>>, vector<1x16xf32>,
        %parallel_loop3A_631 = vector.shape_cast %parallel_loop3A_630 : vector<1x16xf32> to vector<16xf32>
        %parallel_loop3A_632 = vector.shape_cast %parallel_loop3A_626 : vector<16xf32> to vector<1x16xf32>
        tpu.vector_store %arg8[%parallel_loop3A_628, %parallel_loop3A_629], %parallel_loop3A_632 {add = true, strides = array<i32>} : memref<8x1024xf32, #tpu.memory_space<vmem>>, vector<1x16xf32>,
      } {sc.loop_unroll_factor = 4 : i64, sc.parallel_access}
      %mul3A_297 = arith.constant 8 : i32
      %mul3A_298 = arith.muli %add3A_284, %mul3A_297 : i32
      %add3A_299 = arith.addi %mul3A_2, %mul3A_298 : i32
      %dma_start3A_300 = arith.constant 3 : i32
      %dma_start3A_301 = arith.constant 0 : i32
      %dma_start3A_302 = tpu.memref_slice %arg4[%dma_start3A_300, %add3A_299, %dma_start3A_301] : memref<4x8192x1024xf32, #tpu.memory_space<hbm>> -> memref<1x8x1024xf32, #tpu.memory_space<hbm>>
      %dma_start3A_303 = tpu.memref_squeeze %dma_start3A_302 : memref<1x8x1024xf32, #tpu.memory_space<hbm>> -> memref<8x1024xf32, #tpu.memory_space<hbm>>
      %dma_start3A_304 = arith.constant 0 : i32
      %dma_start3A_305 = tpu.memref_slice %arg4[%dma_start3A_300, %add3A_299, %dma_start3A_304] : memref<4x8192x1024xf32, #tpu.memory_space<hbm>> -> memref<1x8x1024xf32, #tpu.memory_space<hbm>>
      %dma_start3A_306 = tpu.memref_squeeze %dma_start3A_305 : memref<1x8x1024xf32, #tpu.memory_space<hbm>> -> memref<8x1024xf32, #tpu.memory_space<hbm>>
      tpu.enqueue_dma source(%arg8 : memref<8x1024xf32, #tpu.memory_space<vmem>>) target(%dma_start3A_306 : memref<8x1024xf32, #tpu.memory_space<hbm>>) target_semaphore(%arg26 : memref<!tpu.dma_semaphore, #tpu.memory_space<semaphore_mem>>)
      %mul3A_307 = arith.constant 2 : i32
      %mul3A_308 = arith.muli %mul3A_307, %scan3A_174 : i32
      %add3A_309 = arith.constant 2 : i32
      %add3A_310 = arith.addi %mul3A_308, %add3A_309 : i32
      %min3A_311 = arith.constant 30 : i32
      %min3A_312 = arith.minsi %add3A_310, %min3A_311 : i32
      %mul3A_313 = arith.constant 8 : i32
      %mul3A_314 = arith.muli %min3A_312, %mul3A_313 : i32
      %add3A_315 = arith.addi %mul3A_2, %mul3A_314 : i32
      %dma_start3A_316 = arith.constant 0 : i32
      %dma_start3A_317 = tpu.memref_slice %arg3[%add3A_315, %dma_start3A_316] : memref<8192x1024xf32, #tpu.memory_space<hbm>> -> memref<8x1024xf32, #tpu.memory_space<hbm>>
      %dma_start3A_318 = arith.constant 0 : i32
      %dma_start3A_319 = tpu.memref_slice %arg3[%add3A_315, %dma_start3A_318] : memref<8192x1024xf32, #tpu.memory_space<hbm>> -> memref<8x1024xf32, #tpu.memory_space<hbm>>
      tpu.enqueue_dma source(%dma_start3A_319 : memref<8x1024xf32, #tpu.memory_space<hbm>>) target(%arg13 : memref<8x1024xf32, #tpu.memory_space<vmem>>) target_semaphore(%arg31 : memref<!tpu.dma_semaphore, #tpu.memory_space<semaphore_mem>>)
      %add3A_320 = arith.constant 1 : i32
      %add3A_321 = arith.addi %add3A_284, %add3A_320 : i32
      %min3A_322 = arith.constant 31 : i32
      %min3A_323 = arith.minsi %add3A_321, %min3A_322 : i32
      %gt3A_324 = arith.constant 0 : i32
      %gt3A_325 = arith.cmpi sgt, %scan3A_174, %gt3A_324 : i32
      %convert_element_type3A_326 = arith.extui %gt3A_325 : i1 to i32
      %cond3A_327 = arith.constant 0 : i32
      %cond3A_328 = arith.cmpi ne, %convert_element_type3A_326, %cond3A_327 : i32
      scf.if %cond3A_328 {
        %dma_wait3A_544 = arith.constant 0 : i32
        %dma_wait3A_545 = arith.constant 0 : i32
        %dma_wait3A_546 = arith.constant 0 : i32
        %dma_wait3A_547 = tpu.memref_slice %arg4[%dma_wait3A_544, %dma_wait3A_545, %dma_wait3A_546] : memref<4x8192x1024xf32, #tpu.memory_space<hbm>> -> memref<1x8x1024xf32, #tpu.memory_space<hbm>>
        %dma_wait3A_548 = tpu.memref_squeeze %dma_wait3A_547 : memref<1x8x1024xf32, #tpu.memory_space<hbm>> -> memref<8x1024xf32, #tpu.memory_space<hbm>>
        %dma_wait3A_549 = arith.constant 0 : i32
        %dma_wait3A_550 = arith.constant 0 : i32
        %dma_wait3A_551 = tpu.memref_slice %arg4[%dma_wait3A_544, %dma_wait3A_549, %dma_wait3A_550] : memref<4x8192x1024xf32, #tpu.memory_space<hbm>> -> memref<1x8x1024xf32, #tpu.memory_space<hbm>>
        %dma_wait3A_552 = tpu.memref_squeeze %dma_wait3A_551 : memref<1x8x1024xf32, #tpu.memory_space<hbm>> -> memref<8x1024xf32, #tpu.memory_space<hbm>>
        tpu.wait_dma2 semaphore(%arg30 : memref<!tpu.dma_semaphore, #tpu.memory_space<semaphore_mem>>) src(%arg12 : memref<8x1024xf32, #tpu.memory_space<vmem>>) dst(%dma_wait3A_552 : memref<8x1024xf32, #tpu.memory_space<hbm>>)
        %mul3A_553 = arith.constant 8 : i32
        %mul3A_554 = arith.muli %min3A_323, %mul3A_553 : i32
        %add3A_555 = arith.addi %mul3A_2, %mul3A_554 : i32
        %dma_start3A_556 = arith.constant 3 : i32
        %dma_start3A_557 = arith.constant 0 : i32
        %dma_start3A_558 = tpu.memref_slice %arg2[%dma_start3A_556, %add3A_555, %dma_start3A_557] : memref<4x8192x1024xf32, #tpu.memory_space<hbm>> -> memref<1x8x1024xf32, #tpu.memory_space<hbm>>
        %dma_start3A_559 = tpu.memref_squeeze %dma_start3A_558 : memref<1x8x1024xf32, #tpu.memory_space<hbm>> -> memref<8x1024xf32, #tpu.memory_space<hbm>>
        %dma_start3A_560 = arith.constant 0 : i32
        %dma_start3A_561 = tpu.memref_slice %arg2[%dma_start3A_556, %add3A_555, %dma_start3A_560] : memref<4x8192x1024xf32, #tpu.memory_space<hbm>> -> memref<1x8x1024xf32, #tpu.memory_space<hbm>>
        %dma_start3A_562 = tpu.memref_squeeze %dma_start3A_561 : memref<1x8x1024xf32, #tpu.memory_space<hbm>> -> memref<8x1024xf32, #tpu.memory_space<hbm>>
        tpu.enqueue_dma source(%dma_start3A_562 : memref<8x1024xf32, #tpu.memory_space<hbm>>) target(%arg12 : memref<8x1024xf32, #tpu.memory_space<vmem>>) target_semaphore(%arg22 : memref<!tpu.dma_semaphore, #tpu.memory_space<semaphore_mem>>)
      } else {
      }
      %mul3A_329 = arith.constant 2 : i32
      %mul3A_330 = arith.muli %mul3A_329, %scan3A_174 : i32
      %add3A_331 = arith.constant 1 : i32
      %add3A_332 = arith.addi %mul3A_330, %add3A_331 : i32
      %dma_wait3A_333 = arith.constant 0 : i32
      %dma_wait3A_334 = arith.constant 0 : i32
      %dma_wait3A_335 = tpu.memref_slice %arg3[%dma_wait3A_333, %dma_wait3A_334] : memref<8192x1024xf32, #tpu.memory_space<hbm>> -> memref<8x1024xf32, #tpu.memory_space<hbm>>
      %dma_wait3A_336 = arith.constant 0 : i32
      %dma_wait3A_337 = arith.constant 0 : i32
      %dma_wait3A_338 = tpu.memref_slice %arg3[%dma_wait3A_336, %dma_wait3A_337] : memref<8192x1024xf32, #tpu.memory_space<hbm>> -> memref<8x1024xf32, #tpu.memory_space<hbm>>
      tpu.wait_dma2 semaphore(%arg32 : memref<!tpu.dma_semaphore, #tpu.memory_space<semaphore_mem>>) src(%dma_wait3A_338 : memref<8x1024xf32, #tpu.memory_space<hbm>>) dst(%arg14 : memref<8x1024xf32, #tpu.memory_space<vmem>>)
      %dma_wait3A_339 = arith.constant 0 : i32
      %dma_wait3A_340 = arith.constant 0 : i32
      %dma_wait3A_341 = arith.constant 0 : i32
      %dma_wait3A_342 = tpu.memref_slice %arg2[%dma_wait3A_339, %dma_wait3A_340, %dma_wait3A_341] : memref<4x8192x1024xf32, #tpu.memory_space<hbm>> -> memref<1x8x1024xf32, #tpu.memory_space<hbm>>
      %dma_wait3A_343 = tpu.memref_squeeze %dma_wait3A_342 : memref<1x8x1024xf32, #tpu.memory_space<hbm>> -> memref<8x1024xf32, #tpu.memory_space<hbm>>
      %dma_wait3A_344 = arith.constant 0 : i32
      %dma_wait3A_345 = arith.constant 0 : i32
      %dma_wait3A_346 = tpu.memref_slice %arg2[%dma_wait3A_339, %dma_wait3A_344, %dma_wait3A_345] : memref<4x8192x1024xf32, #tpu.memory_space<hbm>> -> memref<1x8x1024xf32, #tpu.memory_space<hbm>>
      %dma_wait3A_347 = tpu.memref_squeeze %dma_wait3A_346 : memref<1x8x1024xf32, #tpu.memory_space<hbm>> -> memref<8x1024xf32, #tpu.memory_space<hbm>>
      tpu.wait_dma2 semaphore(%arg19 : memref<!tpu.dma_semaphore, #tpu.memory_space<semaphore_mem>>) src(%dma_wait3A_347 : memref<8x1024xf32, #tpu.memory_space<hbm>>) dst(%arg9 : memref<8x1024xf32, #tpu.memory_space<vmem>>)
      %parallel_loop3A_348 = arith.constant 0 : i32
      %parallel_loop3A_349 = arith.constant 1024 : i32
      %parallel_loop3A_350 = arith.constant 16 : i32
      scf.for %parallel_loop3A_544 = %parallel_loop3A_348 to %parallel_loop3A_349 step %parallel_loop3A_350  : i32 {
        %parallel_loop3A_545 = arith.constant 0 : i32
        %parallel_loop3A_546 = arith.index_cast %parallel_loop3A_545 : i32 to index
        %parallel_loop3A_547 = arith.index_cast %parallel_loop3A_544 : i32 to index
        %parallel_loop3A_548 = tpu.vector_load %arg14[%parallel_loop3A_546, %parallel_loop3A_547] {strides = array<i32>} : memref<8x1024xf32, #tpu.memory_space<vmem>>, vector<1x16xf32>,
        %parallel_loop3A_549 = vector.shape_cast %parallel_loop3A_548 : vector<1x16xf32> to vector<16xf32>
        %parallel_loop3A_550 = arith.constant 0 : i32
        %parallel_loop3A_551 = arith.index_cast %parallel_loop3A_550 : i32 to index
        %parallel_loop3A_552 = arith.index_cast %parallel_loop3A_544 : i32 to index
        %parallel_loop3A_553 = tpu.vector_load %arg9[%parallel_loop3A_551, %parallel_loop3A_552] {strides = array<i32>} : memref<8x1024xf32, #tpu.memory_space<vmem>>, vector<1x16xf32>,
        %parallel_loop3A_554 = vector.shape_cast %parallel_loop3A_553 : vector<1x16xf32> to vector<16xf32>
        %parallel_loop3A_555 = vector.shape_cast %parallel_loop3A_549 : vector<16xf32> to vector<1x16xf32>
        tpu.vector_store %arg9[%parallel_loop3A_551, %parallel_loop3A_552], %parallel_loop3A_555 {add = true, strides = array<i32>} : memref<8x1024xf32, #tpu.memory_space<vmem>>, vector<1x16xf32>,
        %parallel_loop3A_556 = arith.constant 1 : i32
        %parallel_loop3A_557 = arith.index_cast %parallel_loop3A_556 : i32 to index
        %parallel_loop3A_558 = arith.index_cast %parallel_loop3A_544 : i32 to index
        %parallel_loop3A_559 = tpu.vector_load %arg14[%parallel_loop3A_557, %parallel_loop3A_558] {strides = array<i32>} : memref<8x1024xf32, #tpu.memory_space<vmem>>, vector<1x16xf32>,
        %parallel_loop3A_560 = vector.shape_cast %parallel_loop3A_559 : vector<1x16xf32> to vector<16xf32>
        %parallel_loop3A_561 = arith.constant 1 : i32
        %parallel_loop3A_562 = arith.index_cast %parallel_loop3A_561 : i32 to index
        %parallel_loop3A_563 = arith.index_cast %parallel_loop3A_544 : i32 to index
        %parallel_loop3A_564 = tpu.vector_load %arg9[%parallel_loop3A_562, %parallel_loop3A_563] {strides = array<i32>} : memref<8x1024xf32, #tpu.memory_space<vmem>>, vector<1x16xf32>,
        %parallel_loop3A_565 = vector.shape_cast %parallel_loop3A_564 : vector<1x16xf32> to vector<16xf32>
        %parallel_loop3A_566 = vector.shape_cast %parallel_loop3A_560 : vector<16xf32> to vector<1x16xf32>
        tpu.vector_store %arg9[%parallel_loop3A_562, %parallel_loop3A_563], %parallel_loop3A_566 {add = true, strides = array<i32>} : memref<8x1024xf32, #tpu.memory_space<vmem>>, vector<1x16xf32>,
        %parallel_loop3A_567 = arith.constant 2 : i32
        %parallel_loop3A_568 = arith.index_cast %parallel_loop3A_567 : i32 to index
        %parallel_loop3A_569 = arith.index_cast %parallel_loop3A_544 : i32 to index
        %parallel_loop3A_570 = tpu.vector_load %arg14[%parallel_loop3A_568, %parallel_loop3A_569] {strides = array<i32>} : memref<8x1024xf32, #tpu.memory_space<vmem>>, vector<1x16xf32>,
        %parallel_loop3A_571 = vector.shape_cast %parallel_loop3A_570 : vector<1x16xf32> to vector<16xf32>
        %parallel_loop3A_572 = arith.constant 2 : i32
        %parallel_loop3A_573 = arith.index_cast %parallel_loop3A_572 : i32 to index
        %parallel_loop3A_574 = arith.index_cast %parallel_loop3A_544 : i32 to index
        %parallel_loop3A_575 = tpu.vector_load %arg9[%parallel_loop3A_573, %parallel_loop3A_574] {strides = array<i32>} : memref<8x1024xf32, #tpu.memory_space<vmem>>, vector<1x16xf32>,
        %parallel_loop3A_576 = vector.shape_cast %parallel_loop3A_575 : vector<1x16xf32> to vector<16xf32>
        %parallel_loop3A_577 = vector.shape_cast %parallel_loop3A_571 : vector<16xf32> to vector<1x16xf32>
        tpu.vector_store %arg9[%parallel_loop3A_573, %parallel_loop3A_574], %parallel_loop3A_577 {add = true, strides = array<i32>} : memref<8x1024xf32, #tpu.memory_space<vmem>>, vector<1x16xf32>,
        %parallel_loop3A_578 = arith.constant 3 : i32
        %parallel_loop3A_579 = arith.index_cast %parallel_loop3A_578 : i32 to index
        %parallel_loop3A_580 = arith.index_cast %parallel_loop3A_544 : i32 to index
        %parallel_loop3A_581 = tpu.vector_load %arg14[%parallel_loop3A_579, %parallel_loop3A_580] {strides = array<i32>} : memref<8x1024xf32, #tpu.memory_space<vmem>>, vector<1x16xf32>,
        %parallel_loop3A_582 = vector.shape_cast %parallel_loop3A_581 : vector<1x16xf32> to vector<16xf32>
        %parallel_loop3A_583 = arith.constant 3 : i32
        %parallel_loop3A_584 = arith.index_cast %parallel_loop3A_583 : i32 to index
        %parallel_loop3A_585 = arith.index_cast %parallel_loop3A_544 : i32 to index
        %parallel_loop3A_586 = tpu.vector_load %arg9[%parallel_loop3A_584, %parallel_loop3A_585] {strides = array<i32>} : memref<8x1024xf32, #tpu.memory_space<vmem>>, vector<1x16xf32>,
        %parallel_loop3A_587 = vector.shape_cast %parallel_loop3A_586 : vector<1x16xf32> to vector<16xf32>
        %parallel_loop3A_588 = vector.shape_cast %parallel_loop3A_582 : vector<16xf32> to vector<1x16xf32>
        tpu.vector_store %arg9[%parallel_loop3A_584, %parallel_loop3A_585], %parallel_loop3A_588 {add = true, strides = array<i32>} : memref<8x1024xf32, #tpu.memory_space<vmem>>, vector<1x16xf32>,
        %parallel_loop3A_589 = arith.constant 4 : i32
        %parallel_loop3A_590 = arith.index_cast %parallel_loop3A_589 : i32 to index
        %parallel_loop3A_591 = arith.index_cast %parallel_loop3A_544 : i32 to index
        %parallel_loop3A_592 = tpu.vector_load %arg14[%parallel_loop3A_590, %parallel_loop3A_591] {strides = array<i32>} : memref<8x1024xf32, #tpu.memory_space<vmem>>, vector<1x16xf32>,
        %parallel_loop3A_593 = vector.shape_cast %parallel_loop3A_592 : vector<1x16xf32> to vector<16xf32>
        %parallel_loop3A_594 = arith.constant 4 : i32
        %parallel_loop3A_595 = arith.index_cast %parallel_loop3A_594 : i32 to index
        %parallel_loop3A_596 = arith.index_cast %parallel_loop3A_544 : i32 to index
        %parallel_loop3A_597 = tpu.vector_load %arg9[%parallel_loop3A_595, %parallel_loop3A_596] {strides = array<i32>} : memref<8x1024xf32, #tpu.memory_space<vmem>>, vector<1x16xf32>,
        %parallel_loop3A_598 = vector.shape_cast %parallel_loop3A_597 : vector<1x16xf32> to vector<16xf32>
        %parallel_loop3A_599 = vector.shape_cast %parallel_loop3A_593 : vector<16xf32> to vector<1x16xf32>
        tpu.vector_store %arg9[%parallel_loop3A_595, %parallel_loop3A_596], %parallel_loop3A_599 {add = true, strides = array<i32>} : memref<8x1024xf32, #tpu.memory_space<vmem>>, vector<1x16xf32>,
        %parallel_loop3A_600 = arith.constant 5 : i32
        %parallel_loop3A_601 = arith.index_cast %parallel_loop3A_600 : i32 to index
        %parallel_loop3A_602 = arith.index_cast %parallel_loop3A_544 : i32 to index
        %parallel_loop3A_603 = tpu.vector_load %arg14[%parallel_loop3A_601, %parallel_loop3A_602] {strides = array<i32>} : memref<8x1024xf32, #tpu.memory_space<vmem>>, vector<1x16xf32>,
        %parallel_loop3A_604 = vector.shape_cast %parallel_loop3A_603 : vector<1x16xf32> to vector<16xf32>
        %parallel_loop3A_605 = arith.constant 5 : i32
        %parallel_loop3A_606 = arith.index_cast %parallel_loop3A_605 : i32 to index
        %parallel_loop3A_607 = arith.index_cast %parallel_loop3A_544 : i32 to index
        %parallel_loop3A_608 = tpu.vector_load %arg9[%parallel_loop3A_606, %parallel_loop3A_607] {strides = array<i32>} : memref<8x1024xf32, #tpu.memory_space<vmem>>, vector<1x16xf32>,
        %parallel_loop3A_609 = vector.shape_cast %parallel_loop3A_608 : vector<1x16xf32> to vector<16xf32>
        %parallel_loop3A_610 = vector.shape_cast %parallel_loop3A_604 : vector<16xf32> to vector<1x16xf32>
        tpu.vector_store %arg9[%parallel_loop3A_606, %parallel_loop3A_607], %parallel_loop3A_610 {add = true, strides = array<i32>} : memref<8x1024xf32, #tpu.memory_space<vmem>>, vector<1x16xf32>,
        %parallel_loop3A_611 = arith.constant 6 : i32
        %parallel_loop3A_612 = arith.index_cast %parallel_loop3A_611 : i32 to index
        %parallel_loop3A_613 = arith.index_cast %parallel_loop3A_544 : i32 to index
        %parallel_loop3A_614 = tpu.vector_load %arg14[%parallel_loop3A_612, %parallel_loop3A_613] {strides = array<i32>} : memref<8x1024xf32, #tpu.memory_space<vmem>>, vector<1x16xf32>,
        %parallel_loop3A_615 = vector.shape_cast %parallel_loop3A_614 : vector<1x16xf32> to vector<16xf32>
        %parallel_loop3A_616 = arith.constant 6 : i32
        %parallel_loop3A_617 = arith.index_cast %parallel_loop3A_616 : i32 to index
        %parallel_loop3A_618 = arith.index_cast %parallel_loop3A_544 : i32 to index
        %parallel_loop3A_619 = tpu.vector_load %arg9[%parallel_loop3A_617, %parallel_loop3A_618] {strides = array<i32>} : memref<8x1024xf32, #tpu.memory_space<vmem>>, vector<1x16xf32>,
        %parallel_loop3A_620 = vector.shape_cast %parallel_loop3A_619 : vector<1x16xf32> to vector<16xf32>
        %parallel_loop3A_621 = vector.shape_cast %parallel_loop3A_615 : vector<16xf32> to vector<1x16xf32>
        tpu.vector_store %arg9[%parallel_loop3A_617, %parallel_loop3A_618], %parallel_loop3A_621 {add = true, strides = array<i32>} : memref<8x1024xf32, #tpu.memory_space<vmem>>, vector<1x16xf32>,
        %parallel_loop3A_622 = arith.constant 7 : i32
        %parallel_loop3A_623 = arith.index_cast %parallel_loop3A_622 : i32 to index
        %parallel_loop3A_624 = arith.index_cast %parallel_loop3A_544 : i32 to index
        %parallel_loop3A_625 = tpu.vector_load %arg14[%parallel_loop3A_623, %parallel_loop3A_624] {strides = array<i32>} : memref<8x1024xf32, #tpu.memory_space<vmem>>, vector<1x16xf32>,
        %parallel_loop3A_626 = vector.shape_cast %parallel_loop3A_625 : vector<1x16xf32> to vector<16xf32>
        %parallel_loop3A_627 = arith.constant 7 : i32
        %parallel_loop3A_628 = arith.index_cast %parallel_loop3A_627 : i32 to index
        %parallel_loop3A_629 = arith.index_cast %parallel_loop3A_544 : i32 to index
        %parallel_loop3A_630 = tpu.vector_load %arg9[%parallel_loop3A_628, %parallel_loop3A_629] {strides = array<i32>} : memref<8x1024xf32, #tpu.memory_space<vmem>>, vector<1x16xf32>,
        %parallel_loop3A_631 = vector.shape_cast %parallel_loop3A_630 : vector<1x16xf32> to vector<16xf32>
        %parallel_loop3A_632 = vector.shape_cast %parallel_loop3A_626 : vector<16xf32> to vector<1x16xf32>
        tpu.vector_store %arg9[%parallel_loop3A_628, %parallel_loop3A_629], %parallel_loop3A_632 {add = true, strides = array<i32>} : memref<8x1024xf32, #tpu.memory_space<vmem>>, vector<1x16xf32>,
      } {sc.loop_unroll_factor = 4 : i64, sc.parallel_access}
      %mul3A_351 = arith.constant 8 : i32
      %mul3A_352 = arith.muli %add3A_332, %mul3A_351 : i32
      %add3A_353 = arith.addi %mul3A_2, %mul3A_352 : i32
      %dma_start3A_354 = arith.constant 0 : i32
      %dma_start3A_355 = arith.constant 0 : i32
      %dma_start3A_356 = tpu.memref_slice %arg4[%dma_start3A_354, %add3A_353, %dma_start3A_355] : memref<4x8192x1024xf32, #tpu.memory_space<hbm>> -> memref<1x8x1024xf32, #tpu.memory_space<hbm>>
      %dma_start3A_357 = tpu.memref_squeeze %dma_start3A_356 : memref<1x8x1024xf32, #tpu.memory_space<hbm>> -> memref<8x1024xf32, #tpu.memory_space<hbm>>
      %dma_start3A_358 = arith.constant 0 : i32
      %dma_start3A_359 = tpu.memref_slice %arg4[%dma_start3A_354, %add3A_353, %dma_start3A_358] : memref<4x8192x1024xf32, #tpu.memory_space<hbm>> -> memref<1x8x1024xf32, #tpu.memory_space<hbm>>
      %dma_start3A_360 = tpu.memref_squeeze %dma_start3A_359 : memref<1x8x1024xf32, #tpu.memory_space<hbm>> -> memref<8x1024xf32, #tpu.memory_space<hbm>>
      tpu.enqueue_dma source(%arg9 : memref<8x1024xf32, #tpu.memory_space<vmem>>) target(%dma_start3A_360 : memref<8x1024xf32, #tpu.memory_space<hbm>>) target_semaphore(%arg27 : memref<!tpu.dma_semaphore, #tpu.memory_space<semaphore_mem>>)
      %add3A_361 = arith.constant 1 : i32
      %add3A_362 = arith.addi %add3A_332, %add3A_361 : i32
      %min3A_363 = arith.constant 31 : i32
      %min3A_364 = arith.minsi %add3A_362, %min3A_363 : i32
      %dma_wait3A_365 = arith.constant 0 : i32
      %dma_wait3A_366 = arith.constant 0 : i32
      %dma_wait3A_367 = arith.constant 0 : i32
      %dma_wait3A_368 = tpu.memref_slice %arg4[%dma_wait3A_365, %dma_wait3A_366, %dma_wait3A_367] : memref<4x8192x1024xf32, #tpu.memory_space<hbm>> -> memref<1x8x1024xf32, #tpu.memory_space<hbm>>
      %dma_wait3A_369 = tpu.memref_squeeze %dma_wait3A_368 : memref<1x8x1024xf32, #tpu.memory_space<hbm>> -> memref<8x1024xf32, #tpu.memory_space<hbm>>
      %dma_wait3A_370 = arith.constant 0 : i32
      %dma_wait3A_371 = arith.constant 0 : i32
      %dma_wait3A_372 = tpu.memref_slice %arg4[%dma_wait3A_365, %dma_wait3A_370, %dma_wait3A_371] : memref<4x8192x1024xf32, #tpu.memory_space<hbm>> -> memref<1x8x1024xf32, #tpu.memory_space<hbm>>
      %dma_wait3A_373 = tpu.memref_squeeze %dma_wait3A_372 : memref<1x8x1024xf32, #tpu.memory_space<hbm>> -> memref<8x1024xf32, #tpu.memory_space<hbm>>
      tpu.wait_dma2 semaphore(%arg23 : memref<!tpu.dma_semaphore, #tpu.memory_space<semaphore_mem>>) src(%arg5 : memref<8x1024xf32, #tpu.memory_space<vmem>>) dst(%dma_wait3A_373 : memref<8x1024xf32, #tpu.memory_space<hbm>>)
      %mul3A_374 = arith.constant 8 : i32
      %mul3A_375 = arith.muli %min3A_364, %mul3A_374 : i32
      %add3A_376 = arith.addi %mul3A_2, %mul3A_375 : i32
      %dma_start3A_377 = arith.constant 0 : i32
      %dma_start3A_378 = arith.constant 0 : i32
      %dma_start3A_379 = tpu.memref_slice %arg2[%dma_start3A_377, %add3A_376, %dma_start3A_378] : memref<4x8192x1024xf32, #tpu.memory_space<hbm>> -> memref<1x8x1024xf32, #tpu.memory_space<hbm>>
      %dma_start3A_380 = tpu.memref_squeeze %dma_start3A_379 : memref<1x8x1024xf32, #tpu.memory_space<hbm>> -> memref<8x1024xf32, #tpu.memory_space<hbm>>
      %dma_start3A_381 = arith.constant 0 : i32
      %dma_start3A_382 = tpu.memref_slice %arg2[%dma_start3A_377, %add3A_376, %dma_start3A_381] : memref<4x8192x1024xf32, #tpu.memory_space<hbm>> -> memref<1x8x1024xf32, #tpu.memory_space<hbm>>
      %dma_start3A_383 = tpu.memref_squeeze %dma_start3A_382 : memref<1x8x1024xf32, #tpu.memory_space<hbm>> -> memref<8x1024xf32, #tpu.memory_space<hbm>>
      tpu.enqueue_dma source(%dma_start3A_383 : memref<8x1024xf32, #tpu.memory_space<hbm>>) target(%arg5 : memref<8x1024xf32, #tpu.memory_space<vmem>>) target_semaphore(%arg15 : memref<!tpu.dma_semaphore, #tpu.memory_space<semaphore_mem>>)
      %mul3A_384 = arith.constant 2 : i32
      %mul3A_385 = arith.muli %mul3A_384, %scan3A_174 : i32
      %add3A_386 = arith.constant 1 : i32
      %add3A_387 = arith.addi %mul3A_385, %add3A_386 : i32
      %dma_wait3A_388 = arith.constant 0 : i32
      %dma_wait3A_389 = arith.constant 0 : i32
      %dma_wait3A_390 = arith.constant 0 : i32
      %dma_wait3A_391 = tpu.memref_slice %arg2[%dma_wait3A_388, %dma_wait3A_389, %dma_wait3A_390] : memref<4x8192x1024xf32, #tpu.memory_space<hbm>> -> memref<1x8x1024xf32, #tpu.memory_space<hbm>>
      %dma_wait3A_392 = tpu.memref_squeeze %dma_wait3A_391 : memref<1x8x1024xf32, #tpu.memory_space<hbm>> -> memref<8x1024xf32, #tpu.memory_space<hbm>>
      %dma_wait3A_393 = arith.constant 0 : i32
      %dma_wait3A_394 = arith.constant 0 : i32
      %dma_wait3A_395 = tpu.memref_slice %arg2[%dma_wait3A_388, %dma_wait3A_393, %dma_wait3A_394] : memref<4x8192x1024xf32, #tpu.memory_space<hbm>> -> memref<1x8x1024xf32, #tpu.memory_space<hbm>>
      %dma_wait3A_396 = tpu.memref_squeeze %dma_wait3A_395 : memref<1x8x1024xf32, #tpu.memory_space<hbm>> -> memref<8x1024xf32, #tpu.memory_space<hbm>>
      tpu.wait_dma2 semaphore(%arg20 : memref<!tpu.dma_semaphore, #tpu.memory_space<semaphore_mem>>) src(%dma_wait3A_396 : memref<8x1024xf32, #tpu.memory_space<hbm>>) dst(%arg10 : memref<8x1024xf32, #tpu.memory_space<vmem>>)
      %parallel_loop3A_397 = arith.constant 0 : i32
      %parallel_loop3A_398 = arith.constant 1024 : i32
      %parallel_loop3A_399 = arith.constant 16 : i32
      scf.for %parallel_loop3A_544 = %parallel_loop3A_397 to %parallel_loop3A_398 step %parallel_loop3A_399  : i32 {
        %parallel_loop3A_545 = arith.constant 0 : i32
        %parallel_loop3A_546 = arith.index_cast %parallel_loop3A_545 : i32 to index
        %parallel_loop3A_547 = arith.index_cast %parallel_loop3A_544 : i32 to index
        %parallel_loop3A_548 = tpu.vector_load %arg14[%parallel_loop3A_546, %parallel_loop3A_547] {strides = array<i32>} : memref<8x1024xf32, #tpu.memory_space<vmem>>, vector<1x16xf32>,
        %parallel_loop3A_549 = vector.shape_cast %parallel_loop3A_548 : vector<1x16xf32> to vector<16xf32>
        %parallel_loop3A_550 = arith.constant 0 : i32
        %parallel_loop3A_551 = arith.index_cast %parallel_loop3A_550 : i32 to index
        %parallel_loop3A_552 = arith.index_cast %parallel_loop3A_544 : i32 to index
        %parallel_loop3A_553 = tpu.vector_load %arg10[%parallel_loop3A_551, %parallel_loop3A_552] {strides = array<i32>} : memref<8x1024xf32, #tpu.memory_space<vmem>>, vector<1x16xf32>,
        %parallel_loop3A_554 = vector.shape_cast %parallel_loop3A_553 : vector<1x16xf32> to vector<16xf32>
        %parallel_loop3A_555 = vector.shape_cast %parallel_loop3A_549 : vector<16xf32> to vector<1x16xf32>
        tpu.vector_store %arg10[%parallel_loop3A_551, %parallel_loop3A_552], %parallel_loop3A_555 {add = true, strides = array<i32>} : memref<8x1024xf32, #tpu.memory_space<vmem>>, vector<1x16xf32>,
        %parallel_loop3A_556 = arith.constant 1 : i32
        %parallel_loop3A_557 = arith.index_cast %parallel_loop3A_556 : i32 to index
        %parallel_loop3A_558 = arith.index_cast %parallel_loop3A_544 : i32 to index
        %parallel_loop3A_559 = tpu.vector_load %arg14[%parallel_loop3A_557, %parallel_loop3A_558] {strides = array<i32>} : memref<8x1024xf32, #tpu.memory_space<vmem>>, vector<1x16xf32>,
        %parallel_loop3A_560 = vector.shape_cast %parallel_loop3A_559 : vector<1x16xf32> to vector<16xf32>
        %parallel_loop3A_561 = arith.constant 1 : i32
        %parallel_loop3A_562 = arith.index_cast %parallel_loop3A_561 : i32 to index
        %parallel_loop3A_563 = arith.index_cast %parallel_loop3A_544 : i32 to index
        %parallel_loop3A_564 = tpu.vector_load %arg10[%parallel_loop3A_562, %parallel_loop3A_563] {strides = array<i32>} : memref<8x1024xf32, #tpu.memory_space<vmem>>, vector<1x16xf32>,
        %parallel_loop3A_565 = vector.shape_cast %parallel_loop3A_564 : vector<1x16xf32> to vector<16xf32>
        %parallel_loop3A_566 = vector.shape_cast %parallel_loop3A_560 : vector<16xf32> to vector<1x16xf32>
        tpu.vector_store %arg10[%parallel_loop3A_562, %parallel_loop3A_563], %parallel_loop3A_566 {add = true, strides = array<i32>} : memref<8x1024xf32, #tpu.memory_space<vmem>>, vector<1x16xf32>,
        %parallel_loop3A_567 = arith.constant 2 : i32
        %parallel_loop3A_568 = arith.index_cast %parallel_loop3A_567 : i32 to index
        %parallel_loop3A_569 = arith.index_cast %parallel_loop3A_544 : i32 to index
        %parallel_loop3A_570 = tpu.vector_load %arg14[%parallel_loop3A_568, %parallel_loop3A_569] {strides = array<i32>} : memref<8x1024xf32, #tpu.memory_space<vmem>>, vector<1x16xf32>,
        %parallel_loop3A_571 = vector.shape_cast %parallel_loop3A_570 : vector<1x16xf32> to vector<16xf32>
        %parallel_loop3A_572 = arith.constant 2 : i32
        %parallel_loop3A_573 = arith.index_cast %parallel_loop3A_572 : i32 to index
        %parallel_loop3A_574 = arith.index_cast %parallel_loop3A_544 : i32 to index
        %parallel_loop3A_575 = tpu.vector_load %arg10[%parallel_loop3A_573, %parallel_loop3A_574] {strides = array<i32>} : memref<8x1024xf32, #tpu.memory_space<vmem>>, vector<1x16xf32>,
        %parallel_loop3A_576 = vector.shape_cast %parallel_loop3A_575 : vector<1x16xf32> to vector<16xf32>
        %parallel_loop3A_577 = vector.shape_cast %parallel_loop3A_571 : vector<16xf32> to vector<1x16xf32>
        tpu.vector_store %arg10[%parallel_loop3A_573, %parallel_loop3A_574], %parallel_loop3A_577 {add = true, strides = array<i32>} : memref<8x1024xf32, #tpu.memory_space<vmem>>, vector<1x16xf32>,
        %parallel_loop3A_578 = arith.constant 3 : i32
        %parallel_loop3A_579 = arith.index_cast %parallel_loop3A_578 : i32 to index
        %parallel_loop3A_580 = arith.index_cast %parallel_loop3A_544 : i32 to index
        %parallel_loop3A_581 = tpu.vector_load %arg14[%parallel_loop3A_579, %parallel_loop3A_580] {strides = array<i32>} : memref<8x1024xf32, #tpu.memory_space<vmem>>, vector<1x16xf32>,
        %parallel_loop3A_582 = vector.shape_cast %parallel_loop3A_581 : vector<1x16xf32> to vector<16xf32>
        %parallel_loop3A_583 = arith.constant 3 : i32
        %parallel_loop3A_584 = arith.index_cast %parallel_loop3A_583 : i32 to index
        %parallel_loop3A_585 = arith.index_cast %parallel_loop3A_544 : i32 to index
        %parallel_loop3A_586 = tpu.vector_load %arg10[%parallel_loop3A_584, %parallel_loop3A_585] {strides = array<i32>} : memref<8x1024xf32, #tpu.memory_space<vmem>>, vector<1x16xf32>,
        %parallel_loop3A_587 = vector.shape_cast %parallel_loop3A_586 : vector<1x16xf32> to vector<16xf32>
        %parallel_loop3A_588 = vector.shape_cast %parallel_loop3A_582 : vector<16xf32> to vector<1x16xf32>
        tpu.vector_store %arg10[%parallel_loop3A_584, %parallel_loop3A_585], %parallel_loop3A_588 {add = true, strides = array<i32>} : memref<8x1024xf32, #tpu.memory_space<vmem>>, vector<1x16xf32>,
        %parallel_loop3A_589 = arith.constant 4 : i32
        %parallel_loop3A_590 = arith.index_cast %parallel_loop3A_589 : i32 to index
        %parallel_loop3A_591 = arith.index_cast %parallel_loop3A_544 : i32 to index
        %parallel_loop3A_592 = tpu.vector_load %arg14[%parallel_loop3A_590, %parallel_loop3A_591] {strides = array<i32>} : memref<8x1024xf32, #tpu.memory_space<vmem>>, vector<1x16xf32>,
        %parallel_loop3A_593 = vector.shape_cast %parallel_loop3A_592 : vector<1x16xf32> to vector<16xf32>
        %parallel_loop3A_594 = arith.constant 4 : i32
        %parallel_loop3A_595 = arith.index_cast %parallel_loop3A_594 : i32 to index
        %parallel_loop3A_596 = arith.index_cast %parallel_loop3A_544 : i32 to index
        %parallel_loop3A_597 = tpu.vector_load %arg10[%parallel_loop3A_595, %parallel_loop3A_596] {strides = array<i32>} : memref<8x1024xf32, #tpu.memory_space<vmem>>, vector<1x16xf32>,
        %parallel_loop3A_598 = vector.shape_cast %parallel_loop3A_597 : vector<1x16xf32> to vector<16xf32>
        %parallel_loop3A_599 = vector.shape_cast %parallel_loop3A_593 : vector<16xf32> to vector<1x16xf32>
        tpu.vector_store %arg10[%parallel_loop3A_595, %parallel_loop3A_596], %parallel_loop3A_599 {add = true, strides = array<i32>} : memref<8x1024xf32, #tpu.memory_space<vmem>>, vector<1x16xf32>,
        %parallel_loop3A_600 = arith.constant 5 : i32
        %parallel_loop3A_601 = arith.index_cast %parallel_loop3A_600 : i32 to index
        %parallel_loop3A_602 = arith.index_cast %parallel_loop3A_544 : i32 to index
        %parallel_loop3A_603 = tpu.vector_load %arg14[%parallel_loop3A_601, %parallel_loop3A_602] {strides = array<i32>} : memref<8x1024xf32, #tpu.memory_space<vmem>>, vector<1x16xf32>,
        %parallel_loop3A_604 = vector.shape_cast %parallel_loop3A_603 : vector<1x16xf32> to vector<16xf32>
        %parallel_loop3A_605 = arith.constant 5 : i32
        %parallel_loop3A_606 = arith.index_cast %parallel_loop3A_605 : i32 to index
        %parallel_loop3A_607 = arith.index_cast %parallel_loop3A_544 : i32 to index
        %parallel_loop3A_608 = tpu.vector_load %arg10[%parallel_loop3A_606, %parallel_loop3A_607] {strides = array<i32>} : memref<8x1024xf32, #tpu.memory_space<vmem>>, vector<1x16xf32>,
        %parallel_loop3A_609 = vector.shape_cast %parallel_loop3A_608 : vector<1x16xf32> to vector<16xf32>
        %parallel_loop3A_610 = vector.shape_cast %parallel_loop3A_604 : vector<16xf32> to vector<1x16xf32>
        tpu.vector_store %arg10[%parallel_loop3A_606, %parallel_loop3A_607], %parallel_loop3A_610 {add = true, strides = array<i32>} : memref<8x1024xf32, #tpu.memory_space<vmem>>, vector<1x16xf32>,
        %parallel_loop3A_611 = arith.constant 6 : i32
        %parallel_loop3A_612 = arith.index_cast %parallel_loop3A_611 : i32 to index
        %parallel_loop3A_613 = arith.index_cast %parallel_loop3A_544 : i32 to index
        %parallel_loop3A_614 = tpu.vector_load %arg14[%parallel_loop3A_612, %parallel_loop3A_613] {strides = array<i32>} : memref<8x1024xf32, #tpu.memory_space<vmem>>, vector<1x16xf32>,
        %parallel_loop3A_615 = vector.shape_cast %parallel_loop3A_614 : vector<1x16xf32> to vector<16xf32>
        %parallel_loop3A_616 = arith.constant 6 : i32
        %parallel_loop3A_617 = arith.index_cast %parallel_loop3A_616 : i32 to index
        %parallel_loop3A_618 = arith.index_cast %parallel_loop3A_544 : i32 to index
        %parallel_loop3A_619 = tpu.vector_load %arg10[%parallel_loop3A_617, %parallel_loop3A_618] {strides = array<i32>} : memref<8x1024xf32, #tpu.memory_space<vmem>>, vector<1x16xf32>,
        %parallel_loop3A_620 = vector.shape_cast %parallel_loop3A_619 : vector<1x16xf32> to vector<16xf32>
        %parallel_loop3A_621 = vector.shape_cast %parallel_loop3A_615 : vector<16xf32> to vector<1x16xf32>
        tpu.vector_store %arg10[%parallel_loop3A_617, %parallel_loop3A_618], %parallel_loop3A_621 {add = true, strides = array<i32>} : memref<8x1024xf32, #tpu.memory_space<vmem>>, vector<1x16xf32>,
        %parallel_loop3A_622 = arith.constant 7 : i32
        %parallel_loop3A_623 = arith.index_cast %parallel_loop3A_622 : i32 to index
        %parallel_loop3A_624 = arith.index_cast %parallel_loop3A_544 : i32 to index
        %parallel_loop3A_625 = tpu.vector_load %arg14[%parallel_loop3A_623, %parallel_loop3A_624] {strides = array<i32>} : memref<8x1024xf32, #tpu.memory_space<vmem>>, vector<1x16xf32>,
        %parallel_loop3A_626 = vector.shape_cast %parallel_loop3A_625 : vector<1x16xf32> to vector<16xf32>
        %parallel_loop3A_627 = arith.constant 7 : i32
        %parallel_loop3A_628 = arith.index_cast %parallel_loop3A_627 : i32 to index
        %parallel_loop3A_629 = arith.index_cast %parallel_loop3A_544 : i32 to index
        %parallel_loop3A_630 = tpu.vector_load %arg10[%parallel_loop3A_628, %parallel_loop3A_629] {strides = array<i32>} : memref<8x1024xf32, #tpu.memory_space<vmem>>, vector<1x16xf32>,
        %parallel_loop3A_631 = vector.shape_cast %parallel_loop3A_630 : vector<1x16xf32> to vector<16xf32>
        %parallel_loop3A_632 = vector.shape_cast %parallel_loop3A_626 : vector<16xf32> to vector<1x16xf32>
        tpu.vector_store %arg10[%parallel_loop3A_628, %parallel_loop3A_629], %parallel_loop3A_632 {add = true, strides = array<i32>} : memref<8x1024xf32, #tpu.memory_space<vmem>>, vector<1x16xf32>,
      } {sc.loop_unroll_factor = 4 : i64, sc.parallel_access}
      %mul3A_400 = arith.constant 8 : i32
      %mul3A_401 = arith.muli %add3A_387, %mul3A_400 : i32
      %add3A_402 = arith.addi %mul3A_2, %mul3A_401 : i32
      %dma_start3A_403 = arith.constant 1 : i32
      %dma_start3A_404 = arith.constant 0 : i32
      %dma_start3A_405 = tpu.memref_slice %arg4[%dma_start3A_403, %add3A_402, %dma_start3A_404] : memref<4x8192x1024xf32, #tpu.memory_space<hbm>> -> memref<1x8x1024xf32, #tpu.memory_space<hbm>>
      %dma_start3A_406 = tpu.memref_squeeze %dma_start3A_405 : memref<1x8x1024xf32, #tpu.memory_space<hbm>> -> memref<8x1024xf32, #tpu.memory_space<hbm>>
      %dma_start3A_407 = arith.constant 0 : i32
      %dma_start3A_408 = tpu.memref_slice %arg4[%dma_start3A_403, %add3A_402, %dma_start3A_407] : memref<4x8192x1024xf32, #tpu.memory_space<hbm>> -> memref<1x8x1024xf32, #tpu.memory_space<hbm>>
      %dma_start3A_409 = tpu.memref_squeeze %dma_start3A_408 : memref<1x8x1024xf32, #tpu.memory_space<hbm>> -> memref<8x1024xf32, #tpu.memory_space<hbm>>
      tpu.enqueue_dma source(%arg10 : memref<8x1024xf32, #tpu.memory_space<vmem>>) target(%dma_start3A_409 : memref<8x1024xf32, #tpu.memory_space<hbm>>) target_semaphore(%arg28 : memref<!tpu.dma_semaphore, #tpu.memory_space<semaphore_mem>>)
      %add3A_410 = arith.constant 1 : i32
      %add3A_411 = arith.addi %add3A_387, %add3A_410 : i32
      %min3A_412 = arith.constant 31 : i32
      %min3A_413 = arith.minsi %add3A_411, %min3A_412 : i32
      %dma_wait3A_414 = arith.constant 0 : i32
      %dma_wait3A_415 = arith.constant 0 : i32
      %dma_wait3A_416 = arith.constant 0 : i32
      %dma_wait3A_417 = tpu.memref_slice %arg4[%dma_wait3A_414, %dma_wait3A_415, %dma_wait3A_416] : memref<4x8192x1024xf32, #tpu.memory_space<hbm>> -> memref<1x8x1024xf32, #tpu.memory_space<hbm>>
      %dma_wait3A_418 = tpu.memref_squeeze %dma_wait3A_417 : memref<1x8x1024xf32, #tpu.memory_space<hbm>> -> memref<8x1024xf32, #tpu.memory_space<hbm>>
      %dma_wait3A_419 = arith.constant 0 : i32
      %dma_wait3A_420 = arith.constant 0 : i32
      %dma_wait3A_421 = tpu.memref_slice %arg4[%dma_wait3A_414, %dma_wait3A_419, %dma_wait3A_420] : memref<4x8192x1024xf32, #tpu.memory_space<hbm>> -> memref<1x8x1024xf32, #tpu.memory_space<hbm>>
      %dma_wait3A_422 = tpu.memref_squeeze %dma_wait3A_421 : memref<1x8x1024xf32, #tpu.memory_space<hbm>> -> memref<8x1024xf32, #tpu.memory_space<hbm>>
      tpu.wait_dma2 semaphore(%arg24 : memref<!tpu.dma_semaphore, #tpu.memory_space<semaphore_mem>>) src(%arg6 : memref<8x1024xf32, #tpu.memory_space<vmem>>) dst(%dma_wait3A_422 : memref<8x1024xf32, #tpu.memory_space<hbm>>)
      %mul3A_423 = arith.constant 8 : i32
      %mul3A_424 = arith.muli %min3A_413, %mul3A_423 : i32
      %add3A_425 = arith.addi %mul3A_2, %mul3A_424 : i32
      %dma_start3A_426 = arith.constant 1 : i32
      %dma_start3A_427 = arith.constant 0 : i32
      %dma_start3A_428 = tpu.memref_slice %arg2[%dma_start3A_426, %add3A_425, %dma_start3A_427] : memref<4x8192x1024xf32, #tpu.memory_space<hbm>> -> memref<1x8x1024xf32, #tpu.memory_space<hbm>>
      %dma_start3A_429 = tpu.memref_squeeze %dma_start3A_428 : memref<1x8x1024xf32, #tpu.memory_space<hbm>> -> memref<8x1024xf32, #tpu.memory_space<hbm>>
      %dma_start3A_430 = arith.constant 0 : i32
      %dma_start3A_431 = tpu.memref_slice %arg2[%dma_start3A_426, %add3A_425, %dma_start3A_430] : memref<4x8192x1024xf32, #tpu.memory_space<hbm>> -> memref<1x8x1024xf32, #tpu.memory_space<hbm>>
      %dma_start3A_432 = tpu.memref_squeeze %dma_start3A_431 : memref<1x8x1024xf32, #tpu.memory_space<hbm>> -> memref<8x1024xf32, #tpu.memory_space<hbm>>
      tpu.enqueue_dma source(%dma_start3A_432 : memref<8x1024xf32, #tpu.memory_space<hbm>>) target(%arg6 : memref<8x1024xf32, #tpu.memory_space<vmem>>) target_semaphore(%arg16 : memref<!tpu.dma_semaphore, #tpu.memory_space<semaphore_mem>>)
      %mul3A_433 = arith.constant 2 : i32
      %mul3A_434 = arith.muli %mul3A_433, %scan3A_174 : i32
      %add3A_435 = arith.constant 1 : i32
      %add3A_436 = arith.addi %mul3A_434, %add3A_435 : i32
      %dma_wait3A_437 = arith.constant 0 : i32
      %dma_wait3A_438 = arith.constant 0 : i32
      %dma_wait3A_439 = arith.constant 0 : i32
      %dma_wait3A_440 = tpu.memref_slice %arg2[%dma_wait3A_437, %dma_wait3A_438, %dma_wait3A_439] : memref<4x8192x1024xf32, #tpu.memory_space<hbm>> -> memref<1x8x1024xf32, #tpu.memory_space<hbm>>
      %dma_wait3A_441 = tpu.memref_squeeze %dma_wait3A_440 : memref<1x8x1024xf32, #tpu.memory_space<hbm>> -> memref<8x1024xf32, #tpu.memory_space<hbm>>
      %dma_wait3A_442 = arith.constant 0 : i32
      %dma_wait3A_443 = arith.constant 0 : i32
      %dma_wait3A_444 = tpu.memref_slice %arg2[%dma_wait3A_437, %dma_wait3A_442, %dma_wait3A_443] : memref<4x8192x1024xf32, #tpu.memory_space<hbm>> -> memref<1x8x1024xf32, #tpu.memory_space<hbm>>
      %dma_wait3A_445 = tpu.memref_squeeze %dma_wait3A_444 : memref<1x8x1024xf32, #tpu.memory_space<hbm>> -> memref<8x1024xf32, #tpu.memory_space<hbm>>
      tpu.wait_dma2 semaphore(%arg21 : memref<!tpu.dma_semaphore, #tpu.memory_space<semaphore_mem>>) src(%dma_wait3A_445 : memref<8x1024xf32, #tpu.memory_space<hbm>>) dst(%arg11 : memref<8x1024xf32, #tpu.memory_space<vmem>>)
      %parallel_loop3A_446 = arith.constant 0 : i32
      %parallel_loop3A_447 = arith.constant 1024 : i32
      %parallel_loop3A_448 = arith.constant 16 : i32
      scf.for %parallel_loop3A_544 = %parallel_loop3A_446 to %parallel_loop3A_447 step %parallel_loop3A_448  : i32 {
        %parallel_loop3A_545 = arith.constant 0 : i32
        %parallel_loop3A_546 = arith.index_cast %parallel_loop3A_545 : i32 to index
        %parallel_loop3A_547 = arith.index_cast %parallel_loop3A_544 : i32 to index
        %parallel_loop3A_548 = tpu.vector_load %arg14[%parallel_loop3A_546, %parallel_loop3A_547] {strides = array<i32>} : memref<8x1024xf32, #tpu.memory_space<vmem>>, vector<1x16xf32>,
        %parallel_loop3A_549 = vector.shape_cast %parallel_loop3A_548 : vector<1x16xf32> to vector<16xf32>
        %parallel_loop3A_550 = arith.constant 0 : i32
        %parallel_loop3A_551 = arith.index_cast %parallel_loop3A_550 : i32 to index
        %parallel_loop3A_552 = arith.index_cast %parallel_loop3A_544 : i32 to index
        %parallel_loop3A_553 = tpu.vector_load %arg11[%parallel_loop3A_551, %parallel_loop3A_552] {strides = array<i32>} : memref<8x1024xf32, #tpu.memory_space<vmem>>, vector<1x16xf32>,
        %parallel_loop3A_554 = vector.shape_cast %parallel_loop3A_553 : vector<1x16xf32> to vector<16xf32>
        %parallel_loop3A_555 = vector.shape_cast %parallel_loop3A_549 : vector<16xf32> to vector<1x16xf32>
        tpu.vector_store %arg11[%parallel_loop3A_551, %parallel_loop3A_552], %parallel_loop3A_555 {add = true, strides = array<i32>} : memref<8x1024xf32, #tpu.memory_space<vmem>>, vector<1x16xf32>,
        %parallel_loop3A_556 = arith.constant 1 : i32
        %parallel_loop3A_557 = arith.index_cast %parallel_loop3A_556 : i32 to index
        %parallel_loop3A_558 = arith.index_cast %parallel_loop3A_544 : i32 to index
        %parallel_loop3A_559 = tpu.vector_load %arg14[%parallel_loop3A_557, %parallel_loop3A_558] {strides = array<i32>} : memref<8x1024xf32, #tpu.memory_space<vmem>>, vector<1x16xf32>,
        %parallel_loop3A_560 = vector.shape_cast %parallel_loop3A_559 : vector<1x16xf32> to vector<16xf32>
        %parallel_loop3A_561 = arith.constant 1 : i32
        %parallel_loop3A_562 = arith.index_cast %parallel_loop3A_561 : i32 to index
        %parallel_loop3A_563 = arith.index_cast %parallel_loop3A_544 : i32 to index
        %parallel_loop3A_564 = tpu.vector_load %arg11[%parallel_loop3A_562, %parallel_loop3A_563] {strides = array<i32>} : memref<8x1024xf32, #tpu.memory_space<vmem>>, vector<1x16xf32>,
        %parallel_loop3A_565 = vector.shape_cast %parallel_loop3A_564 : vector<1x16xf32> to vector<16xf32>
        %parallel_loop3A_566 = vector.shape_cast %parallel_loop3A_560 : vector<16xf32> to vector<1x16xf32>
        tpu.vector_store %arg11[%parallel_loop3A_562, %parallel_loop3A_563], %parallel_loop3A_566 {add = true, strides = array<i32>} : memref<8x1024xf32, #tpu.memory_space<vmem>>, vector<1x16xf32>,
        %parallel_loop3A_567 = arith.constant 2 : i32
        %parallel_loop3A_568 = arith.index_cast %parallel_loop3A_567 : i32 to index
        %parallel_loop3A_569 = arith.index_cast %parallel_loop3A_544 : i32 to index
        %parallel_loop3A_570 = tpu.vector_load %arg14[%parallel_loop3A_568, %parallel_loop3A_569] {strides = array<i32>} : memref<8x1024xf32, #tpu.memory_space<vmem>>, vector<1x16xf32>,
        %parallel_loop3A_571 = vector.shape_cast %parallel_loop3A_570 : vector<1x16xf32> to vector<16xf32>
        %parallel_loop3A_572 = arith.constant 2 : i32
        %parallel_loop3A_573 = arith.index_cast %parallel_loop3A_572 : i32 to index
        %parallel_loop3A_574 = arith.index_cast %parallel_loop3A_544 : i32 to index
        %parallel_loop3A_575 = tpu.vector_load %arg11[%parallel_loop3A_573, %parallel_loop3A_574] {strides = array<i32>} : memref<8x1024xf32, #tpu.memory_space<vmem>>, vector<1x16xf32>,
        %parallel_loop3A_576 = vector.shape_cast %parallel_loop3A_575 : vector<1x16xf32> to vector<16xf32>
        %parallel_loop3A_577 = vector.shape_cast %parallel_loop3A_571 : vector<16xf32> to vector<1x16xf32>
        tpu.vector_store %arg11[%parallel_loop3A_573, %parallel_loop3A_574], %parallel_loop3A_577 {add = true, strides = array<i32>} : memref<8x1024xf32, #tpu.memory_space<vmem>>, vector<1x16xf32>,
        %parallel_loop3A_578 = arith.constant 3 : i32
        %parallel_loop3A_579 = arith.index_cast %parallel_loop3A_578 : i32 to index
        %parallel_loop3A_580 = arith.index_cast %parallel_loop3A_544 : i32 to index
        %parallel_loop3A_581 = tpu.vector_load %arg14[%parallel_loop3A_579, %parallel_loop3A_580] {strides = array<i32>} : memref<8x1024xf32, #tpu.memory_space<vmem>>, vector<1x16xf32>,
        %parallel_loop3A_582 = vector.shape_cast %parallel_loop3A_581 : vector<1x16xf32> to vector<16xf32>
        %parallel_loop3A_583 = arith.constant 3 : i32
        %parallel_loop3A_584 = arith.index_cast %parallel_loop3A_583 : i32 to index
        %parallel_loop3A_585 = arith.index_cast %parallel_loop3A_544 : i32 to index
        %parallel_loop3A_586 = tpu.vector_load %arg11[%parallel_loop3A_584, %parallel_loop3A_585] {strides = array<i32>} : memref<8x1024xf32, #tpu.memory_space<vmem>>, vector<1x16xf32>,
        %parallel_loop3A_587 = vector.shape_cast %parallel_loop3A_586 : vector<1x16xf32> to vector<16xf32>
        %parallel_loop3A_588 = vector.shape_cast %parallel_loop3A_582 : vector<16xf32> to vector<1x16xf32>
        tpu.vector_store %arg11[%parallel_loop3A_584, %parallel_loop3A_585], %parallel_loop3A_588 {add = true, strides = array<i32>} : memref<8x1024xf32, #tpu.memory_space<vmem>>, vector<1x16xf32>,
        %parallel_loop3A_589 = arith.constant 4 : i32
        %parallel_loop3A_590 = arith.index_cast %parallel_loop3A_589 : i32 to index
        %parallel_loop3A_591 = arith.index_cast %parallel_loop3A_544 : i32 to index
        %parallel_loop3A_592 = tpu.vector_load %arg14[%parallel_loop3A_590, %parallel_loop3A_591] {strides = array<i32>} : memref<8x1024xf32, #tpu.memory_space<vmem>>, vector<1x16xf32>,
        %parallel_loop3A_593 = vector.shape_cast %parallel_loop3A_592 : vector<1x16xf32> to vector<16xf32>
        %parallel_loop3A_594 = arith.constant 4 : i32
        %parallel_loop3A_595 = arith.index_cast %parallel_loop3A_594 : i32 to index
        %parallel_loop3A_596 = arith.index_cast %parallel_loop3A_544 : i32 to index
        %parallel_loop3A_597 = tpu.vector_load %arg11[%parallel_loop3A_595, %parallel_loop3A_596] {strides = array<i32>} : memref<8x1024xf32, #tpu.memory_space<vmem>>, vector<1x16xf32>,
        %parallel_loop3A_598 = vector.shape_cast %parallel_loop3A_597 : vector<1x16xf32> to vector<16xf32>
        %parallel_loop3A_599 = vector.shape_cast %parallel_loop3A_593 : vector<16xf32> to vector<1x16xf32>
        tpu.vector_store %arg11[%parallel_loop3A_595, %parallel_loop3A_596], %parallel_loop3A_599 {add = true, strides = array<i32>} : memref<8x1024xf32, #tpu.memory_space<vmem>>, vector<1x16xf32>,
        %parallel_loop3A_600 = arith.constant 5 : i32
        %parallel_loop3A_601 = arith.index_cast %parallel_loop3A_600 : i32 to index
        %parallel_loop3A_602 = arith.index_cast %parallel_loop3A_544 : i32 to index
        %parallel_loop3A_603 = tpu.vector_load %arg14[%parallel_loop3A_601, %parallel_loop3A_602] {strides = array<i32>} : memref<8x1024xf32, #tpu.memory_space<vmem>>, vector<1x16xf32>,
        %parallel_loop3A_604 = vector.shape_cast %parallel_loop3A_603 : vector<1x16xf32> to vector<16xf32>
        %parallel_loop3A_605 = arith.constant 5 : i32
        %parallel_loop3A_606 = arith.index_cast %parallel_loop3A_605 : i32 to index
        %parallel_loop3A_607 = arith.index_cast %parallel_loop3A_544 : i32 to index
        %parallel_loop3A_608 = tpu.vector_load %arg11[%parallel_loop3A_606, %parallel_loop3A_607] {strides = array<i32>} : memref<8x1024xf32, #tpu.memory_space<vmem>>, vector<1x16xf32>,
        %parallel_loop3A_609 = vector.shape_cast %parallel_loop3A_608 : vector<1x16xf32> to vector<16xf32>
        %parallel_loop3A_610 = vector.shape_cast %parallel_loop3A_604 : vector<16xf32> to vector<1x16xf32>
        tpu.vector_store %arg11[%parallel_loop3A_606, %parallel_loop3A_607], %parallel_loop3A_610 {add = true, strides = array<i32>} : memref<8x1024xf32, #tpu.memory_space<vmem>>, vector<1x16xf32>,
        %parallel_loop3A_611 = arith.constant 6 : i32
        %parallel_loop3A_612 = arith.index_cast %parallel_loop3A_611 : i32 to index
        %parallel_loop3A_613 = arith.index_cast %parallel_loop3A_544 : i32 to index
        %parallel_loop3A_614 = tpu.vector_load %arg14[%parallel_loop3A_612, %parallel_loop3A_613] {strides = array<i32>} : memref<8x1024xf32, #tpu.memory_space<vmem>>, vector<1x16xf32>,
        %parallel_loop3A_615 = vector.shape_cast %parallel_loop3A_614 : vector<1x16xf32> to vector<16xf32>
        %parallel_loop3A_616 = arith.constant 6 : i32
        %parallel_loop3A_617 = arith.index_cast %parallel_loop3A_616 : i32 to index
        %parallel_loop3A_618 = arith.index_cast %parallel_loop3A_544 : i32 to index
        %parallel_loop3A_619 = tpu.vector_load %arg11[%parallel_loop3A_617, %parallel_loop3A_618] {strides = array<i32>} : memref<8x1024xf32, #tpu.memory_space<vmem>>, vector<1x16xf32>,
        %parallel_loop3A_620 = vector.shape_cast %parallel_loop3A_619 : vector<1x16xf32> to vector<16xf32>
        %parallel_loop3A_621 = vector.shape_cast %parallel_loop3A_615 : vector<16xf32> to vector<1x16xf32>
        tpu.vector_store %arg11[%parallel_loop3A_617, %parallel_loop3A_618], %parallel_loop3A_621 {add = true, strides = array<i32>} : memref<8x1024xf32, #tpu.memory_space<vmem>>, vector<1x16xf32>,
        %parallel_loop3A_622 = arith.constant 7 : i32
        %parallel_loop3A_623 = arith.index_cast %parallel_loop3A_622 : i32 to index
        %parallel_loop3A_624 = arith.index_cast %parallel_loop3A_544 : i32 to index
        %parallel_loop3A_625 = tpu.vector_load %arg14[%parallel_loop3A_623, %parallel_loop3A_624] {strides = array<i32>} : memref<8x1024xf32, #tpu.memory_space<vmem>>, vector<1x16xf32>,
        %parallel_loop3A_626 = vector.shape_cast %parallel_loop3A_625 : vector<1x16xf32> to vector<16xf32>
        %parallel_loop3A_627 = arith.constant 7 : i32
        %parallel_loop3A_628 = arith.index_cast %parallel_loop3A_627 : i32 to index
        %parallel_loop3A_629 = arith.index_cast %parallel_loop3A_544 : i32 to index
        %parallel_loop3A_630 = tpu.vector_load %arg11[%parallel_loop3A_628, %parallel_loop3A_629] {strides = array<i32>} : memref<8x1024xf32, #tpu.memory_space<vmem>>, vector<1x16xf32>,
        %parallel_loop3A_631 = vector.shape_cast %parallel_loop3A_630 : vector<1x16xf32> to vector<16xf32>
        %parallel_loop3A_632 = vector.shape_cast %parallel_loop3A_626 : vector<16xf32> to vector<1x16xf32>
        tpu.vector_store %arg11[%parallel_loop3A_628, %parallel_loop3A_629], %parallel_loop3A_632 {add = true, strides = array<i32>} : memref<8x1024xf32, #tpu.memory_space<vmem>>, vector<1x16xf32>,
      } {sc.loop_unroll_factor = 4 : i64, sc.parallel_access}
      %mul3A_449 = arith.constant 8 : i32
      %mul3A_450 = arith.muli %add3A_436, %mul3A_449 : i32
      %add3A_451 = arith.addi %mul3A_2, %mul3A_450 : i32
      %dma_start3A_452 = arith.constant 2 : i32
      %dma_start3A_453 = arith.constant 0 : i32
      %dma_start3A_454 = tpu.memref_slice %arg4[%dma_start3A_452, %add3A_451, %dma_start3A_453] : memref<4x8192x1024xf32, #tpu.memory_space<hbm>> -> memref<1x8x1024xf32, #tpu.memory_space<hbm>>
      %dma_start3A_455 = tpu.memref_squeeze %dma_start3A_454 : memref<1x8x1024xf32, #tpu.memory_space<hbm>> -> memref<8x1024xf32, #tpu.memory_space<hbm>>
      %dma_start3A_456 = arith.constant 0 : i32
      %dma_start3A_457 = tpu.memref_slice %arg4[%dma_start3A_452, %add3A_451, %dma_start3A_456] : memref<4x8192x1024xf32, #tpu.memory_space<hbm>> -> memref<1x8x1024xf32, #tpu.memory_space<hbm>>
      %dma_start3A_458 = tpu.memref_squeeze %dma_start3A_457 : memref<1x8x1024xf32, #tpu.memory_space<hbm>> -> memref<8x1024xf32, #tpu.memory_space<hbm>>
      tpu.enqueue_dma source(%arg11 : memref<8x1024xf32, #tpu.memory_space<vmem>>) target(%dma_start3A_458 : memref<8x1024xf32, #tpu.memory_space<hbm>>) target_semaphore(%arg29 : memref<!tpu.dma_semaphore, #tpu.memory_space<semaphore_mem>>)
      %add3A_459 = arith.constant 1 : i32
      %add3A_460 = arith.addi %add3A_436, %add3A_459 : i32
      %min3A_461 = arith.constant 31 : i32
      %min3A_462 = arith.minsi %add3A_460, %min3A_461 : i32
      %dma_wait3A_463 = arith.constant 0 : i32
      %dma_wait3A_464 = arith.constant 0 : i32
      %dma_wait3A_465 = arith.constant 0 : i32
      %dma_wait3A_466 = tpu.memref_slice %arg4[%dma_wait3A_463, %dma_wait3A_464, %dma_wait3A_465] : memref<4x8192x1024xf32, #tpu.memory_space<hbm>> -> memref<1x8x1024xf32, #tpu.memory_space<hbm>>
      %dma_wait3A_467 = tpu.memref_squeeze %dma_wait3A_466 : memref<1x8x1024xf32, #tpu.memory_space<hbm>> -> memref<8x1024xf32, #tpu.memory_space<hbm>>
      %dma_wait3A_468 = arith.constant 0 : i32
      %dma_wait3A_469 = arith.constant 0 : i32
      %dma_wait3A_470 = tpu.memref_slice %arg4[%dma_wait3A_463, %dma_wait3A_468, %dma_wait3A_469] : memref<4x8192x1024xf32, #tpu.memory_space<hbm>> -> memref<1x8x1024xf32, #tpu.memory_space<hbm>>
      %dma_wait3A_471 = tpu.memref_squeeze %dma_wait3A_470 : memref<1x8x1024xf32, #tpu.memory_space<hbm>> -> memref<8x1024xf32, #tpu.memory_space<hbm>>
      tpu.wait_dma2 semaphore(%arg25 : memref<!tpu.dma_semaphore, #tpu.memory_space<semaphore_mem>>) src(%arg7 : memref<8x1024xf32, #tpu.memory_space<vmem>>) dst(%dma_wait3A_471 : memref<8x1024xf32, #tpu.memory_space<hbm>>)
      %mul3A_472 = arith.constant 8 : i32
      %mul3A_473 = arith.muli %min3A_462, %mul3A_472 : i32
      %add3A_474 = arith.addi %mul3A_2, %mul3A_473 : i32
      %dma_start3A_475 = arith.constant 2 : i32
      %dma_start3A_476 = arith.constant 0 : i32
      %dma_start3A_477 = tpu.memref_slice %arg2[%dma_start3A_475, %add3A_474, %dma_start3A_476] : memref<4x8192x1024xf32, #tpu.memory_space<hbm>> -> memref<1x8x1024xf32, #tpu.memory_space<hbm>>
      %dma_start3A_478 = tpu.memref_squeeze %dma_start3A_477 : memref<1x8x1024xf32, #tpu.memory_space<hbm>> -> memref<8x1024xf32, #tpu.memory_space<hbm>>
      %dma_start3A_479 = arith.constant 0 : i32
      %dma_start3A_480 = tpu.memref_slice %arg2[%dma_start3A_475, %add3A_474, %dma_start3A_479] : memref<4x8192x1024xf32, #tpu.memory_space<hbm>> -> memref<1x8x1024xf32, #tpu.memory_space<hbm>>
      %dma_start3A_481 = tpu.memref_squeeze %dma_start3A_480 : memref<1x8x1024xf32, #tpu.memory_space<hbm>> -> memref<8x1024xf32, #tpu.memory_space<hbm>>
      tpu.enqueue_dma source(%dma_start3A_481 : memref<8x1024xf32, #tpu.memory_space<hbm>>) target(%arg7 : memref<8x1024xf32, #tpu.memory_space<vmem>>) target_semaphore(%arg17 : memref<!tpu.dma_semaphore, #tpu.memory_space<semaphore_mem>>)
      %mul3A_482 = arith.constant 2 : i32
      %mul3A_483 = arith.muli %mul3A_482, %scan3A_174 : i32
      %add3A_484 = arith.constant 1 : i32
      %add3A_485 = arith.addi %mul3A_483, %add3A_484 : i32
      %dma_wait3A_486 = arith.constant 0 : i32
      %dma_wait3A_487 = arith.constant 0 : i32
      %dma_wait3A_488 = arith.constant 0 : i32
      %dma_wait3A_489 = tpu.memref_slice %arg2[%dma_wait3A_486, %dma_wait3A_487, %dma_wait3A_488] : memref<4x8192x1024xf32, #tpu.memory_space<hbm>> -> memref<1x8x1024xf32, #tpu.memory_space<hbm>>
      %dma_wait3A_490 = tpu.memref_squeeze %dma_wait3A_489 : memref<1x8x1024xf32, #tpu.memory_space<hbm>> -> memref<8x1024xf32, #tpu.memory_space<hbm>>
      %dma_wait3A_491 = arith.constant 0 : i32
      %dma_wait3A_492 = arith.constant 0 : i32
      %dma_wait3A_493 = tpu.memref_slice %arg2[%dma_wait3A_486, %dma_wait3A_491, %dma_wait3A_492] : memref<4x8192x1024xf32, #tpu.memory_space<hbm>> -> memref<1x8x1024xf32, #tpu.memory_space<hbm>>
      %dma_wait3A_494 = tpu.memref_squeeze %dma_wait3A_493 : memref<1x8x1024xf32, #tpu.memory_space<hbm>> -> memref<8x1024xf32, #tpu.memory_space<hbm>>
      tpu.wait_dma2 semaphore(%arg22 : memref<!tpu.dma_semaphore, #tpu.memory_space<semaphore_mem>>) src(%dma_wait3A_494 : memref<8x1024xf32, #tpu.memory_space<hbm>>) dst(%arg12 : memref<8x1024xf32, #tpu.memory_space<vmem>>)
      %parallel_loop3A_495 = arith.constant 0 : i32
      %parallel_loop3A_496 = arith.constant 1024 : i32
      %parallel_loop3A_497 = arith.constant 16 : i32
      scf.for %parallel_loop3A_544 = %parallel_loop3A_495 to %parallel_loop3A_496 step %parallel_loop3A_497  : i32 {
        %parallel_loop3A_545 = arith.constant 0 : i32
        %parallel_loop3A_546 = arith.index_cast %parallel_loop3A_545 : i32 to index
        %parallel_loop3A_547 = arith.index_cast %parallel_loop3A_544 : i32 to index
        %parallel_loop3A_548 = tpu.vector_load %arg14[%parallel_loop3A_546, %parallel_loop3A_547] {strides = array<i32>} : memref<8x1024xf32, #tpu.memory_space<vmem>>, vector<1x16xf32>,
        %parallel_loop3A_549 = vector.shape_cast %parallel_loop3A_548 : vector<1x16xf32> to vector<16xf32>
        %parallel_loop3A_550 = arith.constant 0 : i32
        %parallel_loop3A_551 = arith.index_cast %parallel_loop3A_550 : i32 to index
        %parallel_loop3A_552 = arith.index_cast %parallel_loop3A_544 : i32 to index
        %parallel_loop3A_553 = tpu.vector_load %arg12[%parallel_loop3A_551, %parallel_loop3A_552] {strides = array<i32>} : memref<8x1024xf32, #tpu.memory_space<vmem>>, vector<1x16xf32>,
        %parallel_loop3A_554 = vector.shape_cast %parallel_loop3A_553 : vector<1x16xf32> to vector<16xf32>
        %parallel_loop3A_555 = vector.shape_cast %parallel_loop3A_549 : vector<16xf32> to vector<1x16xf32>
        tpu.vector_store %arg12[%parallel_loop3A_551, %parallel_loop3A_552], %parallel_loop3A_555 {add = true, strides = array<i32>} : memref<8x1024xf32, #tpu.memory_space<vmem>>, vector<1x16xf32>,
        %parallel_loop3A_556 = arith.constant 1 : i32
        %parallel_loop3A_557 = arith.index_cast %parallel_loop3A_556 : i32 to index
        %parallel_loop3A_558 = arith.index_cast %parallel_loop3A_544 : i32 to index
        %parallel_loop3A_559 = tpu.vector_load %arg14[%parallel_loop3A_557, %parallel_loop3A_558] {strides = array<i32>} : memref<8x1024xf32, #tpu.memory_space<vmem>>, vector<1x16xf32>,
        %parallel_loop3A_560 = vector.shape_cast %parallel_loop3A_559 : vector<1x16xf32> to vector<16xf32>
        %parallel_loop3A_561 = arith.constant 1 : i32
        %parallel_loop3A_562 = arith.index_cast %parallel_loop3A_561 : i32 to index
        %parallel_loop3A_563 = arith.index_cast %parallel_loop3A_544 : i32 to index
        %parallel_loop3A_564 = tpu.vector_load %arg12[%parallel_loop3A_562, %parallel_loop3A_563] {strides = array<i32>} : memref<8x1024xf32, #tpu.memory_space<vmem>>, vector<1x16xf32>,
        %parallel_loop3A_565 = vector.shape_cast %parallel_loop3A_564 : vector<1x16xf32> to vector<16xf32>
        %parallel_loop3A_566 = vector.shape_cast %parallel_loop3A_560 : vector<16xf32> to vector<1x16xf32>
        tpu.vector_store %arg12[%parallel_loop3A_562, %parallel_loop3A_563], %parallel_loop3A_566 {add = true, strides = array<i32>} : memref<8x1024xf32, #tpu.memory_space<vmem>>, vector<1x16xf32>,
        %parallel_loop3A_567 = arith.constant 2 : i32
        %parallel_loop3A_568 = arith.index_cast %parallel_loop3A_567 : i32 to index
        %parallel_loop3A_569 = arith.index_cast %parallel_loop3A_544 : i32 to index
        %parallel_loop3A_570 = tpu.vector_load %arg14[%parallel_loop3A_568, %parallel_loop3A_569] {strides = array<i32>} : memref<8x1024xf32, #tpu.memory_space<vmem>>, vector<1x16xf32>,
        %parallel_loop3A_571 = vector.shape_cast %parallel_loop3A_570 : vector<1x16xf32> to vector<16xf32>
        %parallel_loop3A_572 = arith.constant 2 : i32
        %parallel_loop3A_573 = arith.index_cast %parallel_loop3A_572 : i32 to index
        %parallel_loop3A_574 = arith.index_cast %parallel_loop3A_544 : i32 to index
        %parallel_loop3A_575 = tpu.vector_load %arg12[%parallel_loop3A_573, %parallel_loop3A_574] {strides = array<i32>} : memref<8x1024xf32, #tpu.memory_space<vmem>>, vector<1x16xf32>,
        %parallel_loop3A_576 = vector.shape_cast %parallel_loop3A_575 : vector<1x16xf32> to vector<16xf32>
        %parallel_loop3A_577 = vector.shape_cast %parallel_loop3A_571 : vector<16xf32> to vector<1x16xf32>
        tpu.vector_store %arg12[%parallel_loop3A_573, %parallel_loop3A_574], %parallel_loop3A_577 {add = true, strides = array<i32>} : memref<8x1024xf32, #tpu.memory_space<vmem>>, vector<1x16xf32>,
        %parallel_loop3A_578 = arith.constant 3 : i32
        %parallel_loop3A_579 = arith.index_cast %parallel_loop3A_578 : i32 to index
        %parallel_loop3A_580 = arith.index_cast %parallel_loop3A_544 : i32 to index
        %parallel_loop3A_581 = tpu.vector_load %arg14[%parallel_loop3A_579, %parallel_loop3A_580] {strides = array<i32>} : memref<8x1024xf32, #tpu.memory_space<vmem>>, vector<1x16xf32>,
        %parallel_loop3A_582 = vector.shape_cast %parallel_loop3A_581 : vector<1x16xf32> to vector<16xf32>
        %parallel_loop3A_583 = arith.constant 3 : i32
        %parallel_loop3A_584 = arith.index_cast %parallel_loop3A_583 : i32 to index
        %parallel_loop3A_585 = arith.index_cast %parallel_loop3A_544 : i32 to index
        %parallel_loop3A_586 = tpu.vector_load %arg12[%parallel_loop3A_584, %parallel_loop3A_585] {strides = array<i32>} : memref<8x1024xf32, #tpu.memory_space<vmem>>, vector<1x16xf32>,
        %parallel_loop3A_587 = vector.shape_cast %parallel_loop3A_586 : vector<1x16xf32> to vector<16xf32>
        %parallel_loop3A_588 = vector.shape_cast %parallel_loop3A_582 : vector<16xf32> to vector<1x16xf32>
        tpu.vector_store %arg12[%parallel_loop3A_584, %parallel_loop3A_585], %parallel_loop3A_588 {add = true, strides = array<i32>} : memref<8x1024xf32, #tpu.memory_space<vmem>>, vector<1x16xf32>,
        %parallel_loop3A_589 = arith.constant 4 : i32
        %parallel_loop3A_590 = arith.index_cast %parallel_loop3A_589 : i32 to index
        %parallel_loop3A_591 = arith.index_cast %parallel_loop3A_544 : i32 to index
        %parallel_loop3A_592 = tpu.vector_load %arg14[%parallel_loop3A_590, %parallel_loop3A_591] {strides = array<i32>} : memref<8x1024xf32, #tpu.memory_space<vmem>>, vector<1x16xf32>,
        %parallel_loop3A_593 = vector.shape_cast %parallel_loop3A_592 : vector<1x16xf32> to vector<16xf32>
        %parallel_loop3A_594 = arith.constant 4 : i32
        %parallel_loop3A_595 = arith.index_cast %parallel_loop3A_594 : i32 to index
        %parallel_loop3A_596 = arith.index_cast %parallel_loop3A_544 : i32 to index
        %parallel_loop3A_597 = tpu.vector_load %arg12[%parallel_loop3A_595, %parallel_loop3A_596] {strides = array<i32>} : memref<8x1024xf32, #tpu.memory_space<vmem>>, vector<1x16xf32>,
        %parallel_loop3A_598 = vector.shape_cast %parallel_loop3A_597 : vector<1x16xf32> to vector<16xf32>
        %parallel_loop3A_599 = vector.shape_cast %parallel_loop3A_593 : vector<16xf32> to vector<1x16xf32>
        tpu.vector_store %arg12[%parallel_loop3A_595, %parallel_loop3A_596], %parallel_loop3A_599 {add = true, strides = array<i32>} : memref<8x1024xf32, #tpu.memory_space<vmem>>, vector<1x16xf32>,
        %parallel_loop3A_600 = arith.constant 5 : i32
        %parallel_loop3A_601 = arith.index_cast %parallel_loop3A_600 : i32 to index
        %parallel_loop3A_602 = arith.index_cast %parallel_loop3A_544 : i32 to index
        %parallel_loop3A_603 = tpu.vector_load %arg14[%parallel_loop3A_601, %parallel_loop3A_602] {strides = array<i32>} : memref<8x1024xf32, #tpu.memory_space<vmem>>, vector<1x16xf32>,
        %parallel_loop3A_604 = vector.shape_cast %parallel_loop3A_603 : vector<1x16xf32> to vector<16xf32>
        %parallel_loop3A_605 = arith.constant 5 : i32
        %parallel_loop3A_606 = arith.index_cast %parallel_loop3A_605 : i32 to index
        %parallel_loop3A_607 = arith.index_cast %parallel_loop3A_544 : i32 to index
        %parallel_loop3A_608 = tpu.vector_load %arg12[%parallel_loop3A_606, %parallel_loop3A_607] {strides = array<i32>} : memref<8x1024xf32, #tpu.memory_space<vmem>>, vector<1x16xf32>,
        %parallel_loop3A_609 = vector.shape_cast %parallel_loop3A_608 : vector<1x16xf32> to vector<16xf32>
        %parallel_loop3A_610 = vector.shape_cast %parallel_loop3A_604 : vector<16xf32> to vector<1x16xf32>
        tpu.vector_store %arg12[%parallel_loop3A_606, %parallel_loop3A_607], %parallel_loop3A_610 {add = true, strides = array<i32>} : memref<8x1024xf32, #tpu.memory_space<vmem>>, vector<1x16xf32>,
        %parallel_loop3A_611 = arith.constant 6 : i32
        %parallel_loop3A_612 = arith.index_cast %parallel_loop3A_611 : i32 to index
        %parallel_loop3A_613 = arith.index_cast %parallel_loop3A_544 : i32 to index
        %parallel_loop3A_614 = tpu.vector_load %arg14[%parallel_loop3A_612, %parallel_loop3A_613] {strides = array<i32>} : memref<8x1024xf32, #tpu.memory_space<vmem>>, vector<1x16xf32>,
        %parallel_loop3A_615 = vector.shape_cast %parallel_loop3A_614 : vector<1x16xf32> to vector<16xf32>
        %parallel_loop3A_616 = arith.constant 6 : i32
        %parallel_loop3A_617 = arith.index_cast %parallel_loop3A_616 : i32 to index
        %parallel_loop3A_618 = arith.index_cast %parallel_loop3A_544 : i32 to index
        %parallel_loop3A_619 = tpu.vector_load %arg12[%parallel_loop3A_617, %parallel_loop3A_618] {strides = array<i32>} : memref<8x1024xf32, #tpu.memory_space<vmem>>, vector<1x16xf32>,
        %parallel_loop3A_620 = vector.shape_cast %parallel_loop3A_619 : vector<1x16xf32> to vector<16xf32>
        %parallel_loop3A_621 = vector.shape_cast %parallel_loop3A_615 : vector<16xf32> to vector<1x16xf32>
        tpu.vector_store %arg12[%parallel_loop3A_617, %parallel_loop3A_618], %parallel_loop3A_621 {add = true, strides = array<i32>} : memref<8x1024xf32, #tpu.memory_space<vmem>>, vector<1x16xf32>,
        %parallel_loop3A_622 = arith.constant 7 : i32
        %parallel_loop3A_623 = arith.index_cast %parallel_loop3A_622 : i32 to index
        %parallel_loop3A_624 = arith.index_cast %parallel_loop3A_544 : i32 to index
        %parallel_loop3A_625 = tpu.vector_load %arg14[%parallel_loop3A_623, %parallel_loop3A_624] {strides = array<i32>} : memref<8x1024xf32, #tpu.memory_space<vmem>>, vector<1x16xf32>,
        %parallel_loop3A_626 = vector.shape_cast %parallel_loop3A_625 : vector<1x16xf32> to vector<16xf32>
        %parallel_loop3A_627 = arith.constant 7 : i32
        %parallel_loop3A_628 = arith.index_cast %parallel_loop3A_627 : i32 to index
        %parallel_loop3A_629 = arith.index_cast %parallel_loop3A_544 : i32 to index
        %parallel_loop3A_630 = tpu.vector_load %arg12[%parallel_loop3A_628, %parallel_loop3A_629] {strides = array<i32>} : memref<8x1024xf32, #tpu.memory_space<vmem>>, vector<1x16xf32>,
        %parallel_loop3A_631 = vector.shape_cast %parallel_loop3A_630 : vector<1x16xf32> to vector<16xf32>
        %parallel_loop3A_632 = vector.shape_cast %parallel_loop3A_626 : vector<16xf32> to vector<1x16xf32>
        tpu.vector_store %arg12[%parallel_loop3A_628, %parallel_loop3A_629], %parallel_loop3A_632 {add = true, strides = array<i32>} : memref<8x1024xf32, #tpu.memory_space<vmem>>, vector<1x16xf32>,
      } {sc.loop_unroll_factor = 4 : i64, sc.parallel_access}
      %mul3A_498 = arith.constant 8 : i32
      %mul3A_499 = arith.muli %add3A_485, %mul3A_498 : i32
      %add3A_500 = arith.addi %mul3A_2, %mul3A_499 : i32
      %dma_start3A_501 = arith.constant 3 : i32
      %dma_start3A_502 = arith.constant 0 : i32
      %dma_start3A_503 = tpu.memref_slice %arg4[%dma_start3A_501, %add3A_500, %dma_start3A_502] : memref<4x8192x1024xf32, #tpu.memory_space<hbm>> -> memref<1x8x1024xf32, #tpu.memory_space<hbm>>
      %dma_start3A_504 = tpu.memref_squeeze %dma_start3A_503 : memref<1x8x1024xf32, #tpu.memory_space<hbm>> -> memref<8x1024xf32, #tpu.memory_space<hbm>>
      %dma_start3A_505 = arith.constant 0 : i32
      %dma_start3A_506 = tpu.memref_slice %arg4[%dma_start3A_501, %add3A_500, %dma_start3A_505] : memref<4x8192x1024xf32, #tpu.memory_space<hbm>> -> memref<1x8x1024xf32, #tpu.memory_space<hbm>>
      %dma_start3A_507 = tpu.memref_squeeze %dma_start3A_506 : memref<1x8x1024xf32, #tpu.memory_space<hbm>> -> memref<8x1024xf32, #tpu.memory_space<hbm>>
      tpu.enqueue_dma source(%arg12 : memref<8x1024xf32, #tpu.memory_space<vmem>>) target(%dma_start3A_507 : memref<8x1024xf32, #tpu.memory_space<hbm>>) target_semaphore(%arg30 : memref<!tpu.dma_semaphore, #tpu.memory_space<semaphore_mem>>)
      %mul3A_508 = arith.constant 2 : i32
      %mul3A_509 = arith.muli %mul3A_508, %scan3A_174 : i32
      %add3A_510 = arith.constant 3 : i32
      %add3A_511 = arith.addi %mul3A_509, %add3A_510 : i32
      %min3A_512 = arith.constant 31 : i32
      %min3A_513 = arith.minsi %add3A_511, %min3A_512 : i32
      %mul3A_514 = arith.constant 8 : i32
      %mul3A_515 = arith.muli %min3A_513, %mul3A_514 : i32
      %add3A_516 = arith.addi %mul3A_2, %mul3A_515 : i32
      %dma_start3A_517 = arith.constant 0 : i32
      %dma_start3A_518 = tpu.memref_slice %arg3[%add3A_516, %dma_start3A_517] : memref<8192x1024xf32, #tpu.memory_space<hbm>> -> memref<8x1024xf32, #tpu.memory_space<hbm>>
      %dma_start3A_519 = arith.constant 0 : i32
      %dma_start3A_520 = tpu.memref_slice %arg3[%add3A_516, %dma_start3A_519] : memref<8192x1024xf32, #tpu.memory_space<hbm>> -> memref<8x1024xf32, #tpu.memory_space<hbm>>
      tpu.enqueue_dma source(%dma_start3A_520 : memref<8x1024xf32, #tpu.memory_space<hbm>>) target(%arg14 : memref<8x1024xf32, #tpu.memory_space<vmem>>) target_semaphore(%arg32 : memref<!tpu.dma_semaphore, #tpu.memory_space<semaphore_mem>>)
      %add3A_521 = arith.constant 1 : i32
      %add3A_522 = arith.addi %add3A_485, %add3A_521 : i32
      %min3A_523 = arith.constant 31 : i32
      %min3A_524 = arith.minsi %add3A_522, %min3A_523 : i32
      %dma_wait3A_525 = arith.constant 0 : i32
      %dma_wait3A_526 = arith.constant 0 : i32
      %dma_wait3A_527 = arith.constant 0 : i32
      %dma_wait3A_528 = tpu.memref_slice %arg4[%dma_wait3A_525, %dma_wait3A_526, %dma_wait3A_527] : memref<4x8192x1024xf32, #tpu.memory_space<hbm>> -> memref<1x8x1024xf32, #tpu.memory_space<hbm>>
      %dma_wait3A_529 = tpu.memref_squeeze %dma_wait3A_528 : memref<1x8x1024xf32, #tpu.memory_space<hbm>> -> memref<8x1024xf32, #tpu.memory_space<hbm>>
      %dma_wait3A_530 = arith.constant 0 : i32
      %dma_wait3A_531 = arith.constant 0 : i32
      %dma_wait3A_532 = tpu.memref_slice %arg4[%dma_wait3A_525, %dma_wait3A_530, %dma_wait3A_531] : memref<4x8192x1024xf32, #tpu.memory_space<hbm>> -> memref<1x8x1024xf32, #tpu.memory_space<hbm>>
      %dma_wait3A_533 = tpu.memref_squeeze %dma_wait3A_532 : memref<1x8x1024xf32, #tpu.memory_space<hbm>> -> memref<8x1024xf32, #tpu.memory_space<hbm>>
      tpu.wait_dma2 semaphore(%arg26 : memref<!tpu.dma_semaphore, #tpu.memory_space<semaphore_mem>>) src(%arg8 : memref<8x1024xf32, #tpu.memory_space<vmem>>) dst(%dma_wait3A_533 : memref<8x1024xf32, #tpu.memory_space<hbm>>)
      %mul3A_534 = arith.constant 8 : i32
      %mul3A_535 = arith.muli %min3A_524, %mul3A_534 : i32
      %add3A_536 = arith.addi %mul3A_2, %mul3A_535 : i32
      %dma_start3A_537 = arith.constant 3 : i32
      %dma_start3A_538 = arith.constant 0 : i32
      %dma_start3A_539 = tpu.memref_slice %arg2[%dma_start3A_537, %add3A_536, %dma_start3A_538] : memref<4x8192x1024xf32, #tpu.memory_space<hbm>> -> memref<1x8x1024xf32, #tpu.memory_space<hbm>>
      %dma_start3A_540 = tpu.memref_squeeze %dma_start3A_539 : memref<1x8x1024xf32, #tpu.memory_space<hbm>> -> memref<8x1024xf32, #tpu.memory_space<hbm>>
      %dma_start3A_541 = arith.constant 0 : i32
      %dma_start3A_542 = tpu.memref_slice %arg2[%dma_start3A_537, %add3A_536, %dma_start3A_541] : memref<4x8192x1024xf32, #tpu.memory_space<hbm>> -> memref<1x8x1024xf32, #tpu.memory_space<hbm>>
      %dma_start3A_543 = tpu.memref_squeeze %dma_start3A_542 : memref<1x8x1024xf32, #tpu.memory_space<hbm>> -> memref<8x1024xf32, #tpu.memory_space<hbm>>
      tpu.enqueue_dma source(%dma_start3A_543 : memref<8x1024xf32, #tpu.memory_space<hbm>>) target(%arg8 : memref<8x1024xf32, #tpu.memory_space<vmem>>) target_semaphore(%arg18 : memref<!tpu.dma_semaphore, #tpu.memory_space<semaphore_mem>>)
    }
    %scan3A_90 = arith.constant 16 : i32
    %dma_wait3A = arith.constant 0 : i32
    %dma_wait3A_91 = arith.constant 0 : i32
    %dma_wait3A_92 = arith.constant 0 : i32
    %dma_wait3A_93 = tpu.memref_slice %arg4[%dma_wait3A, %dma_wait3A_91, %dma_wait3A_92] : memref<4x8192x1024xf32, #tpu.memory_space<hbm>> -> memref<1x8x1024xf32, #tpu.memory_space<hbm>>
    %dma_wait3A_94 = tpu.memref_squeeze %dma_wait3A_93 : memref<1x8x1024xf32, #tpu.memory_space<hbm>> -> memref<8x1024xf32, #tpu.memory_space<hbm>>
    %dma_wait3A_95 = arith.constant 0 : i32
    %dma_wait3A_96 = arith.constant 0 : i32
    %dma_wait3A_97 = tpu.memref_slice %arg4[%dma_wait3A, %dma_wait3A_95, %dma_wait3A_96] : memref<4x8192x1024xf32, #tpu.memory_space<hbm>> -> memref<1x8x1024xf32, #tpu.memory_space<hbm>>
    %dma_wait3A_98 = tpu.memref_squeeze %dma_wait3A_97 : memref<1x8x1024xf32, #tpu.memory_space<hbm>> -> memref<8x1024xf32, #tpu.memory_space<hbm>>
    tpu.wait_dma2 semaphore(%arg27 : memref<!tpu.dma_semaphore, #tpu.memory_space<semaphore_mem>>) src(%arg9 : memref<8x1024xf32, #tpu.memory_space<vmem>>) dst(%dma_wait3A_98 : memref<8x1024xf32, #tpu.memory_space<hbm>>)
    %dma_wait3A_99 = arith.constant 0 : i32
    %dma_wait3A_100 = arith.constant 0 : i32
    %dma_wait3A_101 = arith.constant 0 : i32
    %dma_wait3A_102 = tpu.memref_slice %arg4[%dma_wait3A_99, %dma_wait3A_100, %dma_wait3A_101] : memref<4x8192x1024xf32, #tpu.memory_space<hbm>> -> memref<1x8x1024xf32, #tpu.memory_space<hbm>>
    %dma_wait3A_103 = tpu.memref_squeeze %dma_wait3A_102 : memref<1x8x1024xf32, #tpu.memory_space<hbm>> -> memref<8x1024xf32, #tpu.memory_space<hbm>>
    %dma_wait3A_104 = arith.constant 0 : i32
    %dma_wait3A_105 = arith.constant 0 : i32
    %dma_wait3A_106 = tpu.memref_slice %arg4[%dma_wait3A_99, %dma_wait3A_104, %dma_wait3A_105] : memref<4x8192x1024xf32, #tpu.memory_space<hbm>> -> memref<1x8x1024xf32, #tpu.memory_space<hbm>>
    %dma_wait3A_107 = tpu.memref_squeeze %dma_wait3A_106 : memref<1x8x1024xf32, #tpu.memory_space<hbm>> -> memref<8x1024xf32, #tpu.memory_space<hbm>>
    tpu.wait_dma2 semaphore(%arg28 : memref<!tpu.dma_semaphore, #tpu.memory_space<semaphore_mem>>) src(%arg10 : memref<8x1024xf32, #tpu.memory_space<vmem>>) dst(%dma_wait3A_107 : memref<8x1024xf32, #tpu.memory_space<hbm>>)
    %dma_wait3A_108 = arith.constant 0 : i32
    %dma_wait3A_109 = arith.constant 0 : i32
    %dma_wait3A_110 = arith.constant 0 : i32
    %dma_wait3A_111 = tpu.memref_slice %arg4[%dma_wait3A_108, %dma_wait3A_109, %dma_wait3A_110] : memref<4x8192x1024xf32, #tpu.memory_space<hbm>> -> memref<1x8x1024xf32, #tpu.memory_space<hbm>>
    %dma_wait3A_112 = tpu.memref_squeeze %dma_wait3A_111 : memref<1x8x1024xf32, #tpu.memory_space<hbm>> -> memref<8x1024xf32, #tpu.memory_space<hbm>>
    %dma_wait3A_113 = arith.constant 0 : i32
    %dma_wait3A_114 = arith.constant 0 : i32
    %dma_wait3A_115 = tpu.memref_slice %arg4[%dma_wait3A_108, %dma_wait3A_113, %dma_wait3A_114] : memref<4x8192x1024xf32, #tpu.memory_space<hbm>> -> memref<1x8x1024xf32, #tpu.memory_space<hbm>>
    %dma_wait3A_116 = tpu.memref_squeeze %dma_wait3A_115 : memref<1x8x1024xf32, #tpu.memory_space<hbm>> -> memref<8x1024xf32, #tpu.memory_space<hbm>>
    tpu.wait_dma2 semaphore(%arg29 : memref<!tpu.dma_semaphore, #tpu.memory_space<semaphore_mem>>) src(%arg11 : memref<8x1024xf32, #tpu.memory_space<vmem>>) dst(%dma_wait3A_116 : memref<8x1024xf32, #tpu.memory_space<hbm>>)
    %dma_wait3A_117 = arith.constant 0 : i32
    %dma_wait3A_118 = arith.constant 0 : i32
    %dma_wait3A_119 = arith.constant 0 : i32
    %dma_wait3A_120 = tpu.memref_slice %arg4[%dma_wait3A_117, %dma_wait3A_118, %dma_wait3A_119] : memref<4x8192x1024xf32, #tpu.memory_space<hbm>> -> memref<1x8x1024xf32, #tpu.memory_space<hbm>>
    %dma_wait3A_121 = tpu.memref_squeeze %dma_wait3A_120 : memref<1x8x1024xf32, #tpu.memory_space<hbm>> -> memref<8x1024xf32, #tpu.memory_space<hbm>>
    %dma_wait3A_122 = arith.constant 0 : i32
    %dma_wait3A_123 = arith.constant 0 : i32
    %dma_wait3A_124 = tpu.memref_slice %arg4[%dma_wait3A_117, %dma_wait3A_122, %dma_wait3A_123] : memref<4x8192x1024xf32, #tpu.memory_space<hbm>> -> memref<1x8x1024xf32, #tpu.memory_space<hbm>>
    %dma_wait3A_125 = tpu.memref_squeeze %dma_wait3A_124 : memref<1x8x1024xf32, #tpu.memory_space<hbm>> -> memref<8x1024xf32, #tpu.memory_space<hbm>>
    tpu.wait_dma2 semaphore(%arg30 : memref<!tpu.dma_semaphore, #tpu.memory_space<semaphore_mem>>) src(%arg12 : memref<8x1024xf32, #tpu.memory_space<vmem>>) dst(%dma_wait3A_125 : memref<8x1024xf32, #tpu.memory_space<hbm>>)
    %dma_wait3A_126 = arith.constant 0 : i32
    %dma_wait3A_127 = arith.constant 0 : i32
    %dma_wait3A_128 = arith.constant 0 : i32
    %dma_wait3A_129 = tpu.memref_slice %arg2[%dma_wait3A_126, %dma_wait3A_127, %dma_wait3A_128] : memref<4x8192x1024xf32, #tpu.memory_space<hbm>> -> memref<1x8x1024xf32, #tpu.memory_space<hbm>>
    %dma_wait3A_130 = tpu.memref_squeeze %dma_wait3A_129 : memref<1x8x1024xf32, #tpu.memory_space<hbm>> -> memref<8x1024xf32, #tpu.memory_space<hbm>>
    %dma_wait3A_131 = arith.constant 0 : i32
    %dma_wait3A_132 = arith.constant 0 : i32
    %dma_wait3A_133 = tpu.memref_slice %arg2[%dma_wait3A_126, %dma_wait3A_131, %dma_wait3A_132] : memref<4x8192x1024xf32, #tpu.memory_space<hbm>> -> memref<1x8x1024xf32, #tpu.memory_space<hbm>>
    %dma_wait3A_134 = tpu.memref_squeeze %dma_wait3A_133 : memref<1x8x1024xf32, #tpu.memory_space<hbm>> -> memref<8x1024xf32, #tpu.memory_space<hbm>>
    tpu.wait_dma2 semaphore(%arg15 : memref<!tpu.dma_semaphore, #tpu.memory_space<semaphore_mem>>) src(%dma_wait3A_134 : memref<8x1024xf32, #tpu.memory_space<hbm>>) dst(%arg5 : memref<8x1024xf32, #tpu.memory_space<vmem>>)
    %dma_wait3A_135 = arith.constant 0 : i32
    %dma_wait3A_136 = arith.constant 0 : i32
    %dma_wait3A_137 = arith.constant 0 : i32
    %dma_wait3A_138 = tpu.memref_slice %arg2[%dma_wait3A_135, %dma_wait3A_136, %dma_wait3A_137] : memref<4x8192x1024xf32, #tpu.memory_space<hbm>> -> memref<1x8x1024xf32, #tpu.memory_space<hbm>>
    %dma_wait3A_139 = tpu.memref_squeeze %dma_wait3A_138 : memref<1x8x1024xf32, #tpu.memory_space<hbm>> -> memref<8x1024xf32, #tpu.memory_space<hbm>>
    %dma_wait3A_140 = arith.constant 0 : i32
    %dma_wait3A_141 = arith.constant 0 : i32
    %dma_wait3A_142 = tpu.memref_slice %arg2[%dma_wait3A_135, %dma_wait3A_140, %dma_wait3A_141] : memref<4x8192x1024xf32, #tpu.memory_space<hbm>> -> memref<1x8x1024xf32, #tpu.memory_space<hbm>>
    %dma_wait3A_143 = tpu.memref_squeeze %dma_wait3A_142 : memref<1x8x1024xf32, #tpu.memory_space<hbm>> -> memref<8x1024xf32, #tpu.memory_space<hbm>>
    tpu.wait_dma2 semaphore(%arg16 : memref<!tpu.dma_semaphore, #tpu.memory_space<semaphore_mem>>) src(%dma_wait3A_143 : memref<8x1024xf32, #tpu.memory_space<hbm>>) dst(%arg6 : memref<8x1024xf32, #tpu.memory_space<vmem>>)
    %dma_wait3A_144 = arith.constant 0 : i32
    %dma_wait3A_145 = arith.constant 0 : i32
    %dma_wait3A_146 = arith.constant 0 : i32
    %dma_wait3A_147 = tpu.memref_slice %arg2[%dma_wait3A_144, %dma_wait3A_145, %dma_wait3A_146] : memref<4x8192x1024xf32, #tpu.memory_space<hbm>> -> memref<1x8x1024xf32, #tpu.memory_space<hbm>>
    %dma_wait3A_148 = tpu.memref_squeeze %dma_wait3A_147 : memref<1x8x1024xf32, #tpu.memory_space<hbm>> -> memref<8x1024xf32, #tpu.memory_space<hbm>>
    %dma_wait3A_149 = arith.constant 0 : i32
    %dma_wait3A_150 = arith.constant 0 : i32
    %dma_wait3A_151 = tpu.memref_slice %arg2[%dma_wait3A_144, %dma_wait3A_149, %dma_wait3A_150] : memref<4x8192x1024xf32, #tpu.memory_space<hbm>> -> memref<1x8x1024xf32, #tpu.memory_space<hbm>>
    %dma_wait3A_152 = tpu.memref_squeeze %dma_wait3A_151 : memref<1x8x1024xf32, #tpu.memory_space<hbm>> -> memref<8x1024xf32, #tpu.memory_space<hbm>>
    tpu.wait_dma2 semaphore(%arg17 : memref<!tpu.dma_semaphore, #tpu.memory_space<semaphore_mem>>) src(%dma_wait3A_152 : memref<8x1024xf32, #tpu.memory_space<hbm>>) dst(%arg7 : memref<8x1024xf32, #tpu.memory_space<vmem>>)
    %dma_wait3A_153 = arith.constant 0 : i32
    %dma_wait3A_154 = arith.constant 0 : i32
    %dma_wait3A_155 = arith.constant 0 : i32
    %dma_wait3A_156 = tpu.memref_slice %arg2[%dma_wait3A_153, %dma_wait3A_154, %dma_wait3A_155] : memref<4x8192x1024xf32, #tpu.memory_space<hbm>> -> memref<1x8x1024xf32, #tpu.memory_space<hbm>>
    %dma_wait3A_157 = tpu.memref_squeeze %dma_wait3A_156 : memref<1x8x1024xf32, #tpu.memory_space<hbm>> -> memref<8x1024xf32, #tpu.memory_space<hbm>>
    %dma_wait3A_158 = arith.constant 0 : i32
    %dma_wait3A_159 = arith.constant 0 : i32
    %dma_wait3A_160 = tpu.memref_slice %arg2[%dma_wait3A_153, %dma_wait3A_158, %dma_wait3A_159] : memref<4x8192x1024xf32, #tpu.memory_space<hbm>> -> memref<1x8x1024xf32, #tpu.memory_space<hbm>>
    %dma_wait3A_161 = tpu.memref_squeeze %dma_wait3A_160 : memref<1x8x1024xf32, #tpu.memory_space<hbm>> -> memref<8x1024xf32, #tpu.memory_space<hbm>>
    tpu.wait_dma2 semaphore(%arg18 : memref<!tpu.dma_semaphore, #tpu.memory_space<semaphore_mem>>) src(%dma_wait3A_161 : memref<8x1024xf32, #tpu.memory_space<hbm>>) dst(%arg8 : memref<8x1024xf32, #tpu.memory_space<vmem>>)
    %dma_wait3A_162 = arith.constant 0 : i32
    %dma_wait3A_163 = arith.constant 0 : i32
    %dma_wait3A_164 = tpu.memref_slice %arg3[%dma_wait3A_162, %dma_wait3A_163] : memref<8192x1024xf32, #tpu.memory_space<hbm>> -> memref<8x1024xf32, #tpu.memory_space<hbm>>
    %dma_wait3A_165 = arith.constant 0 : i32
    %dma_wait3A_166 = arith.constant 0 : i32
    %dma_wait3A_167 = tpu.memref_slice %arg3[%dma_wait3A_165, %dma_wait3A_166] : memref<8192x1024xf32, #tpu.memory_space<hbm>> -> memref<8x1024xf32, #tpu.memory_space<hbm>>
    tpu.wait_dma2 semaphore(%arg31 : memref<!tpu.dma_semaphore, #tpu.memory_space<semaphore_mem>>) src(%dma_wait3A_167 : memref<8x1024xf32, #tpu.memory_space<hbm>>) dst(%arg13 : memref<8x1024xf32, #tpu.memory_space<vmem>>)
    %dma_wait3A_168 = arith.constant 0 : i32
    %dma_wait3A_169 = arith.constant 0 : i32
    %dma_wait3A_170 = tpu.memref_slice %arg3[%dma_wait3A_168, %dma_wait3A_169] : memref<8192x1024xf32, #tpu.memory_space<hbm>> -> memref<8x1024xf32, #tpu.memory_space<hbm>>
    %dma_wait3A_171 = arith.constant 0 : i32
    %dma_wait3A_172 = arith.constant 0 : i32
    %dma_wait3A_173 = tpu.memref_slice %arg3[%dma_wait3A_171, %dma_wait3A_172] : memref<8192x1024xf32, #tpu.memory_space<hbm>> -> memref<8x1024xf32, #tpu.memory_space<hbm>>
    tpu.wait_dma2 semaphore(%arg32 : memref<!tpu.dma_semaphore, #tpu.memory_space<semaphore_mem>>) src(%dma_wait3A_173 : memref<8x1024xf32, #tpu.memory_space<hbm>>) dst(%arg14 : memref<8x1024xf32, #tpu.memory_space<vmem>>)
    return
  }
}

</mosaic_0001>

<sc_bundles>
// kernel: kernel.3.cloned.1.call-start
scs
__scs_entry_jumppad:
0x0: {  	(pc) =	sbr.rel $0x88, $3  }
0x1: {  	(tag) =	ssettag $0x0;
	lr =	simm.s32 $0x1  }
0x2: {  	[smem:$0x3F9F] =	sst lr;
	_ =	strace $0xD0000000  }
0x3: {  	_ = 	snop  }
0x4: {  	_ = 	snop  }
0x5: {  	_ = 	snop  }
0x6: {  	_ = 	snop  }
0x7: {  	_ = 	snop  }
__scs_overlays_trampoline_lowered:
0x8: {  	[smem:$0x3FAE] =	sst s0  }
0x9: {  	[smem:$0x3FAF] =	sst s1  }
0xa: {  	[smem:$0x3FB0] =	sst s2  }
0xb: {  	[smem:$0x3FB1] =	sst s3  }
0xc: {  	[smem:$0x3FB2] =	sst s4  }
0xd: {  	[smem:$0x3FB3] =	sst s5  }
0xe: {  	[smem:$0x3FB4] =	sst s6  }
0xf: {  	[smem:$0x3FB5] =	sst s7  }
0x10: {  	[smem:$0x3FB6] =	sst s8  }
0x11: {  	[smem:$0x3FB7] =	sst s9;
	s0 =	simm.s32 @!p0 $0x0  }
0x12: {  	s1 =	sld [smem:$0x3F9D];
	s0 =	simm.s32 @p0 $0x1  }
0x13: {  	[smem:$0x3FB8] =	sst s0;
	s0 =	simm.s32 @!p1 $0x0  }
0x14: {  	s2 =	sld [smem:$0x3F9C];
	s0 =	simm.s32 @p1 $0x1  }
0x15: {  	[smem:$0x3FB9] =	sst s0;
	s0 =	simm.s32 @!p2 $0x0  }
0x16: {  	s3 =	sld [smem:$0x3FDB];
	s0 =	simm.s32 @p2 $0x1  }
0x17: {  	s4 =	simm.s32 $0x1BF5;
	[smem:$0x3FBB] =	sst s0  }
0x18: {  	s0 =	sld [smem:$0x3F9E];
	_ =	swait.ge [sflag:s4], $0x0  }
0x19: {  	s7 =	sld [smem:$0x3F9F]  }
0x1a: {  	s8 =	sadd.s32 $0xFFFFE003, lr  }
0x1b: {  	s9 =	sadd.s32 $0xFFFFFEF7, lr;
	s5 =	simm.s32 $0xFFFFFFFF;
	p2 =	slt.u32 s8, $0xFFFFF086  }
0x1c: {  	p1 =	slt.u32 s9, $0xF7A;
	s5 =	simm.s32 @!p2 $0x0  }
0x1d: {  	s5 =	simm.s32 @p1 $0x1;
	p0 =	seq.s32 s7, s2  }
0x1e: {  	s7 =	smul.u32 @!p0 $0xF7A, s2;
	p2 =	seq.s32 @!p0 s5, $0x0  }
0x1f: {  	s9 =	smul.u32 $0xF7A, s1;
	s8 =	simm.s32 @!p0 $0x1BF5;
	p2 =	por !p2, p0  }
0x20: {  	[sflag:s8] =	ssyncset.s32 @!p0 $0xFFFFF086;
	s6 =	sadd.s32 @!p0 s3, s7;
	s7 =	simm.s32 @!p0 $0x108  }
0x21: {  	s3 =	sadd.s32 s3, s9;
	s6 =	sadd.s32 @!p0 $0x88, s6;
	s7 =	simm.s32 @p2 $0x1082  }
0x22: {  	[simem:s7], [sflag:s8] =	dma.local @!p0 [hbm:s6], $0xF7A  }
0x23: {  	s9 =	sor.u32 $0xD0000000, s2;
	s6 =	simm.s32 $0x108;
	_ =	swait.ge @!p0 [sflag:s8], $0x0  }
0x24: {  	s3 =	sadd.s32 $0x88, s3;
	s6 =	simm.s32 @!p1 $0x1082;
	[sflag:s4] =	ssyncset.s32 $0xFFFFF086  }
0x25: {  	[simem:s6], [sflag:s4] =	dma.local [hbm:s3], $0xF7A  }
0x26: {  	[smem:$0x3F9F] =	sst s1;
	(tag) =	ssettag s2;
	_ =	strace s9  }
0x27: {  	s1 =	sld [smem:$0x3FAF]  }
0x28: {  	s2 =	sld [smem:$0x3FB0]  }
0x29: {  	s4 =	sld [smem:$0x3FB2]  }
0x2a: {  	p0 =	seq.s32 s5, $0x0;
	s5 =	sld [smem:$0x3FB3]  }
0x2b: {  	s6 =	sld [smem:$0x3FB4]  }
0x2c: {  	s7 =	sld [smem:$0x3FB5]  }
0x2d: {  	s3 =	simm.s32 $0x108;
	s8 =	sld [smem:$0x3FB6]  }
0x2e: {  	s3 =	simm.s32 @!p0 $0x1082;
	s9 =	sld [smem:$0x3FB7]  }
0x2f: {  	lr =	sadd.s32 s0, s3;
	s0 =	sld [smem:$0x3FAE]  }
0x30: {  	s3 =	sld [smem:$0x3FB1]  }
0x31: {  	[smem:$0x3FBA] =	sst s10  }
0x32: {  	s10 =	sld [smem:$0x3FB8];
	_ =	sdelay $0x3  }
0x33: {  	p0 =	seq.s32 s10, $0x1;
	s10 =	sld [smem:$0x3FBA];
	_ =	sdelay $0x3  }
0x34: {  	[smem:$0x3FBA] =	sst s10  }
0x35: {  	s10 =	sld [smem:$0x3FB9];
	_ =	sdelay $0x3  }
0x36: {  	p1 =	seq.s32 s10, $0x1;
	s10 =	sld [smem:$0x3FBA];
	_ =	sdelay $0x3  }
0x37: {  	[smem:$0x3FBA] =	sst s10  }
0x38: {  	s10 =	sld [smem:$0x3FBB]  }
0x39: {  	_ = 	snop;
	(pc) =	sbr.ind lr, $3  }
0x3a: {  	_ = 	snop  }
0x3b: {  	_ = 	snop  }
0x3c: {  	p2 =	seq.s32 s10, $0x1;
	s10 =	sld [smem:$0x3FBA]  }
0x3d: {  	_ =	shalt  }
0x3e: {  	_ =	shalt  }
0x3f: {  	_ =	shalt  }
0x40: {  	_ =	shalt  }
0x41: {  	_ =	shalt  }
0x42: {  	_ =	shalt  }
0x43: {  	_ =	shalt  }
0x44: {  	_ =	shalt  }
0x45: {  	_ =	shalt  }
0x46: {  	_ =	shalt  }
0x47: {  	_ =	shalt  }
0x48: {  	_ =	shalt  }
0x49: {  	_ =	shalt  }
0x4a: {  	_ =	shalt  }
0x4b: {  	_ =	shalt  }
0x4c: {  	_ =	shalt  }
0x4d: {  	_ =	shalt  }
0x4e: {  	_ =	shalt  }
0x4f: {  	_ =	shalt  }
0x50: {  	_ =	shalt  }
0x51: {  	_ =	shalt  }
0x52: {  	_ =	shalt  }
0x53: {  	_ =	shalt  }
0x54: {  	_ =	shalt  }
0x55: {  	_ =	shalt  }
0x56: {  	_ =	shalt  }
0x57: {  	_ =	shalt  }
0x58: {  	_ =	shalt  }
0x59: {  	_ =	shalt  }
0x5a: {  	_ =	shalt  }
0x5b: {  	_ =	shalt  }
0x5c: {  	_ =	shalt  }
0x5d: {  	_ =	shalt  }
0x5e: {  	_ =	shalt  }
0x5f: {  	_ =	shalt  }
0x60: {  	_ =	shalt  }
0x61: {  	_ =	shalt  }
0x62: {  	_ =	shalt  }
0x63: {  	_ =	shalt  }
0x64: {  	_ =	shalt  }
0x65: {  	_ =	shalt  }
0x66: {  	_ =	shalt  }
0x67: {  	_ =	shalt  }
0x68: {  	_ =	shalt  }
0x69: {  	_ =	shalt  }
0x6a: {  	_ =	shalt  }
0x6b: {  	_ =	shalt  }
0x6c: {  	_ =	shalt  }
0x6d: {  	_ =	shalt  }
0x6e: {  	_ =	shalt  }
0x6f: {  	_ =	shalt  }
0x70: {  	_ =	shalt  }
0x71: {  	_ =	shalt  }
0x72: {  	_ =	shalt  }
0x73: {  	_ =	shalt  }
0x74: {  	_ =	shalt  }
0x75: {  	_ =	shalt  }
0x76: {  	_ =	shalt  }
0x77: {  	_ =	shalt  }
0x78: {  	_ =	shalt  }
0x79: {  	_ =	shalt  }
0x7a: {  	_ =	shalt  }
0x7b: {  	_ =	shalt  }
0x7c: {  	_ =	shalt  }
0x7d: {  	_ =	shalt  }
0x7e: {  	_ =	shalt  }
0x7f: {  	_ =	shalt  }
0x80: {  	_ =	shalt  }
0x81: {  	_ =	shalt  }
0x82: {  	_ =	shalt  }
0x83: {  	_ =	shalt  }
0x84: {  	_ =	shalt  }
0x85: {  	_ =	shalt  }
0x86: {  	_ =	shalt  }
0x87: {  	_ =	shalt  }
.Lfunc_end0:
.L_simem_size_0:
called_computation_lowered:
.L_overlay_start_0:
0x88: {  	s2 =	sld [smem:$0x3FD9]  }
0x89: {  	s3 =	sld [smem:$0x3FFE];
	_ =	sdelay $0x1  }
0x8a: {  	s1 =	srdreg.scid  }
0x8b: {  	s0 =	sand.u32 $0x1, s1  }
0x8c: {  	s18 =	sshll.u32 s0, $0xA;
	s2 =	sadd.s32 s3, s2  }
0x8d: {  	s2 =	sadd.s32 s2, s18  }
0x8e: {  	[smem:$0x3FC6] =	sst s2  }
0x8f: {  	_ = 	snop  }
0x90: {  	s2 =	sld [smem:$0x3FC9]  }
0x91: {  	s19 =	sld [smem:$0x3FC8]  }
0x92: {  	s4 =	sld [smem:$0x3FD0];
	(tm) =	ssettm $0x1  }
0x93: {  	s5 =	sld [smem:$0x3FFB];
	_ =	sdelay $0x3  }
0x94: {  	_ =	strace s5  }
0x95: {  	s5 =	sld [smem:$0x3FFC];
	_ =	sdelay $0x3  }
0x96: {  	_ =	strace s5  }
0x97: {  	s5 =	sld [smem:$0x3FFD];
	_ =	sdelay $0x3  }
0x98: {  	_ =	strace s5  }
0x99: {  	_ =	strace $0x8FFFFFFF  }
0x9a: {  	s20 =	sld [smem:$0x3FDB];
	_ =	sdelay $0x1  }
0x9b: {  	s6 =	simm.s32 $_scs_section_size  }
0x9c: {  	s7 =	simm.s32 $_size__tile_overlayer_lowered;
	s8 =	simm.s32 $_tile_overlayer_lowered  }
0x9d: {  	s23 =	simm.s32 $0x1BFF;
	s22 =	sshll.u32 s8, $0x1;
	s5 =	sadd.s32 s6, s20  }
0x9e: {  	s9 =	simm.s32 $0x0;
	s21 =	sshll.u32 s7, $0x1;
	s7 =	sadd.s32 s22, s5  }
0x9f: {  	[timem:s9], [sflag:s23] =	dma.local [hbm:s7], s21  }
0xa0: {  	_ =	swait.ge [sflag:s23], s21  }
0xa1: {  	s6 =	ssub.s32 $0x0, s21;
	[sflag:s23] =	ssyncset.done $0x0  }
0xa2: {  	[sflag:s23] =	ssyncadd.s32 s6;
	_ =	sdelay $0x1  }
0xa3: {  	s24 =	simm.s32 $0x1B8B  }
0xa4: {  	_ =	swait.ge [sflag:s24], $0x1  }
0xa5: {  	[sflag:s24] =	ssyncset.done $0x0  }
0xa6: {  	s25 =	simm.s32 $0x1B8E;
	[sflag:s24] =	ssyncadd.s32 $0xFFFFFFFF  }
0xa7: {  	s26 =	simm.s32 $execute0_lowered;
	[smem:$0x3FD2] =	sst s25  }
0xa8: {  	s6 =	sshll.u32 s26, $0x1;
	_ =	strace $0x80000046;
	[dreg:$0x1] =	wrdreg $0xFFFFFFFF  }
0xa9: {  	s28 =	simm.s32 $_size_execute0_lowered;
	s5 =	sadd.s32 s5, s6;
	[dreg:$0x0] =	wrdreg $0x0  }
0xaa: {  	s6 =	sshll.u32 s28, $0x1;
	[dreg:$0x2] =	wrdreg s5  }
0xab: {  	[dreg:$0x3] =	wrdreg s6  }
0xac: {  	[dreg:$0x4] =	wrdreg $0xC0  }
0xad: {  	_ =	task [dreg:s9], $0x5FFFF  }
0xae: {  	[dreg:$0x1] =	wrdreg $0xFFFFFFFF  }
0xaf: {  	[dreg:$0x0] =	wrdreg $0x60  }
0xb0: {  	[dreg:$0x2] =	wrdreg s2  }
0xb1: {  	[dreg:$0x3] =	wrdreg s19  }
0xb2: {  	[dreg:$0x4] =	wrdreg s4  }
0xb3: {  	[dreg:$0x5] =	wrdreg $0x9  }
0xb4: {  	_ =	task.clear_ibuf [dreg:s9], $0x6FFFF;
	_ =	strace $0x90000046  }
0xb5: {  	s29 =	simm.s32 $0x9;
	_ =	strace $0x80000048  }
0xb6: {  	_ =	swait.ge [sflag:s29], $0x1  }
0xb7: {  	[sflag:s29] =	ssyncadd.s32 $0xFFFFFFFF  }
0xb8: {  	_ =	strace $0x90000048  }
0xb9: {  	_ =	sfence  }
0xba: {  	s30 =	sld [smem:$0x0];
	_ =	sdelay $0x2  }
0xbb: {  	s31 =	sshll.u32 s1, $0xD;
	s1 =	sshrl.u32 s1, $0x2  }
0xbc: {  	s3 =	sand.u32 $0x4000, s31;
	s1 =	sadd.s32 s1, s30  }
0xbd: {  	s0 =	sor.u32 s3, s0;
	s1 =	sshll.u32 s1, $0x11  }
0xbe: {  	s0 =	sor.u32 s1, s0  }
0xbf: {  	s0 =	sadd.s32 $0x8F2B, s0  }
0xc0: {  	[sflag:s0] =	ssyncadd.remote.s32 $0x1  }
0xc1: {  	_ =	sfence.sel $0xFFFF  }
0xc2: {  	[dreg:$0x0] =	wrdreg $0xFFFFFFFF;
	(pc) =	sbr.abs _section_cstart, $3  }
0xc3: {  	[dreg:$0x1] =	wrdreg $0xFFFFFFFF  }
0xc4: {  	_ =	task.clear_ibuf [dreg:s9], $0x2FFFF;
	_ =	strace $0x9FFFFFFF  }
0xc5: {  	(tm) =	ssettm $0x7FFFFFFF  }
tec
execute0_lowered:
.L_overlay_start_1:
0x0: {  	(tag) =	ssettag $0x1  }
0x1: {  	s4 =	rddreg [dreg:$0x0]  }
0x2: {  	s6 =	rddreg [dreg:$0x1]  }
0x3: {  	s0 =	srdreg.scid;
	s5 =	rddreg [dreg:$0x2];
	s3 =	simm.s32 $0x0  }
0x4: {  	s1 =	stileid.u32;
	[smem:$0x7FF] =	sst s3;
	s22 =	sadd.s32 $0x100000, s4  }
0x5: {  	s8 =	sadd.s32 $0x200000, s4;
	_ =	strace $0x80000047;
	[dreg:$0x8] =	wrdreg s22  }
0x6: {  	s0 =	sand.u32 $0x1, s0;
	s28 =	sadd.s32 $0x100000, s5;
	[dreg:$0x9] =	wrdreg s8  }
0x7: {  	s1 =	sshll.u32 s1, $0x9;
	s29 =	sadd.s32 $0x200000, s5;
	[dreg:$0x13] =	wrdreg s28  }
0x8: {  	s30 =	sadd.s32 $0x300000, s5;
	s2 =	sshll.u32 s0, $0x8;
	[dreg:$0x14] =	wrdreg s29  }
0x9: {  	s31 =	sadd.s32 $0x300000, s4;
	[dreg:$0x15] =	wrdreg s30;
	s1 =	sor.u32 s2, s1  }
0xa: {  	[dreg:$0xc] =	wrdreg s31;
	s7 =	sshll.u32 s1, $0x7  }
0xb: {  	s1 =	sshrl.u32 s1, $0x3;
	[dreg:$0x4] =	wrdreg s7  }
0xc: {  	s19 =	sadd.s32 s6, s7;
	[dreg:$0x12] =	wrdreg s1  }
0xd: {  	s23 =	sadd.s32 s7, s8;
	[dreg:$0x5] =	wrdreg s19  }
0xe: {  	s0 =	ssub.s32 $0x2, s0;
	s24 =	sadd.s32 s7, s31;
	[dreg:$0xb] =	wrdreg s23  }
0xf: {  	s17 =	sshrl.u32 s0, $0x1;
	s21 =	sadd.s32 s4, s7;
	[dreg:$0xd] =	wrdreg s24  }
0x10: {  	s0 =	ssub.s32 s0, s17;
	s1 =	sor.u32 $0x3, s1;
	[dreg:$0x7] =	wrdreg s21  }
0x11: {  	s18 =	sor.u32 $0x400, s7;
	s0 =	smax.u32 s0, $0x1;
	[dreg:$0x16] =	wrdreg s1  }
0x12: {  	s20 =	sadd.s32 s6, s18;
	[dreg:$0x17] =	wrdreg s0  }
0x13: {  	s6 =	sadd.s32 s7, s22;
	[dreg:$0x6] =	wrdreg s20  }
0x14: {  	s3 =	sadd.s32 s4, s18;
	[dreg:$0xa] =	wrdreg s6  }
0x15: {  	s25 =	sadd.s32 $0x100400, s21;
	[dreg:$0xe] =	wrdreg s3  }
0x16: {  	s26 =	sadd.s32 $0x200400, s21;
	[dreg:$0xf] =	wrdreg s25  }
0x17: {  	s2 =	sadd.s32 $0x300400, s21;
	[dreg:$0x10] =	wrdreg s26  }
0x18: {  	[dreg:$0x11] =	wrdreg s2;
	s2 =	simm.s32 $0x0  }
.LBB2_1:
0x19: {  	[dreg:$0x18] =	wrdreg s2  }
0x1a: {  	s1 =	rddreg [dreg:$0x5]  }
0x1b: {  	s0 =	simm.s32 $0x0;
	s13 =	simm.s32 $0x10000;
	s14 =	rddreg [dreg:$0x6]  }
0x1c: {  	[tilespmem:s13], [sflag:$0x11] =	stream.linear.gather [hbm4b:s1+s0], $0x2000, $0x38;
	[tilespmem:$0x14000] =	vst v63  }
0x1d: {  	s15 =	simm.s32 $0x12000;
	s16 =	rddreg [dreg:$0x7]  }
0x1e: {  	[tilespmem:s15], [sflag:$0x12] =	stream.linear.gather [hbm4b:s14+s0], $0x2000, $0x38;
	[tilespmem:$0x14000] =	vst v63  }
0x1f: {  	s17 =	rddreg [dreg:$0xa]  }
0x20: {  	[tilespmem:s0], [sflag:$0x1] =	stream.linear.gather [hbm4b:s16+s0], $0x2000, $0x38;
	[tilespmem:$0x14000] =	vst v63  }
0x21: {  	s18 =	simm.s32 $0x2000;
	s19 =	rddreg [dreg:$0xb]  }
0x22: {  	[tilespmem:s18], [sflag:$0x2] =	stream.linear.gather [hbm4b:s17+s0], $0x2000, $0x38;
	[tilespmem:$0x14000] =	vst v63  }
0x23: {  	s20 =	simm.s32 $0x4000;
	s21 =	rddreg [dreg:$0xd]  }
0x24: {  	[tilespmem:s20], [sflag:$0x3] =	stream.linear.gather [hbm4b:s19+s0], $0x2000, $0x38;
	[tilespmem:$0x14000] =	vst v63  }
0x25: {  	s22 =	simm.s32 $0x6000;
	s23 =	rddreg [dreg:$0xe]  }
0x26: {  	[tilespmem:s22], [sflag:$0x4] =	stream.linear.gather [hbm4b:s21+s0], $0x2000, $0x38;
	[tilespmem:$0x14000] =	vst v63  }
0x27: {  	s24 =	simm.s32 $0x8000;
	s25 =	rddreg [dreg:$0xf]  }
0x28: {  	[tilespmem:s24], [sflag:$0x5] =	stream.linear.gather [hbm4b:s23+s0], $0x2000, $0x38;
	[tilespmem:$0x14000] =	vst v63  }
0x29: {  	s26 =	simm.s32 $0xA000;
	s28 =	rddreg [dreg:$0x10]  }
0x2a: {  	[tilespmem:s26], [sflag:$0x6] =	stream.linear.gather [hbm4b:s25+s0], $0x2000, $0x38;
	[tilespmem:$0x14000] =	vst v63  }
0x2b: {  	s29 =	simm.s32 $0xC000;
	s30 =	rddreg [dreg:$0x11]  }
0x2c: {  	[tilespmem:s29], [sflag:$0x7] =	stream.linear.gather [hbm4b:s28+s0], $0x2000, $0x38;
	[tilespmem:$0x14000] =	vst v63  }
0x2d: {  	s31 =	simm.s32 $0xE000;
	s8 =	simm.s32 $0x0;
	s20 =	simm.s32 $0x0  }
0x2e: {  	[tilespmem:s31], [sflag:$0x8] =	stream.linear.gather [hbm4b:s30+s0], $0x2000, $0x38;
	[tilespmem:$0x14000] =	vst v63  }
.LBB2_2:
0x2f: {  	s0 =	simm.s32 $0x11  }
0x30: {  	_ =	swait.ge [sflag:s0], $0x2000  }
0x31: {  	[sflag:s0] =	ssyncset.done $0x0  }
0x32: {  	s4 =	simm.s32 $0x1;
	[sflag:s0] =	ssyncadd.s32 $0xFFFFE000  }
0x33: {  	s1 =	simm.s32 $0x0;
	s3 =	simm.s32 $0x0;
	_ =	swait.ge [sflag:s4], $0x2000  }
0x34: {  	s30 =	sand.u32 $0x40, s3;
	s2 =	sand.u32 $0x1C00, s1;
	[sflag:s4] =	ssyncset.done $0x0  }
0x35: {  	s0 =	sor.u32 s30, s2;
	[sflag:s4] =	ssyncadd.s32 $0xFFFFE000  }
0x36: {  	v0 =	vld [tilespmem:s0+$0x10030]  }
0x37: {  	v1 =	vld [tilespmem:s0+$0x10010]  }
0x38: {  	v2 =	vld [tilespmem:s0+$0x10020]  }
0x39: {  	v3 =	vld [tilespmem:s0+$0x10000]  }
0x3a: {  	s2 =	sor.u32 $0x30, s0;
	v4 =	vld [tilespmem:s0+$0x10080]  }
0x3b: {  	[tilespmem:s2+$0x0] =	vst.add.f32.msk $0xffff, v0  }
0x3c: {  	s31 =	sor.u32 $0x10, s0;
	v0 =	vld [tilespmem:s0+$0x100B0]  }
0x3d: {  	s6 =	sor.u32 $0x20, s0;
	[tilespmem:s31+$0x0] =	vst.add.f32.msk $0xffff, v1  }
0x3e: {  	[tilespmem:s6+$0x0] =	vst.add.f32.msk $0xffff, v2  }
0x3f: {  	[tilespmem:s0+$0x0] =	vst.add.f32.msk $0xffff, v3  }
0x40: {  	s4 =	sor.u32 $0xB0, s0;
	v1 =	vld [tilespmem:s0+$0x10090]  }
0x41: {  	[tilespmem:s4+$0x0] =	vst.add.f32.msk $0xffff, v0  }
0x42: {  	v0 =	vld [tilespmem:s0+$0x10130]  }
0x43: {  	s10 =	sor.u32 $0x80, s0;
	v2 =	vld [tilespmem:s0+$0x100A0]  }
0x44: {  	[tilespmem:s10+$0x0] =	vst.add.f32.msk $0xffff, v4  }
0x45: {  	s6 =	sor.u32 $0x90, s0;
	v3 =	vld [tilespmem:s0+$0x10100]  }
0x46: {  	s9 =	sor.u32 $0x130, s0;
	[tilespmem:s6+$0x0] =	vst.add.f32.msk $0xffff, v1  }
0x47: {  	[tilespmem:s9+$0x0] =	vst.add.f32.msk $0xffff, v0  }
0x48: {  	p0 =	por $0x0, $0x0;
	s7 =	sor.u32 $0xA0, s0;
	s6 =	simm.s32 $0x1;
	v0 =	vld [tilespmem:s0+$0x101B0]  }
0x49: {  	[tilespmem:s7+$0x0] =	vst.add.f32.msk $0xffff, v2;
	s6 =	simm.s32 @!p0 $0x0  }
0x4a: {  	v1 =	vld [tilespmem:s0+$0x10110];
	s11 =	sshll.u32 s6, $0x6  }
0x4b: {  	s14 =	sor.u32 $0x100, s0;
	v2 =	vld [tilespmem:s0+$0x10120];
	s2 =	sadd.s32 $0x0, s11  }
0x4c: {  	s12 =	sor.u32 $0x1B0, s0;
	[tilespmem:s14+$0x0] =	vst.add.f32.msk $0xffff, v3;
	s7 =	sadd.s32 $0x30, s2  }
0x4d: {  	s13 =	sor.u32 $0x200, s7;
	[tilespmem:s12+$0x0] =	vst.add.f32.msk $0xffff, v0  }
0x4e: {  	s9 =	sor.u32 $0x110, s0;
	v0 =	vld [tilespmem:s13+$0x10000]  }
0x4f: {  	[tilespmem:s9+$0x0] =	vst.add.f32.msk $0xffff, v1  }
0x50: {  	v1 =	vld [tilespmem:s0+$0x10190]  }
0x51: {  	v3 =	vld [tilespmem:s0+$0x10180];
	s12 =	sor.u32 $0x120, s0  }
0x52: {  	[tilespmem:s12+$0x0] =	vst.add.f32.msk $0xffff, v2  }
0x53: {  	s15 =	sor.u32 $0x280, s7;
	[tilespmem:s13+$0x0] =	vst.add.f32.msk $0xffff, v0  }
0x54: {  	s16 =	sor.u32 $0x190, s0;
	v0 =	vld [tilespmem:s15+$0x10000]  }
0x55: {  	[tilespmem:s16+$0x0] =	vst.add.f32.msk $0xffff, v1  }
0x56: {  	s21 =	sor.u32 $0x1A0, s0;
	v2 =	vld [tilespmem:s0+$0x101A0];
	s0 =	sor.u32 $0x180, s0  }
0x57: {  	s23 =	sor.u32 $0x200, s2;
	[tilespmem:s0+$0x0] =	vst.add.f32.msk $0xffff, v3  }
0x58: {  	v3 =	vld [tilespmem:s23+$0x10000]  }
0x59: {  	s17 =	sadd.s32 $0x10, s2;
	s18 =	sor.u32 $0x300, s7;
	[tilespmem:s15+$0x0] =	vst.add.f32.msk $0xffff, v0  }
0x5a: {  	s13 =	sor.u32 $0x200, s17;
	v0 =	vld [tilespmem:s18+$0x10000]  }
0x5b: {  	s19 =	sadd.s32 $0x20, s2;
	v1 =	vld [tilespmem:s13+$0x10000]  }
0x5c: {  	s22 =	sor.u32 $0x200, s19;
	[tilespmem:s21+$0x0] =	vst.add.f32.msk $0xffff, v2  }
0x5d: {  	v2 =	vld [tilespmem:s22+$0x10000]  }
0x5e: {  	[tilespmem:s23+$0x0] =	vst.add.f32.msk $0xffff, v3  }
0x5f: {  	s24 =	sor.u32 $0x380, s7;
	[tilespmem:s18+$0x0] =	vst.add.f32.msk $0xffff, v0  }
0x60: {  	v0 =	vld [tilespmem:s24+$0x10000]  }
0x61: {  	s25 =	sor.u32 $0x280, s17;
	[tilespmem:s13+$0x0] =	vst.add.f32.msk $0xffff, v1  }
0x62: {  	v1 =	vld [tilespmem:s25+$0x10000]  }
0x63: {  	s26 =	sor.u32 $0x280, s19;
	[tilespmem:s22+$0x0] =	vst.add.f32.msk $0xffff, v2  }
0x64: {  	v2 =	vld [tilespmem:s26+$0x10000]  }
0x65: {  	s28 =	sor.u32 $0x280, s2;
	[tilespmem:s24+$0x0] =	vst.add.f32.msk $0xffff, v0  }
0x66: {  	v0 =	vld [tilespmem:s28+$0x10000]  }
0x67: {  	s29 =	sor.u32 $0x300, s17;
	[tilespmem:s25+$0x0] =	vst.add.f32.msk $0xffff, v1  }
0x68: {  	v3 =	vld [tilespmem:s29+$0x10000]  }
0x69: {  	s30 =	sor.u32 $0x300, s19;
	[tilespmem:s26+$0x0] =	vst.add.f32.msk $0xffff, v2  }
0x6a: {  	v63 =	vld [tilespmem:s30+$0x10000]  }
0x6b: {  	s25 =	sor.u32 $0x300, s2;
	[tilespmem:s28+$0x0] =	vst.add.f32.msk $0xffff, v0  }
0x6c: {  	v1 =	vld [tilespmem:s25+$0x10000];
	_ =	sdelay $0x1  }
0x6d: {  	s22 =	sor.u32 $0x380, s17;
	[tilespmem:s29+$0x0] =	vst.add.f32.msk $0xffff, v3  }
0x6e: {  	s31 =	sor.u32 s1, s3;
	v2 =	vld [tilespmem:s22+$0x10000]  }
0x6f: {  	s6 =	sor.u32 $0x380, s31;
	s21 =	sor.u32 $0x380, s19;
	[tilespmem:s30+$0x0] =	vst.add.f32.msk $0xffff, v63  }
.LBB2_3:
0x70: {  	s3 =	sadd.s32 $0x40, s3;
	[tilespmem:s25+$0x0] =	vst.add.f32.msk $0xffff, v1;
	s1 =	sadd.s32 $0x200, s1  }
0x71: {  	s0 =	sand.u32 $0x40, s3;
	s2 =	sand.u32 $0x1C00, s1;
	s7 =	sor.u32 s1, s3;
	v1 =	vld [tilespmem:s21+$0x10000]  }
0x72: {  	p1 =	slt.u32 s3, $0x3C0;
	s19 =	sor.u32 s0, s2;
	s24 =	sor.u32 $0x380, s7;
	v0 =	vld [tilespmem:s6+$0x10000]  }
0x73: {  	s7 =	sor.u32 $0x80, s19;
	s12 =	sor.u32 $0x10, s19;
	s13 =	sor.u32 $0x20, s19;
	v3 =	vld [tilespmem:s19+$0x10030]  }
0x74: {  	s28 =	sor.u32 $0x100, s19;
	s25 =	sor.u32 $0x90, s19;
	s30 =	sor.u32 $0xA0, s19;
	v4 =	vld [tilespmem:s19+$0x10010]  }
0x75: {  	s29 =	sor.u32 $0x180, s19;
	s2 =	sor.u32 $0x110, s19;
	s0 =	sor.u32 $0x120, s19;
	v5 =	vld [tilespmem:s19+$0x10020]  }
0x76: {  	s26 =	sor.u32 $0x190, s19;
	s9 =	sor.u32 $0x1A0, s19;
	v6 =	vld [tilespmem:s19+$0x10000]  }
0x77: {  	s31 =	sor.u32 $0x30, s19;
	v7 =	vld [tilespmem:s19+$0x10080]  }
0x78: {  	[tilespmem:s31+$0x0] =	vst.add.f32.msk $0xffff, v3  }
0x79: {  	v3 =	vld [tilespmem:s19+$0x100B0]  }
0x7a: {  	[tilespmem:s12+$0x0] =	vst.add.f32.msk $0xffff, v4  }
0x7b: {  	[tilespmem:s13+$0x0] =	vst.add.f32.msk $0xffff, v5  }
0x7c: {  	v4 =	vld [tilespmem:s19+$0x10090]  }
0x7d: {  	s12 =	sor.u32 $0xB0, s19;
	v5 =	vld [tilespmem:s19+$0x100A0]  }
0x7e: {  	[tilespmem:s12+$0x0] =	vst.add.f32.msk $0xffff, v3  }
0x7f: {  	v3 =	vld [tilespmem:s19+$0x10130]  }
0x80: {  	[tilespmem:s19+$0x0] =	vst.add.f32.msk $0xffff, v6  }
0x81: {  	[tilespmem:s25+$0x0] =	vst.add.f32.msk $0xffff, v4  }
0x82: {  	[tilespmem:s30+$0x0] =	vst.add.f32.msk $0xffff, v5  }
0x83: {  	[tilespmem:s7+$0x0] =	vst.add.f32.msk $0xffff, v7;
	s7 =	sor.u32 $0x130, s19  }
0x84: {  	[tilespmem:s7+$0x0] =	vst.add.f32.msk $0xffff, v3  }
0x85: {  	p0 =	por !p0, !p0;
	s7 =	simm.s32 $0x1;
	v3 =	vld [tilespmem:s19+$0x101B0]  }
0x86: {  	s7 =	simm.s32 @!p0 $0x0;
	v4 =	vld [tilespmem:s19+$0x10110]  }
0x87: {  	s7 =	sshll.u32 s7, $0x6;
	v5 =	vld [tilespmem:s19+$0x10120]  }
0x88: {  	s25 =	sadd.s32 s7, s1;
	v6 =	vld [tilespmem:s19+$0x10100]  }
0x89: {  	s7 =	sor.u32 $0x1B0, s19;
	s30 =	sadd.s32 $0x10, s25;
	s31 =	sadd.s32 $0x30, s25;
	[tilespmem:s22+$0x0] =	vst.add.f32.msk $0xffff, v2  }
0x8a: {  	s16 =	sadd.s32 $0x20, s25;
	s15 =	sor.u32 $0x200, s30;
	s17 =	sor.u32 $0x200, s31;
	[tilespmem:s7+$0x0] =	vst.add.f32.msk $0xffff, v3  }
0x8b: {  	s18 =	sor.u32 $0x200, s25;
	s12 =	sor.u32 $0x280, s30;
	s4 =	sor.u32 $0x200, s16;
	v2 =	vld [tilespmem:s17+$0x10000]  }
0x8c: {  	s13 =	sor.u32 $0x280, s16;
	s7 =	sor.u32 $0x280, s25;
	[tilespmem:s2+$0x0] =	vst.add.f32.msk $0xffff, v4;
	s2 =	sor.u32 $0x300, s30  }
0x8d: {  	s22 =	sor.u32 $0x380, s30;
	s25 =	sor.u32 $0x300, s25;
	[tilespmem:s0+$0x0] =	vst.add.f32.msk $0xffff, v5;
	s0 =	sor.u32 $0x300, s16  }
0x8e: {  	s16 =	sor.u32 $0x380, s16;
	[tilespmem:s28+$0x0] =	vst.add.f32.msk $0xffff, v6  }
0x8f: {  	v3 =	vld [tilespmem:s19+$0x10190]  }
0x90: {  	[tilespmem:s17+$0x0] =	vst.add.f32.msk $0xffff, v2;
	s17 =	sor.u32 $0x280, s31  }
0x91: {  	v2 =	vld [tilespmem:s17+$0x10000]  }
0x92: {  	v4 =	vld [tilespmem:s19+$0x101A0]  }
0x93: {  	v5 =	vld [tilespmem:s19+$0x10180]  }
0x94: {  	[tilespmem:s26+$0x0] =	vst.add.f32.msk $0xffff, v3  }
0x95: {  	v3 =	vld [tilespmem:s15+$0x10000]  }
0x96: {  	[tilespmem:s17+$0x0] =	vst.add.f32.msk $0xffff, v2;
	s17 =	sor.u32 $0x300, s31  }
0x97: {  	v2 =	vld [tilespmem:s17+$0x10000]  }
0x98: {  	[tilespmem:s9+$0x0] =	vst.add.f32.msk $0xffff, v4  }
0x99: {  	[tilespmem:s29+$0x0] =	vst.add.f32.msk $0xffff, v5  }
0x9a: {  	v4 =	vld [tilespmem:s4+$0x10000]  }
0x9b: {  	v5 =	vld [tilespmem:s18+$0x10000]  }
0x9c: {  	s9 =	sor.u32 $0x380, s31;
	[tilespmem:s17+$0x0] =	vst.add.f32.msk $0xffff, v2  }
0x9d: {  	v2 =	vld [tilespmem:s9+$0x10000]  }
0x9e: {  	[tilespmem:s15+$0x0] =	vst.add.f32.msk $0xffff, v3  }
0x9f: {  	[tilespmem:s4+$0x0] =	vst.add.f32.msk $0xffff, v4  }
0xa0: {  	[tilespmem:s18+$0x0] =	vst.add.f32.msk $0xffff, v5  }
0xa1: {  	v3 =	vld [tilespmem:s12+$0x10000]  }
0xa2: {  	[tilespmem:s9+$0x0] =	vst.add.f32.msk $0xffff, v2  }
0xa3: {  	v2 =	vld [tilespmem:s13+$0x10000]  }
0xa4: {  	v4 =	vld [tilespmem:s7+$0x10000]  }
0xa5: {  	[tilespmem:s21+$0x0] =	vst.add.f32.msk $0xffff, v1;
	s21 =	smov.u32 s16  }
0xa6: {  	[tilespmem:s12+$0x0] =	vst.add.f32.msk $0xffff, v3  }
0xa7: {  	v3 =	vld [tilespmem:s2+$0x10000]  }
0xa8: {  	[tilespmem:s13+$0x0] =	vst.add.f32.msk $0xffff, v2  }
0xa9: {  	[tilespmem:s7+$0x0] =	vst.add.f32.msk $0xffff, v4  }
0xaa: {  	v4 =	vld [tilespmem:s0+$0x10000]  }
.Ltmp0:
0xab: {  	v1 =	vld [tilespmem:s25+$0x10000];
	(pc) =	sbr.rel @p1 .LBB2_3-.Ltmp0, $4  }
0xac: {  	[tilespmem:s2+$0x0] =	vst.add.f32.msk $0xffff, v3  }
0xad: {  	v2 =	vld [tilespmem:s22+$0x10000]  }
0xae: {  	[tilespmem:s6+$0x0] =	vst.add.f32.msk $0xffff, v0;
	s6 =	smov.u32 s24  }
0xaf: {  	[tilespmem:s0+$0x0] =	vst.add.f32.msk $0xffff, v4  }
0xb0: {  	v0 =	vld [tilespmem:s21+$0x10000];
	_ =	sdelay $0x1  }
0xb1: {  	[tilespmem:s25+$0x0] =	vst.add.f32.msk $0xffff, v1  }
0xb2: {  	v1 =	vld [tilespmem:s6+$0x10000]  }
0xb3: {  	[tilespmem:s22+$0x0] =	vst.add.f32.msk $0xffff, v2  }
0xb4: {  	[tilespmem:s21+$0x0] =	vst.add.f32.msk $0xffff, v0  }
0xb5: {  	s0 =	sshll.u32 s8, $0xB;
	s1 =	rddreg [dreg:$0x4]  }
0xb6: {  	s21 =	sadd.s32 s1, s0  }
0xb7: {  	p0 =	seq.s32 s8, $0x0;
	[tilespmem:s6+$0x0] =	vst.add.f32.msk $0xffff, v1;
	s0 =	sadd.s32 s5, s21  }
0xb8: {  	[hbm4b:s0+s20] =	stream.linear.scatter [tilespmem:s20], [sflag:$0x9], $0x2000, $0x38;
	[tilespmem:$0x14000] =	vst v63  }
0xb9: {  	s0 =	simm.s32 @!p0 $0xD  }
0xba: {  	_ =	swait.ge @!p0 [sflag:s0], $0x2000  }
0xbb: {  	s1 =	sshllo.u32 s8, $0x1;
	[sflag:s0] =	ssyncset.done @!p0 $0x0;
	s2 =	rddreg [dreg:$0x12]  }
0xbc: {  	s2 =	sadd.s32 @!p0 s2, s1;
	[sflag:s0] =	ssyncadd.s32 @!p0 $0xFFFFE000  }
0xbd: {  	s7 =	simm.s32 $0x2;
	s6 =	sshll.u32 @!p0 s2, $0xA;
	s0 =	rddreg [dreg:$0x0]  }
0xbe: {  	s3 =	simm.s32 @!p0 $0x8000;
	s2 =	simm.s32 @!p0 $0x0;
	s0 =	sadd.s32 @!p0 s0, s6  }
0xbf: {  	[tilespmem:s3], [sflag:$0x5] =	stream.linear.gather @!p0 [hbm4b:s0+s2], $0x2000, $0x38;
	[tilespmem:$0x14000] =	vst v63  }
0xc0: {  	s24 =	simm.s32 $0x0;
	s22 =	simm.s32 $0x0;
	_ =	swait.ge [sflag:s7], $0x2000  }
0xc1: {  	s9 =	sand.u32 $0x40, s24;
	s10 =	sand.u32 $0x1C00, s22;
	[sflag:s7] =	ssyncset.done $0x0  }
0xc2: {  	s0 =	sor.u32 s9, s10;
	[sflag:s7] =	ssyncadd.s32 $0xFFFFE000  }
0xc3: {  	v0 =	vld [tilespmem:s0+$0x10030]  }
0xc4: {  	v1 =	vld [tilespmem:s0+$0x10000]  }
0xc5: {  	v2 =	vld [tilespmem:s0+$0x10010];
	_ =	sdelay $0x1  }
0xc6: {  	s2 =	sor.u32 $0x2030, s0;
	v3 =	vld [tilespmem:s0+$0x10020]  }
0xc7: {  	s11 =	sor.u32 $0x2000, s0;
	[tilespmem:s2+$0x0] =	vst.add.f32.msk $0xffff, v0  }
0xc8: {  	s12 =	sor.u32 $0x2010, s0;
	[tilespmem:s11+$0x0] =	vst.add.f32.msk $0xffff, v1  }
0xc9: {  	[tilespmem:s12+$0x0] =	vst.add.f32.msk $0xffff, v2  }
0xca: {  	v0 =	vld [tilespmem:s0+$0x100B0]  }
0xcb: {  	v1 =	vld [tilespmem:s0+$0x10080]  }
0xcc: {  	s13 =	sor.u32 $0x2020, s0;
	v2 =	vld [tilespmem:s0+$0x10090]  }
0xcd: {  	[tilespmem:s13+$0x0] =	vst.add.f32.msk $0xffff, v3  }
0xce: {  	s14 =	sor.u32 $0x20B0, s0;
	v3 =	vld [tilespmem:s0+$0x100A0]  }
0xcf: {  	s15 =	sor.u32 $0x2080, s0;
	[tilespmem:s14+$0x0] =	vst.add.f32.msk $0xffff, v0  }
0xd0: {  	s17 =	sor.u32 $0x2090, s0;
	[tilespmem:s15+$0x0] =	vst.add.f32.msk $0xffff, v1  }
0xd1: {  	[tilespmem:s17+$0x0] =	vst.add.f32.msk $0xffff, v2  }
0xd2: {  	v0 =	vld [tilespmem:s0+$0x10130]  }
0xd3: {  	s4 =	sor.u32 $0x20A0, s0;
	v1 =	vld [tilespmem:s0+$0x10100]  }
0xd4: {  	[tilespmem:s4+$0x0] =	vst.add.f32.msk $0xffff, v3  }
0xd5: {  	v2 =	vld [tilespmem:s0+$0x10110]  }
0xd6: {  	s16 =	sor.u32 $0x2130, s0;
	v3 =	vld [tilespmem:s0+$0x10120]  }
0xd7: {  	s7 =	sor.u32 $0x2100, s0;
	[tilespmem:s16+$0x0] =	vst.add.f32.msk $0xffff, v0  }
0xd8: {  	[tilespmem:s7+$0x0] =	vst.add.f32.msk $0xffff, v1  }
0xd9: {  	p1 =	por $0x0, $0x0;
	s3 =	simm.s32 $0x1;
	s9 =	sor.u32 $0x2110, s0;
	v0 =	vld [tilespmem:s0+$0x101B0]  }
0xda: {  	s3 =	simm.s32 @!p1 $0x0;
	s26 =	sor.u32 $0x2120, s0;
	[tilespmem:s9+$0x0] =	vst.add.f32.msk $0xffff, v2  }
0xdb: {  	s18 =	sshll.u32 s3, $0x6;
	[tilespmem:s26+$0x0] =	vst.add.f32.msk $0xffff, v3  }
0xdc: {  	s2 =	sadd.s32 $0x0, s18;
	v1 =	vld [tilespmem:s0+$0x10180]  }
0xdd: {  	s19 =	sor.u32 $0x21B0, s0;
	s23 =	sadd.s32 $0x30, s2;
	v2 =	vld [tilespmem:s0+$0x10190]  }
0xde: {  	s25 =	sor.u32 $0x200, s23;
	[tilespmem:s19+$0x0] =	vst.add.f32.msk $0xffff, v0  }
0xdf: {  	v0 =	vld [tilespmem:s25+$0x10000]  }
0xe0: {  	s9 =	sor.u32 $0x2180, s0;
	v3 =	vld [tilespmem:s0+$0x101A0]  }
0xe1: {  	s14 =	sor.u32 $0x2190, s0;
	[tilespmem:s9+$0x0] =	vst.add.f32.msk $0xffff, v1  }
0xe2: {  	s10 =	sor.u32 $0x200, s2;
	[tilespmem:s14+$0x0] =	vst.add.f32.msk $0xffff, v2  }
0xe3: {  	v1 =	vld [tilespmem:s10+$0x10000]  }
0xe4: {  	s28 =	sor.u32 $0x280, s23;
	[tilespmem:s25+$0x2000] =	vst.add.f32.msk $0xffff, v0  }
0xe5: {  	s12 =	sadd.s32 $0x10, s2;
	s0 =	sor.u32 $0x21A0, s0;
	v0 =	vld [tilespmem:s28+$0x10000]  }
0xe6: {  	s13 =	sadd.s32 $0x20, s2;
	s15 =	sor.u32 $0x200, s12;
	[tilespmem:s0+$0x0] =	vst.add.f32.msk $0xffff, v3  }
0xe7: {  	s16 =	sor.u32 $0x200, s13;
	v2 =	vld [tilespmem:s15+$0x10000]  }
0xe8: {  	v3 =	vld [tilespmem:s16+$0x10000]  }
0xe9: {  	[tilespmem:s10+$0x2000] =	vst.add.f32.msk $0xffff, v1  }
0xea: {  	s11 =	sor.u32 $0x300, s23;
	[tilespmem:s28+$0x2000] =	vst.add.f32.msk $0xffff, v0  }
0xeb: {  	v0 =	vld [tilespmem:s11+$0x10000]  }
0xec: {  	s17 =	sor.u32 $0x280, s2;
	[tilespmem:s15+$0x2000] =	vst.add.f32.msk $0xffff, v2  }
0xed: {  	v1 =	vld [tilespmem:s17+$0x10000]  }
0xee: {  	s19 =	sor.u32 $0x380, s23;
	s23 =	sor.u32 $0x280, s13;
	[tilespmem:s16+$0x2000] =	vst.add.f32.msk $0xffff, v3  }
0xef: {  	v2 =	vld [tilespmem:s23+$0x10000]  }
0xf0: {  	s18 =	sor.u32 $0x280, s12;
	[tilespmem:s11+$0x2000] =	vst.add.f32.msk $0xffff, v0  }
0xf1: {  	v0 =	vld [tilespmem:s18+$0x10000]  }
0xf2: {  	[tilespmem:s17+$0x2000] =	vst.add.f32.msk $0xffff, v1  }
0xf3: {  	v1 =	vld [tilespmem:s19+$0x10000]  }
0xf4: {  	s2 =	sor.u32 $0x300, s2;
	[tilespmem:s23+$0x2000] =	vst.add.f32.msk $0xffff, v2  }
0xf5: {  	v3 =	vld [tilespmem:s2+$0x10000]  }
0xf6: {  	s25 =	sor.u32 $0x300, s12;
	[tilespmem:s18+$0x2000] =	vst.add.f32.msk $0xffff, v0  }
0xf7: {  	v0 =	vld [tilespmem:s25+$0x10000]  }
0xf8: {  	s26 =	sor.u32 $0x300, s13;
	[tilespmem:s19+$0x2000] =	vst.add.f32.msk $0xffff, v1  }
0xf9: {  	v1 =	vld [tilespmem:s26+$0x10000]  }
0xfa: {  	s28 =	sor.u32 s22, s24  }
0xfb: {  	s29 =	sor.u32 $0x380, s28;
	[tilespmem:s2+$0x2000] =	vst.add.f32.msk $0xffff, v3  }
0xfc: {  	v2 =	vld [tilespmem:s29+$0x10000]  }
0xfd: {  	s3 =	sshll.u32 s8, $0x1;
	s30 =	sor.u32 $0x380, s12;
	s31 =	sor.u32 $0x380, s13;
	[tilespmem:s25+$0x2000] =	vst.add.f32.msk $0xffff, v0  }
.LBB2_5:
0xfe: {  	s24 =	sadd.s32 $0x40, s24;
	[tilespmem:s26+$0x2000] =	vst.add.f32.msk $0xffff, v1;
	s22 =	sadd.s32 $0x200, s22  }
0xff: {  	s0 =	sand.u32 $0x40, s24;
	s2 =	sand.u32 $0x1C00, s22;
	s4 =	sor.u32 s22, s24;
	v1 =	vld [tilespmem:s30+$0x10000]  }
0x100: {  	p2 =	slt.u32 s24, $0x3C0;
	s19 =	sor.u32 s0, s2;
	s4 =	sor.u32 $0x380, s4;
	v0 =	vld [tilespmem:s31+$0x10000]  }
0x101: {  	s7 =	sor.u32 $0x2000, s19;
	s12 =	sor.u32 $0x2010, s19;
	s13 =	sor.u32 $0x2020, s19;
	v3 =	vld [tilespmem:s19+$0x10030]  }
0x102: {  	s15 =	sor.u32 $0x2080, s19;
	s16 =	sor.u32 $0x2090, s19;
	s17 =	sor.u32 $0x20A0, s19;
	v4 =	vld [tilespmem:s19+$0x10000]  }
0x103: {  	s2 =	sor.u32 $0x2100, s19;
	s26 =	sor.u32 $0x2110, s19;
	s0 =	sor.u32 $0x2120, s19;
	v5 =	vld [tilespmem:s19+$0x10010]  }
0x104: {  	s28 =	sor.u32 $0x2180, s19;
	s25 =	sor.u32 $0x2190, s19;
	s9 =	sor.u32 $0x21A0, s19;
	v6 =	vld [tilespmem:s19+$0x10020]  }
0x105: {  	s18 =	sor.u32 $0x2030, s19;
	[tilespmem:s29+$0x2000] =	vst.add.f32.msk $0xffff, v2;
	s29 =	smov.u32 s4  }
0x106: {  	[tilespmem:s18+$0x0] =	vst.add.f32.msk $0xffff, v3  }
0x107: {  	v2 =	vld [tilespmem:s19+$0x100B0]  }
0x108: {  	[tilespmem:s7+$0x0] =	vst.add.f32.msk $0xffff, v4  }
0x109: {  	[tilespmem:s12+$0x0] =	vst.add.f32.msk $0xffff, v5  }
0x10a: {  	[tilespmem:s13+$0x0] =	vst.add.f32.msk $0xffff, v6  }
0x10b: {  	s4 =	sor.u32 $0x20B0, s19;
	v3 =	vld [tilespmem:s19+$0x10080]  }
0x10c: {  	[tilespmem:s4+$0x0] =	vst.add.f32.msk $0xffff, v2  }
0x10d: {  	v2 =	vld [tilespmem:s19+$0x10130]  }
0x10e: {  	v4 =	vld [tilespmem:s19+$0x10090]  }
0x10f: {  	v5 =	vld [tilespmem:s19+$0x100A0]  }
0x110: {  	[tilespmem:s15+$0x0] =	vst.add.f32.msk $0xffff, v3  }
0x111: {  	s4 =	sor.u32 $0x2130, s19;
	v3 =	vld [tilespmem:s19+$0x10100]  }
0x112: {  	[tilespmem:s4+$0x0] =	vst.add.f32.msk $0xffff, v2  }
0x113: {  	p1 =	por !p1, !p1;
	s4 =	simm.s32 $0x1;
	v2 =	vld [tilespmem:s19+$0x101B0]  }
0x114: {  	s4 =	simm.s32 @!p1 $0x0;
	[tilespmem:s16+$0x0] =	vst.add.f32.msk $0xffff, v4  }
0x115: {  	s4 =	sshll.u32 s4, $0x6;
	[tilespmem:s17+$0x0] =	vst.add.f32.msk $0xffff, v5  }
0x116: {  	s4 =	sadd.s32 s4, s22;
	v4 =	vld [tilespmem:s19+$0x10110]  }
0x117: {  	s7 =	sor.u32 $0x21B0, s19;
	s15 =	sadd.s32 $0x10, s4;
	s16 =	sadd.s32 $0x30, s4;
	v5 =	vld [tilespmem:s19+$0x10120]  }
0x118: {  	s18 =	sadd.s32 $0x20, s4;
	s17 =	sor.u32 $0x200, s15;
	s10 =	sor.u32 $0x200, s16;
	[tilespmem:s7+$0x0] =	vst.add.f32.msk $0xffff, v2  }
0x119: {  	s11 =	sor.u32 $0x200, s4;
	s14 =	sor.u32 $0x200, s18;
	s7 =	sor.u32 $0x280, s15;
	v2 =	vld [tilespmem:s10+$0x10000]  }
0x11a: {  	s23 =	sor.u32 $0x280, s4;
	s13 =	sor.u32 $0x280, s18;
	[tilespmem:s2+$0x0] =	vst.add.f32.msk $0xffff, v3;
	s2 =	sor.u32 $0x300, s15  }
0x11b: {  	s12 =	sor.u32 $0x300, s4;
	s4 =	sor.u32 $0x380, s15;
	[tilespmem:s26+$0x0] =	vst.add.f32.msk $0xffff, v4;
	s26 =	sor.u32 $0x300, s18  }
0x11c: {  	[tilespmem:s0+$0x0] =	vst.add.f32.msk $0xffff, v5;
	s0 =	sor.u32 $0x380, s18  }
0x11d: {  	v3 =	vld [tilespmem:s19+$0x10180]  }
0x11e: {  	[tilespmem:s10+$0x2000] =	vst.add.f32.msk $0xffff, v2;
	s10 =	sor.u32 $0x280, s16  }
0x11f: {  	v2 =	vld [tilespmem:s10+$0x10000]  }
0x120: {  	v4 =	vld [tilespmem:s19+$0x10190]  }
0x121: {  	v5 =	vld [tilespmem:s19+$0x101A0]  }
0x122: {  	[tilespmem:s28+$0x0] =	vst.add.f32.msk $0xffff, v3  }
0x123: {  	v3 =	vld [tilespmem:s11+$0x10000]  }
0x124: {  	[tilespmem:s10+$0x2000] =	vst.add.f32.msk $0xffff, v2;
	s10 =	sor.u32 $0x300, s16  }
0x125: {  	v2 =	vld [tilespmem:s10+$0x10000]  }
0x126: {  	[tilespmem:s25+$0x0] =	vst.add.f32.msk $0xffff, v4  }
0x127: {  	[tilespmem:s9+$0x0] =	vst.add.f32.msk $0xffff, v5  }
0x128: {  	v4 =	vld [tilespmem:s17+$0x10000]  }
0x129: {  	v5 =	vld [tilespmem:s14+$0x10000]  }
0x12a: {  	s9 =	sor.u32 $0x380, s16;
	[tilespmem:s10+$0x2000] =	vst.add.f32.msk $0xffff, v2  }
0x12b: {  	v2 =	vld [tilespmem:s9+$0x10000]  }
0x12c: {  	[tilespmem:s11+$0x2000] =	vst.add.f32.msk $0xffff, v3  }
0x12d: {  	[tilespmem:s17+$0x2000] =	vst.add.f32.msk $0xffff, v4  }
0x12e: {  	[tilespmem:s14+$0x2000] =	vst.add.f32.msk $0xffff, v5  }
0x12f: {  	v3 =	vld [tilespmem:s23+$0x10000]  }
0x130: {  	[tilespmem:s9+$0x2000] =	vst.add.f32.msk $0xffff, v2  }
0x131: {  	v2 =	vld [tilespmem:s7+$0x10000]  }
0x132: {  	v4 =	vld [tilespmem:s13+$0x10000]  }
0x133: {  	[tilespmem:s30+$0x2000] =	vst.add.f32.msk $0xffff, v1;
	s30 =	smov.u32 s4  }
0x134: {  	[tilespmem:s23+$0x2000] =	vst.add.f32.msk $0xffff, v3  }
0x135: {  	v3 =	vld [tilespmem:s12+$0x10000]  }
0x136: {  	[tilespmem:s7+$0x2000] =	vst.add.f32.msk $0xffff, v2  }
0x137: {  	[tilespmem:s13+$0x2000] =	vst.add.f32.msk $0xffff, v4  }
0x138: {  	v4 =	vld [tilespmem:s2+$0x10000]  }
.Ltmp1:
0x139: {  	v1 =	vld [tilespmem:s26+$0x10000];
	(pc) =	sbr.rel @p2 .LBB2_5-.Ltmp1, $4  }
0x13a: {  	[tilespmem:s12+$0x2000] =	vst.add.f32.msk $0xffff, v3  }
0x13b: {  	v2 =	vld [tilespmem:s29+$0x10000]  }
0x13c: {  	[tilespmem:s31+$0x2000] =	vst.add.f32.msk $0xffff, v0;
	s31 =	smov.u32 s0  }
0x13d: {  	[tilespmem:s2+$0x2000] =	vst.add.f32.msk $0xffff, v4  }
0x13e: {  	[tilespmem:s26+$0x2000] =	vst.add.f32.msk $0xffff, v1  }
0x13f: {  	v0 =	vld [tilespmem:s30+$0x10000]  }
0x140: {  	v1 =	vld [tilespmem:s31+$0x10000];
	_ =	sdelay $0x2  }
0x141: {  	[tilespmem:s29+$0x2000] =	vst.add.f32.msk $0xffff, v2  }
0x142: {  	[tilespmem:s30+$0x2000] =	vst.add.f32.msk $0xffff, v0  }
0x143: {  	[tilespmem:s31+$0x2000] =	vst.add.f32.msk $0xffff, v1  }
0x144: {  	s0 =	rddreg [dreg:$0x13]  }
0x145: {  	s2 =	simm.s32 $0x2000;
	s0 =	sadd.s32 s21, s0  }
0x146: {  	[hbm4b:s0+s20] =	stream.linear.scatter [tilespmem:s2], [sflag:$0xA], $0x2000, $0x38;
	[tilespmem:$0x14000] =	vst v63  }
0x147: {  	s0 =	simm.s32 @!p0 $0xE  }
0x148: {  	_ =	swait.ge @!p0 [sflag:s0], $0x2000  }
0x149: {  	[sflag:s0] =	ssyncset.done @!p0 $0x0  }
0x14a: {  	s4 =	simm.s32 @!p0 $0xA000;
	[sflag:s0] =	ssyncadd.s32 @!p0 $0xFFFFE000;
	s0 =	rddreg [dreg:$0x8]  }
0x14b: {  	s7 =	simm.s32 $0x3;
	s2 =	simm.s32 @!p0 $0x0;
	s0 =	sadd.s32 @!p0 s6, s0  }
0x14c: {  	[tilespmem:s4], [sflag:$0x6] =	stream.linear.gather @!p0 [hbm4b:s0+s2], $0x2000, $0x38;
	[tilespmem:$0x14000] =	vst v63  }
0x14d: {  	s22 =	simm.s32 $0x0;
	s24 =	simm.s32 $0x0;
	_ =	swait.ge [sflag:s7], $0x2000  }
0x14e: {  	s9 =	sand.u32 $0x40, s24;
	s10 =	sand.u32 $0x1C00, s22;
	[sflag:s7] =	ssyncset.done $0x0  }
0x14f: {  	s0 =	sor.u32 s9, s10;
	[sflag:s7] =	ssyncadd.s32 $0xFFFFE000  }
0x150: {  	v0 =	vld [tilespmem:s0+$0x10030]  }
0x151: {  	v1 =	vld [tilespmem:s0+$0x10000]  }
0x152: {  	v2 =	vld [tilespmem:s0+$0x10010];
	_ =	sdelay $0x1  }
0x153: {  	s2 =	sor.u32 $0x4030, s0;
	v3 =	vld [tilespmem:s0+$0x10020]  }
0x154: {  	s11 =	sor.u32 $0x4000, s0;
	[tilespmem:s2+$0x0] =	vst.add.f32.msk $0xffff, v0  }
0x155: {  	s12 =	sor.u32 $0x4010, s0;
	[tilespmem:s11+$0x0] =	vst.add.f32.msk $0xffff, v1  }
0x156: {  	[tilespmem:s12+$0x0] =	vst.add.f32.msk $0xffff, v2  }
0x157: {  	v0 =	vld [tilespmem:s0+$0x100B0]  }
0x158: {  	v1 =	vld [tilespmem:s0+$0x10080]  }
0x159: {  	s13 =	sor.u32 $0x4020, s0;
	v2 =	vld [tilespmem:s0+$0x10090]  }
0x15a: {  	[tilespmem:s13+$0x0] =	vst.add.f32.msk $0xffff, v3  }
0x15b: {  	s14 =	sor.u32 $0x40B0, s0;
	v3 =	vld [tilespmem:s0+$0x100A0]  }
0x15c: {  	s15 =	sor.u32 $0x4080, s0;
	[tilespmem:s14+$0x0] =	vst.add.f32.msk $0xffff, v0  }
0x15d: {  	s17 =	sor.u32 $0x4090, s0;
	[tilespmem:s15+$0x0] =	vst.add.f32.msk $0xffff, v1  }
0x15e: {  	[tilespmem:s17+$0x0] =	vst.add.f32.msk $0xffff, v2  }
0x15f: {  	s7 =	sor.u32 $0x40A0, s0;
	v0 =	vld [tilespmem:s0+$0x10130]  }
0x160: {  	[tilespmem:s7+$0x0] =	vst.add.f32.msk $0xffff, v3  }
0x161: {  	v1 =	vld [tilespmem:s0+$0x10100]  }
0x162: {  	v2 =	vld [tilespmem:s0+$0x10110]  }
0x163: {  	s16 =	sor.u32 $0x4130, s0;
	v3 =	vld [tilespmem:s0+$0x10120]  }
0x164: {  	[tilespmem:s16+$0x0] =	vst.add.f32.msk $0xffff, v0  }
0x165: {  	p1 =	por $0x0, $0x0;
	s4 =	simm.s32 $0x1;
	s9 =	sor.u32 $0x4100, s0;
	v0 =	vld [tilespmem:s0+$0x101B0]  }
0x166: {  	s4 =	simm.s32 @!p1 $0x0;
	s10 =	sor.u32 $0x4110, s0;
	[tilespmem:s9+$0x0] =	vst.add.f32.msk $0xffff, v1  }
0x167: {  	s26 =	sor.u32 $0x4120, s0;
	s18 =	sshll.u32 s4, $0x6;
	[tilespmem:s10+$0x0] =	vst.add.f32.msk $0xffff, v2  }
0x168: {  	s2 =	sadd.s32 $0x0, s18;
	[tilespmem:s26+$0x0] =	vst.add.f32.msk $0xffff, v3  }
0x169: {  	s19 =	sor.u32 $0x41B0, s0;
	s23 =	sadd.s32 $0x30, s2;
	v1 =	vld [tilespmem:s0+$0x10180]  }
0x16a: {  	s25 =	sor.u32 $0x200, s23;
	[tilespmem:s19+$0x0] =	vst.add.f32.msk $0xffff, v0  }
0x16b: {  	v0 =	vld [tilespmem:s25+$0x10000]  }
0x16c: {  	v2 =	vld [tilespmem:s0+$0x10190]  }
0x16d: {  	s12 =	sor.u32 $0x4180, s0;
	v3 =	vld [tilespmem:s0+$0x101A0]  }
0x16e: {  	s13 =	sor.u32 $0x200, s2;
	[tilespmem:s12+$0x0] =	vst.add.f32.msk $0xffff, v1  }
0x16f: {  	v1 =	vld [tilespmem:s13+$0x10000]  }
0x170: {  	s11 =	sor.u32 $0x280, s23;
	[tilespmem:s25+$0x4000] =	vst.add.f32.msk $0xffff, v0  }
0x171: {  	s15 =	sor.u32 $0x4190, s0;
	v0 =	vld [tilespmem:s11+$0x10000]  }
0x172: {  	s0 =	sor.u32 $0x41A0, s0;
	[tilespmem:s15+$0x0] =	vst.add.f32.msk $0xffff, v2  }
0x173: {  	s17 =	sadd.s32 $0x20, s2;
	[tilespmem:s0+$0x0] =	vst.add.f32.msk $0xffff, v3  }
0x174: {  	s12 =	sor.u32 $0x200, s17;
	[tilespmem:s13+$0x4000] =	vst.add.f32.msk $0xffff, v1  }
0x175: {  	v1 =	vld [tilespmem:s12+$0x10000]  }
0x176: {  	s14 =	sor.u32 $0x300, s23;
	[tilespmem:s11+$0x4000] =	vst.add.f32.msk $0xffff, v0;
	s11 =	sadd.s32 $0x10, s2  }
0x177: {  	v0 =	vld [tilespmem:s14+$0x10000];
	s16 =	sor.u32 $0x200, s11  }
0x178: {  	v2 =	vld [tilespmem:s16+$0x10000]  }
0x179: {  	s18 =	sor.u32 $0x280, s2  }
0x17a: {  	v3 =	vld [tilespmem:s18+$0x10000]  }
0x17b: {  	[tilespmem:s12+$0x4000] =	vst.add.f32.msk $0xffff, v1  }
0x17c: {  	[tilespmem:s14+$0x4000] =	vst.add.f32.msk $0xffff, v0  }
0x17d: {  	s7 =	sor.u32 $0x380, s23;
	[tilespmem:s16+$0x4000] =	vst.add.f32.msk $0xffff, v2  }
0x17e: {  	s19 =	sor.u32 $0x280, s11;
	v1 =	vld [tilespmem:s7+$0x10000]  }
0x17f: {  	v0 =	vld [tilespmem:s19+$0x10000];
	_ =	sdelay $0x1  }
0x180: {  	s23 =	sor.u32 $0x280, s17;
	[tilespmem:s18+$0x4000] =	vst.add.f32.msk $0xffff, v3  }
0x181: {  	v2 =	vld [tilespmem:s23+$0x10000]  }
0x182: {  	[tilespmem:s7+$0x4000] =	vst.add.f32.msk $0xffff, v1  }
0x183: {  	s2 =	sor.u32 $0x300, s2;
	[tilespmem:s19+$0x4000] =	vst.add.f32.msk $0xffff, v0  }
0x184: {  	s25 =	sor.u32 $0x300, s11;
	v0 =	vld [tilespmem:s2+$0x10000]  }
0x185: {  	v3 =	vld [tilespmem:s25+$0x10000]  }
0x186: {  	s28 =	sor.u32 $0x300, s17;
	[tilespmem:s23+$0x4000] =	vst.add.f32.msk $0xffff, v2  }
0x187: {  	v1 =	vld [tilespmem:s28+$0x10000];
	_ =	sdelay $0x1  }
0x188: {  	s26 =	sor.u32 s22, s24;
	[tilespmem:s2+$0x4000] =	vst.add.f32.msk $0xffff, v0  }
0x189: {  	s29 =	sor.u32 $0x380, s26;
	[tilespmem:s25+$0x4000] =	vst.add.f32.msk $0xffff, v3  }
0x18a: {  	s31 =	sor.u32 $0x380, s17;
	s30 =	sor.u32 $0x380, s11;
	v2 =	vld [tilespmem:s29+$0x10000]  }
.LBB2_7:
0x18b: {  	s24 =	sadd.s32 $0x40, s24;
	[tilespmem:s28+$0x4000] =	vst.add.f32.msk $0xffff, v1;
	s22 =	sadd.s32 $0x200, s22  }
0x18c: {  	s0 =	sand.u32 $0x40, s24;
	s2 =	sand.u32 $0x1C00, s22;
	s4 =	sor.u32 s22, s24;
	v1 =	vld [tilespmem:s30+$0x10000]  }
0x18d: {  	p2 =	slt.u32 s24, $0x3C0;
	s19 =	sor.u32 s0, s2;
	s4 =	sor.u32 $0x380, s4;
	v0 =	vld [tilespmem:s31+$0x10000]  }
0x18e: {  	s7 =	sor.u32 $0x4000, s19;
	s10 =	sor.u32 $0x4010, s19;
	s11 =	sor.u32 $0x4020, s19;
	v3 =	vld [tilespmem:s19+$0x10030]  }
0x18f: {  	s12 =	sor.u32 $0x4080, s19;
	s13 =	sor.u32 $0x4090, s19;
	s14 =	sor.u32 $0x40A0, s19;
	v4 =	vld [tilespmem:s19+$0x10000]  }
0x190: {  	s2 =	sor.u32 $0x4100, s19;
	s28 =	sor.u32 $0x4110, s19;
	s0 =	sor.u32 $0x4120, s19;
	v5 =	vld [tilespmem:s19+$0x10010]  }
0x191: {  	s26 =	sor.u32 $0x4180, s19;
	s9 =	sor.u32 $0x4190, s19;
	s25 =	sor.u32 $0x41A0, s19;
	v6 =	vld [tilespmem:s19+$0x10020]  }
0x192: {  	s15 =	sor.u32 $0x4030, s19;
	[tilespmem:s29+$0x4000] =	vst.add.f32.msk $0xffff, v2;
	s29 =	smov.u32 s4  }
0x193: {  	[tilespmem:s15+$0x0] =	vst.add.f32.msk $0xffff, v3  }
0x194: {  	v2 =	vld [tilespmem:s19+$0x100B0]  }
0x195: {  	[tilespmem:s7+$0x0] =	vst.add.f32.msk $0xffff, v4  }
0x196: {  	[tilespmem:s10+$0x0] =	vst.add.f32.msk $0xffff, v5  }
0x197: {  	[tilespmem:s11+$0x0] =	vst.add.f32.msk $0xffff, v6  }
0x198: {  	s4 =	sor.u32 $0x40B0, s19;
	v3 =	vld [tilespmem:s19+$0x10080]  }
0x199: {  	[tilespmem:s4+$0x0] =	vst.add.f32.msk $0xffff, v2  }
0x19a: {  	v2 =	vld [tilespmem:s19+$0x10130]  }
0x19b: {  	v4 =	vld [tilespmem:s19+$0x10090]  }
0x19c: {  	v5 =	vld [tilespmem:s19+$0x100A0]  }
0x19d: {  	[tilespmem:s12+$0x0] =	vst.add.f32.msk $0xffff, v3  }
0x19e: {  	s4 =	sor.u32 $0x4130, s19;
	v3 =	vld [tilespmem:s19+$0x10100]  }
0x19f: {  	[tilespmem:s4+$0x0] =	vst.add.f32.msk $0xffff, v2  }
0x1a0: {  	p1 =	por !p1, !p1;
	s4 =	simm.s32 $0x1;
	v2 =	vld [tilespmem:s19+$0x101B0]  }
0x1a1: {  	s4 =	simm.s32 @!p1 $0x0;
	[tilespmem:s13+$0x0] =	vst.add.f32.msk $0xffff, v4  }
0x1a2: {  	s4 =	sshll.u32 s4, $0x6;
	[tilespmem:s14+$0x0] =	vst.add.f32.msk $0xffff, v5  }
0x1a3: {  	s4 =	sadd.s32 s4, s22;
	v4 =	vld [tilespmem:s19+$0x10110]  }
0x1a4: {  	s7 =	sor.u32 $0x41B0, s19;
	s10 =	sadd.s32 $0x10, s4;
	s11 =	sadd.s32 $0x30, s4;
	v5 =	vld [tilespmem:s19+$0x10120]  }
0x1a5: {  	s15 =	sadd.s32 $0x20, s4;
	s14 =	sor.u32 $0x200, s10;
	s16 =	sor.u32 $0x200, s11;
	[tilespmem:s7+$0x0] =	vst.add.f32.msk $0xffff, v2  }
0x1a6: {  	s17 =	sor.u32 $0x200, s4;
	s18 =	sor.u32 $0x200, s15;
	s7 =	sor.u32 $0x280, s10;
	v2 =	vld [tilespmem:s16+$0x10000]  }
0x1a7: {  	s23 =	sor.u32 $0x280, s4;
	s13 =	sor.u32 $0x280, s15;
	[tilespmem:s2+$0x0] =	vst.add.f32.msk $0xffff, v3;
	s2 =	sor.u32 $0x300, s10  }
0x1a8: {  	s12 =	sor.u32 $0x300, s4;
	s4 =	sor.u32 $0x380, s10;
	[tilespmem:s28+$0x0] =	vst.add.f32.msk $0xffff, v4;
	s28 =	sor.u32 $0x300, s15  }
0x1a9: {  	[tilespmem:s0+$0x0] =	vst.add.f32.msk $0xffff, v5;
	s0 =	sor.u32 $0x380, s15  }
0x1aa: {  	v3 =	vld [tilespmem:s19+$0x10180]  }
0x1ab: {  	s10 =	sor.u32 $0x280, s11;
	[tilespmem:s16+$0x4000] =	vst.add.f32.msk $0xffff, v2  }
0x1ac: {  	v2 =	vld [tilespmem:s10+$0x10000]  }
0x1ad: {  	v4 =	vld [tilespmem:s19+$0x10190]  }
0x1ae: {  	v5 =	vld [tilespmem:s19+$0x101A0]  }
0x1af: {  	[tilespmem:s26+$0x0] =	vst.add.f32.msk $0xffff, v3  }
0x1b0: {  	v3 =	vld [tilespmem:s17+$0x10000]  }
0x1b1: {  	[tilespmem:s10+$0x4000] =	vst.add.f32.msk $0xffff, v2;
	s10 =	sor.u32 $0x300, s11  }
0x1b2: {  	v2 =	vld [tilespmem:s10+$0x10000]  }
0x1b3: {  	[tilespmem:s9+$0x0] =	vst.add.f32.msk $0xffff, v4  }
0x1b4: {  	[tilespmem:s25+$0x0] =	vst.add.f32.msk $0xffff, v5  }
0x1b5: {  	v4 =	vld [tilespmem:s14+$0x10000]  }
0x1b6: {  	v5 =	vld [tilespmem:s18+$0x10000]  }
0x1b7: {  	s9 =	sor.u32 $0x380, s11;
	[tilespmem:s10+$0x4000] =	vst.add.f32.msk $0xffff, v2  }
0x1b8: {  	v2 =	vld [tilespmem:s9+$0x10000]  }
0x1b9: {  	[tilespmem:s17+$0x4000] =	vst.add.f32.msk $0xffff, v3  }
0x1ba: {  	[tilespmem:s14+$0x4000] =	vst.add.f32.msk $0xffff, v4  }
0x1bb: {  	[tilespmem:s18+$0x4000] =	vst.add.f32.msk $0xffff, v5  }
0x1bc: {  	v3 =	vld [tilespmem:s23+$0x10000]  }
0x1bd: {  	[tilespmem:s9+$0x4000] =	vst.add.f32.msk $0xffff, v2  }
0x1be: {  	v2 =	vld [tilespmem:s7+$0x10000]  }
0x1bf: {  	v4 =	vld [tilespmem:s13+$0x10000]  }
0x1c0: {  	[tilespmem:s30+$0x4000] =	vst.add.f32.msk $0xffff, v1;
	s30 =	smov.u32 s4  }
0x1c1: {  	[tilespmem:s23+$0x4000] =	vst.add.f32.msk $0xffff, v3  }
0x1c2: {  	v3 =	vld [tilespmem:s12+$0x10000]  }
0x1c3: {  	[tilespmem:s7+$0x4000] =	vst.add.f32.msk $0xffff, v2  }
0x1c4: {  	[tilespmem:s13+$0x4000] =	vst.add.f32.msk $0xffff, v4  }
0x1c5: {  	v4 =	vld [tilespmem:s2+$0x10000]  }
.Ltmp2:
0x1c6: {  	v1 =	vld [tilespmem:s28+$0x10000];
	(pc) =	sbr.rel @p2 .LBB2_7-.Ltmp2, $4  }
0x1c7: {  	[tilespmem:s12+$0x4000] =	vst.add.f32.msk $0xffff, v3  }
0x1c8: {  	v2 =	vld [tilespmem:s29+$0x10000]  }
0x1c9: {  	[tilespmem:s31+$0x4000] =	vst.add.f32.msk $0xffff, v0;
	s31 =	smov.u32 s0  }
0x1ca: {  	[tilespmem:s2+$0x4000] =	vst.add.f32.msk $0xffff, v4  }
0x1cb: {  	[tilespmem:s28+$0x4000] =	vst.add.f32.msk $0xffff, v1  }
0x1cc: {  	v0 =	vld [tilespmem:s30+$0x10000]  }
0x1cd: {  	v1 =	vld [tilespmem:s31+$0x10000];
	_ =	sdelay $0x2  }
0x1ce: {  	[tilespmem:s29+$0x4000] =	vst.add.f32.msk $0xffff, v2  }
0x1cf: {  	[tilespmem:s30+$0x4000] =	vst.add.f32.msk $0xffff, v0  }
0x1d0: {  	[tilespmem:s31+$0x4000] =	vst.add.f32.msk $0xffff, v1  }
0x1d1: {  	s0 =	rddreg [dreg:$0x14]  }
0x1d2: {  	s2 =	simm.s32 $0x4000;
	s0 =	sadd.s32 s21, s0  }
0x1d3: {  	[hbm4b:s0+s20] =	stream.linear.scatter [tilespmem:s2], [sflag:$0xB], $0x2000, $0x38;
	[tilespmem:$0x14000] =	vst v63  }
0x1d4: {  	s0 =	simm.s32 @!p0 $0xF  }
0x1d5: {  	_ =	swait.ge @!p0 [sflag:s0], $0x2000  }
0x1d6: {  	[sflag:s0] =	ssyncset.done @!p0 $0x0  }
0x1d7: {  	s4 =	simm.s32 @!p0 $0xC000;
	[sflag:s0] =	ssyncadd.s32 @!p0 $0xFFFFE000;
	s0 =	rddreg [dreg:$0x9]  }
0x1d8: {  	s10 =	simm.s32 $0x4;
	s2 =	simm.s32 @!p0 $0x0;
	s0 =	sadd.s32 @!p0 s6, s0  }
0x1d9: {  	[tilespmem:s4], [sflag:$0x7] =	stream.linear.gather @!p0 [hbm4b:s0+s2], $0x2000, $0x38;
	[tilespmem:$0x14000] =	vst v63  }
0x1da: {  	s22 =	simm.s32 $0x0;
	s24 =	simm.s32 $0x0;
	_ =	swait.ge [sflag:s10], $0x2000  }
0x1db: {  	s11 =	sand.u32 $0x40, s24;
	s12 =	sand.u32 $0x1C00, s22;
	[sflag:s10] =	ssyncset.done $0x0  }
0x1dc: {  	s0 =	sor.u32 s11, s12;
	[sflag:s10] =	ssyncadd.s32 $0xFFFFE000  }
0x1dd: {  	v0 =	vld [tilespmem:s0+$0x10030]  }
0x1de: {  	v1 =	vld [tilespmem:s0+$0x10000]  }
0x1df: {  	v2 =	vld [tilespmem:s0+$0x10010];
	_ =	sdelay $0x1  }
0x1e0: {  	s2 =	sor.u32 $0x6030, s0;
	v3 =	vld [tilespmem:s0+$0x10020]  }
0x1e1: {  	s13 =	sor.u32 $0x6000, s0;
	[tilespmem:s2+$0x0] =	vst.add.f32.msk $0xffff, v0  }
0x1e2: {  	s14 =	sor.u32 $0x6010, s0;
	[tilespmem:s13+$0x0] =	vst.add.f32.msk $0xffff, v1  }
0x1e3: {  	[tilespmem:s14+$0x0] =	vst.add.f32.msk $0xffff, v2  }
0x1e4: {  	v0 =	vld [tilespmem:s0+$0x100B0]  }
0x1e5: {  	s15 =	sor.u32 $0x6020, s0;
	v1 =	vld [tilespmem:s0+$0x10080]  }
0x1e6: {  	[tilespmem:s15+$0x0] =	vst.add.f32.msk $0xffff, v3  }
0x1e7: {  	v2 =	vld [tilespmem:s0+$0x10090]  }
0x1e8: {  	s16 =	sor.u32 $0x60B0, s0;
	v3 =	vld [tilespmem:s0+$0x100A0]  }
0x1e9: {  	s17 =	sor.u32 $0x6080, s0;
	[tilespmem:s16+$0x0] =	vst.add.f32.msk $0xffff, v0  }
0x1ea: {  	[tilespmem:s17+$0x0] =	vst.add.f32.msk $0xffff, v1  }
0x1eb: {  	s19 =	sor.u32 $0x6090, s0;
	v0 =	vld [tilespmem:s0+$0x10130]  }
0x1ec: {  	s7 =	sor.u32 $0x60A0, s0;
	[tilespmem:s19+$0x0] =	vst.add.f32.msk $0xffff, v2  }
0x1ed: {  	[tilespmem:s7+$0x0] =	vst.add.f32.msk $0xffff, v3  }
0x1ee: {  	v1 =	vld [tilespmem:s0+$0x10100]  }
0x1ef: {  	s18 =	sor.u32 $0x6130, s0;
	v2 =	vld [tilespmem:s0+$0x10110]  }
0x1f0: {  	[tilespmem:s18+$0x0] =	vst.add.f32.msk $0xffff, v0  }
0x1f1: {  	p1 =	por $0x0, $0x0;
	s4 =	simm.s32 $0x1;
	v0 =	vld [tilespmem:s0+$0x101B0]  }
0x1f2: {  	s4 =	simm.s32 @!p1 $0x0;
	s9 =	sor.u32 $0x6100, s0;
	v3 =	vld [tilespmem:s0+$0x10120]  }
0x1f3: {  	s20 =	sshll.u32 s4, $0x6;
	s10 =	sor.u32 $0x6110, s0;
	[tilespmem:s9+$0x0] =	vst.add.f32.msk $0xffff, v1  }
0x1f4: {  	s2 =	sadd.s32 $0x0, s20;
	[tilespmem:s10+$0x0] =	vst.add.f32.msk $0xffff, v2  }
0x1f5: {  	s23 =	sor.u32 $0x61B0, s0;
	s25 =	sadd.s32 $0x30, s2;
	v1 =	vld [tilespmem:s0+$0x10180]  }
0x1f6: {  	s26 =	sor.u32 $0x200, s25;
	[tilespmem:s23+$0x0] =	vst.add.f32.msk $0xffff, v0  }
0x1f7: {  	s11 =	sor.u32 $0x6120, s0;
	v0 =	vld [tilespmem:s26+$0x10000]  }
0x1f8: {  	[tilespmem:s11+$0x0] =	vst.add.f32.msk $0xffff, v3  }
0x1f9: {  	v2 =	vld [tilespmem:s0+$0x10190]  }
0x1fa: {  	s13 =	sor.u32 $0x6180, s0;
	v3 =	vld [tilespmem:s0+$0x101A0]  }
0x1fb: {  	[tilespmem:s13+$0x0] =	vst.add.f32.msk $0xffff, v1  }
0x1fc: {  	s12 =	sor.u32 $0x280, s25;
	[tilespmem:s26+$0x6000] =	vst.add.f32.msk $0xffff, v0  }
0x1fd: {  	s16 =	sor.u32 $0x6190, s0;
	v0 =	vld [tilespmem:s12+$0x10000]  }
0x1fe: {  	s14 =	sor.u32 $0x200, s2;
	[tilespmem:s16+$0x0] =	vst.add.f32.msk $0xffff, v2  }
0x1ff: {  	s11 =	sadd.s32 $0x10, s2;
	s0 =	sor.u32 $0x61A0, s0;
	v1 =	vld [tilespmem:s14+$0x10000]  }
0x200: {  	s17 =	sor.u32 $0x200, s11;
	[tilespmem:s0+$0x0] =	vst.add.f32.msk $0xffff, v3  }
0x201: {  	v2 =	vld [tilespmem:s17+$0x10000]  }
0x202: {  	s15 =	sor.u32 $0x300, s25;
	[tilespmem:s12+$0x6000] =	vst.add.f32.msk $0xffff, v0  }
0x203: {  	v0 =	vld [tilespmem:s15+$0x10000]  }
0x204: {  	s19 =	sor.u32 $0x280, s2;
	s18 =	sadd.s32 $0x20, s2;
	[tilespmem:s14+$0x6000] =	vst.add.f32.msk $0xffff, v1  }
0x205: {  	v3 =	vld [tilespmem:s19+$0x10000];
	s12 =	sor.u32 $0x200, s18  }
0x206: {  	v1 =	vld [tilespmem:s12+$0x10000]  }
0x207: {  	[tilespmem:s17+$0x6000] =	vst.add.f32.msk $0xffff, v2  }
0x208: {  	s20 =	sor.u32 $0x280, s11;
	[tilespmem:s15+$0x6000] =	vst.add.f32.msk $0xffff, v0  }
0x209: {  	v0 =	vld [tilespmem:s20+$0x10000]  }
0x20a: {  	[tilespmem:s19+$0x6000] =	vst.add.f32.msk $0xffff, v3  }
0x20b: {  	s7 =	sor.u32 $0x380, s25;
	[tilespmem:s12+$0x6000] =	vst.add.f32.msk $0xffff, v1  }
0x20c: {  	s23 =	sor.u32 $0x280, s18;
	v1 =	vld [tilespmem:s7+$0x10000]  }
0x20d: {  	v2 =	vld [tilespmem:s23+$0x10000]  }
0x20e: {  	s2 =	sor.u32 $0x300, s2;
	[tilespmem:s20+$0x6000] =	vst.add.f32.msk $0xffff, v0  }
0x20f: {  	s25 =	sor.u32 $0x300, s11;
	v0 =	vld [tilespmem:s2+$0x10000]  }
0x210: {  	v3 =	vld [tilespmem:s25+$0x10000]  }
0x211: {  	[tilespmem:s7+$0x6000] =	vst.add.f32.msk $0xffff, v1  }
0x212: {  	s28 =	sor.u32 $0x300, s18;
	[tilespmem:s23+$0x6000] =	vst.add.f32.msk $0xffff, v2  }
0x213: {  	v1 =	vld [tilespmem:s28+$0x10000];
	_ =	sdelay $0x1  }
0x214: {  	s26 =	sor.u32 s22, s24;
	[tilespmem:s2+$0x6000] =	vst.add.f32.msk $0xffff, v0  }
0x215: {  	s29 =	sor.u32 $0x380, s26;
	[tilespmem:s25+$0x6000] =	vst.add.f32.msk $0xffff, v3  }
0x216: {  	s30 =	sor.u32 $0x380, s11;
	s31 =	sor.u32 $0x380, s18;
	v2 =	vld [tilespmem:s29+$0x10000]  }
.LBB2_9:
0x217: {  	s24 =	sadd.s32 $0x40, s24;
	[tilespmem:s28+$0x6000] =	vst.add.f32.msk $0xffff, v1;
	s22 =	sadd.s32 $0x200, s22  }
0x218: {  	s0 =	sand.u32 $0x40, s24;
	s2 =	sand.u32 $0x1C00, s22;
	s4 =	sor.u32 s22, s24;
	v1 =	vld [tilespmem:s30+$0x10000]  }
0x219: {  	p2 =	slt.u32 s24, $0x3C0;
	s19 =	sor.u32 s0, s2;
	s4 =	sor.u32 $0x380, s4;
	v0 =	vld [tilespmem:s31+$0x10000]  }
0x21a: {  	s7 =	sor.u32 $0x6000, s19;
	s10 =	sor.u32 $0x6010, s19;
	s11 =	sor.u32 $0x6020, s19;
	v3 =	vld [tilespmem:s19+$0x10030]  }
0x21b: {  	s12 =	sor.u32 $0x6080, s19;
	s13 =	sor.u32 $0x6090, s19;
	s14 =	sor.u32 $0x60A0, s19;
	v4 =	vld [tilespmem:s19+$0x10000]  }
0x21c: {  	s2 =	sor.u32 $0x6100, s19;
	s28 =	sor.u32 $0x6110, s19;
	s0 =	sor.u32 $0x6120, s19;
	v5 =	vld [tilespmem:s19+$0x10010]  }
0x21d: {  	s26 =	sor.u32 $0x6180, s19;
	s9 =	sor.u32 $0x6190, s19;
	s25 =	sor.u32 $0x61A0, s19;
	v6 =	vld [tilespmem:s19+$0x10020]  }
0x21e: {  	s15 =	sor.u32 $0x6030, s19;
	[tilespmem:s29+$0x6000] =	vst.add.f32.msk $0xffff, v2;
	s29 =	smov.u32 s4  }
0x21f: {  	[tilespmem:s15+$0x0] =	vst.add.f32.msk $0xffff, v3  }
0x220: {  	v2 =	vld [tilespmem:s19+$0x100B0]  }
0x221: {  	[tilespmem:s7+$0x0] =	vst.add.f32.msk $0xffff, v4  }
0x222: {  	[tilespmem:s10+$0x0] =	vst.add.f32.msk $0xffff, v5  }
0x223: {  	[tilespmem:s11+$0x0] =	vst.add.f32.msk $0xffff, v6  }
0x224: {  	s4 =	sor.u32 $0x60B0, s19;
	v3 =	vld [tilespmem:s19+$0x10080]  }
0x225: {  	[tilespmem:s4+$0x0] =	vst.add.f32.msk $0xffff, v2  }
0x226: {  	v2 =	vld [tilespmem:s19+$0x10130]  }
0x227: {  	v4 =	vld [tilespmem:s19+$0x10090]  }
0x228: {  	v5 =	vld [tilespmem:s19+$0x100A0]  }
0x229: {  	[tilespmem:s12+$0x0] =	vst.add.f32.msk $0xffff, v3  }
0x22a: {  	s4 =	sor.u32 $0x6130, s19;
	v3 =	vld [tilespmem:s19+$0x10100]  }
0x22b: {  	[tilespmem:s4+$0x0] =	vst.add.f32.msk $0xffff, v2  }
0x22c: {  	p1 =	por !p1, !p1;
	s4 =	simm.s32 $0x1;
	v2 =	vld [tilespmem:s19+$0x101B0]  }
0x22d: {  	s4 =	simm.s32 @!p1 $0x0;
	[tilespmem:s13+$0x0] =	vst.add.f32.msk $0xffff, v4  }
0x22e: {  	s4 =	sshll.u32 s4, $0x6;
	[tilespmem:s14+$0x0] =	vst.add.f32.msk $0xffff, v5  }
0x22f: {  	s4 =	sadd.s32 s4, s22;
	v4 =	vld [tilespmem:s19+$0x10110]  }
0x230: {  	s7 =	sor.u32 $0x61B0, s19;
	s10 =	sadd.s32 $0x10, s4;
	s11 =	sadd.s32 $0x30, s4;
	v5 =	vld [tilespmem:s19+$0x10120]  }
0x231: {  	s15 =	sadd.s32 $0x20, s4;
	s14 =	sor.u32 $0x200, s10;
	s16 =	sor.u32 $0x200, s11;
	[tilespmem:s7+$0x0] =	vst.add.f32.msk $0xffff, v2  }
0x232: {  	s17 =	sor.u32 $0x200, s4;
	s18 =	sor.u32 $0x200, s15;
	s7 =	sor.u32 $0x280, s10;
	v2 =	vld [tilespmem:s16+$0x10000]  }
0x233: {  	s23 =	sor.u32 $0x280, s4;
	s13 =	sor.u32 $0x280, s15;
	[tilespmem:s2+$0x0] =	vst.add.f32.msk $0xffff, v3;
	s2 =	sor.u32 $0x300, s10  }
0x234: {  	s12 =	sor.u32 $0x300, s4;
	s4 =	sor.u32 $0x380, s10;
	[tilespmem:s28+$0x0] =	vst.add.f32.msk $0xffff, v4;
	s28 =	sor.u32 $0x300, s15  }
0x235: {  	[tilespmem:s0+$0x0] =	vst.add.f32.msk $0xffff, v5;
	s0 =	sor.u32 $0x380, s15  }
0x236: {  	v3 =	vld [tilespmem:s19+$0x10180]  }
0x237: {  	s10 =	sor.u32 $0x280, s11;
	[tilespmem:s16+$0x6000] =	vst.add.f32.msk $0xffff, v2  }
0x238: {  	v2 =	vld [tilespmem:s10+$0x10000]  }
0x239: {  	v4 =	vld [tilespmem:s19+$0x10190]  }
0x23a: {  	v5 =	vld [tilespmem:s19+$0x101A0]  }
0x23b: {  	[tilespmem:s26+$0x0] =	vst.add.f32.msk $0xffff, v3  }
0x23c: {  	v3 =	vld [tilespmem:s17+$0x10000]  }
0x23d: {  	[tilespmem:s10+$0x6000] =	vst.add.f32.msk $0xffff, v2;
	s10 =	sor.u32 $0x300, s11  }
0x23e: {  	v2 =	vld [tilespmem:s10+$0x10000]  }
0x23f: {  	[tilespmem:s9+$0x0] =	vst.add.f32.msk $0xffff, v4  }
0x240: {  	[tilespmem:s25+$0x0] =	vst.add.f32.msk $0xffff, v5  }
0x241: {  	v4 =	vld [tilespmem:s14+$0x10000]  }
0x242: {  	v5 =	vld [tilespmem:s18+$0x10000]  }
0x243: {  	s9 =	sor.u32 $0x380, s11;
	[tilespmem:s10+$0x6000] =	vst.add.f32.msk $0xffff, v2  }
0x244: {  	v2 =	vld [tilespmem:s9+$0x10000]  }
0x245: {  	[tilespmem:s17+$0x6000] =	vst.add.f32.msk $0xffff, v3  }
0x246: {  	[tilespmem:s14+$0x6000] =	vst.add.f32.msk $0xffff, v4  }
0x247: {  	[tilespmem:s18+$0x6000] =	vst.add.f32.msk $0xffff, v5  }
0x248: {  	v3 =	vld [tilespmem:s23+$0x10000]  }
0x249: {  	[tilespmem:s9+$0x6000] =	vst.add.f32.msk $0xffff, v2  }
0x24a: {  	v2 =	vld [tilespmem:s7+$0x10000]  }
0x24b: {  	v4 =	vld [tilespmem:s13+$0x10000]  }
0x24c: {  	[tilespmem:s30+$0x6000] =	vst.add.f32.msk $0xffff, v1;
	s30 =	smov.u32 s4  }
0x24d: {  	[tilespmem:s23+$0x6000] =	vst.add.f32.msk $0xffff, v3  }
0x24e: {  	v3 =	vld [tilespmem:s12+$0x10000]  }
0x24f: {  	[tilespmem:s7+$0x6000] =	vst.add.f32.msk $0xffff, v2  }
0x250: {  	[tilespmem:s13+$0x6000] =	vst.add.f32.msk $0xffff, v4  }
0x251: {  	v4 =	vld [tilespmem:s2+$0x10000]  }
.Ltmp3:
0x252: {  	v1 =	vld [tilespmem:s28+$0x10000];
	(pc) =	sbr.rel @p2 .LBB2_9-.Ltmp3, $4  }
0x253: {  	[tilespmem:s12+$0x6000] =	vst.add.f32.msk $0xffff, v3  }
0x254: {  	v2 =	vld [tilespmem:s29+$0x10000]  }
0x255: {  	[tilespmem:s31+$0x6000] =	vst.add.f32.msk $0xffff, v0;
	s31 =	smov.u32 s0  }
0x256: {  	[tilespmem:s2+$0x6000] =	vst.add.f32.msk $0xffff, v4  }
0x257: {  	[tilespmem:s28+$0x6000] =	vst.add.f32.msk $0xffff, v1  }
0x258: {  	v0 =	vld [tilespmem:s30+$0x10000]  }
0x259: {  	v1 =	vld [tilespmem:s31+$0x10000];
	_ =	sdelay $0x2  }
0x25a: {  	[tilespmem:s29+$0x6000] =	vst.add.f32.msk $0xffff, v2  }
0x25b: {  	[tilespmem:s30+$0x6000] =	vst.add.f32.msk $0xffff, v0  }
0x25c: {  	[tilespmem:s31+$0x6000] =	vst.add.f32.msk $0xffff, v1  }
0x25d: {  	s2 =	simm.s32 $0x0;
	s0 =	rddreg [dreg:$0x15]  }
0x25e: {  	s4 =	simm.s32 $0x6000;
	s0 =	sadd.s32 s21, s0;
	s21 =	sadd.s32 $0x2, s3  }
0x25f: {  	[hbm4b:s0+s2] =	stream.linear.scatter [tilespmem:s4], [sflag:$0xC], $0x2000, $0x38;
	[tilespmem:$0x14000] =	vst v63  }
0x260: {  	s26 =	rddreg [dreg:$0x12];
	s25 =	smin.u32 s21, $0x1E  }
0x261: {  	s0 =	sor.u32 s26, s25  }
0x262: {  	s0 =	sshll.u32 s0, $0xA  }
0x263: {  	s20 =	rddreg [dreg:$0x1];
	s0 =	sand.u32 $0xFF800, s0  }
0x264: {  	s7 =	simm.s32 $0x10000;
	s0 =	sadd.s32 s20, s0  }
0x265: {  	[tilespmem:s7], [sflag:$0x11] =	stream.linear.gather [hbm4b:s0+s2], $0x2000, $0x38;
	[tilespmem:$0x14000] =	vst v63  }
0x266: {  	s0 =	simm.s32 @!p0 $0x10  }
0x267: {  	s9 =	simm.s32 $0x12;
	_ =	swait.ge @!p0 [sflag:s0], $0x2000  }
0x268: {  	s4 =	simm.s32 @!p0 $0xE000;
	[sflag:s0] =	ssyncset.done @!p0 $0x0;
	s31 =	rddreg [dreg:$0xc]  }
0x269: {  	s2 =	simm.s32 @!p0 $0x0;
	[sflag:s0] =	ssyncadd.s32 @!p0 $0xFFFFE000;
	s0 =	sadd.s32 @!p0 s6, s31  }
0x26a: {  	[tilespmem:s4], [sflag:$0x8] =	stream.linear.gather @!p0 [hbm4b:s0+s2], $0x2000, $0x38;
	[tilespmem:$0x14000] =	vst v63  }
0x26b: {  	_ =	swait.ge [sflag:s9], $0x2000  }
0x26c: {  	[sflag:s9] =	ssyncset.done $0x0  }
0x26d: {  	s10 =	simm.s32 $0x5;
	[sflag:s9] =	ssyncadd.s32 $0xFFFFE000  }
0x26e: {  	s22 =	simm.s32 $0x0;
	s6 =	simm.s32 $0x0;
	_ =	swait.ge [sflag:s10], $0x2000  }
0x26f: {  	s11 =	sand.u32 $0x40, s22;
	s12 =	sand.u32 $0x1C00, s6;
	[sflag:s10] =	ssyncset.done $0x0  }
0x270: {  	s0 =	sor.u32 s11, s12;
	[sflag:s10] =	ssyncadd.s32 $0xFFFFE000  }
0x271: {  	v0 =	vld [tilespmem:s0+$0x12030]  }
0x272: {  	v1 =	vld [tilespmem:s0+$0x12000]  }
0x273: {  	v2 =	vld [tilespmem:s0+$0x12010];
	_ =	sdelay $0x1  }
0x274: {  	s2 =	sor.u32 $0x8030, s0;
	v3 =	vld [tilespmem:s0+$0x12020]  }
0x275: {  	s13 =	sor.u32 $0x8000, s0;
	[tilespmem:s2+$0x0] =	vst.add.f32.msk $0xffff, v0  }
0x276: {  	s14 =	sor.u32 $0x8010, s0;
	[tilespmem:s13+$0x0] =	vst.add.f32.msk $0xffff, v1  }
0x277: {  	[tilespmem:s14+$0x0] =	vst.add.f32.msk $0xffff, v2  }
0x278: {  	v0 =	vld [tilespmem:s0+$0x120B0]  }
0x279: {  	s15 =	sor.u32 $0x8020, s0;
	v1 =	vld [tilespmem:s0+$0x12080]  }
0x27a: {  	[tilespmem:s15+$0x0] =	vst.add.f32.msk $0xffff, v3  }
0x27b: {  	v2 =	vld [tilespmem:s0+$0x12090]  }
0x27c: {  	s16 =	sor.u32 $0x80B0, s0;
	v3 =	vld [tilespmem:s0+$0x120A0]  }
0x27d: {  	s17 =	sor.u32 $0x8080, s0;
	[tilespmem:s16+$0x0] =	vst.add.f32.msk $0xffff, v0  }
0x27e: {  	[tilespmem:s17+$0x0] =	vst.add.f32.msk $0xffff, v1  }
0x27f: {  	s19 =	sor.u32 $0x8090, s0;
	v0 =	vld [tilespmem:s0+$0x12130]  }
0x280: {  	s7 =	sor.u32 $0x80A0, s0;
	[tilespmem:s19+$0x0] =	vst.add.f32.msk $0xffff, v2  }
0x281: {  	[tilespmem:s7+$0x0] =	vst.add.f32.msk $0xffff, v3  }
0x282: {  	v1 =	vld [tilespmem:s0+$0x12100]  }
0x283: {  	s18 =	sor.u32 $0x8130, s0;
	v2 =	vld [tilespmem:s0+$0x12110]  }
0x284: {  	[tilespmem:s18+$0x0] =	vst.add.f32.msk $0xffff, v0  }
0x285: {  	p0 =	por $0x0, $0x0;
	s4 =	simm.s32 $0x1;
	v0 =	vld [tilespmem:s0+$0x121B0]  }
0x286: {  	s4 =	simm.s32 @!p0 $0x0;
	s9 =	sor.u32 $0x8100, s0;
	v3 =	vld [tilespmem:s0+$0x12120]  }
0x287: {  	s23 =	sshll.u32 s4, $0x6;
	s10 =	sor.u32 $0x8110, s0;
	[tilespmem:s9+$0x0] =	vst.add.f32.msk $0xffff, v1  }
0x288: {  	s2 =	sadd.s32 $0x0, s23;
	[tilespmem:s10+$0x0] =	vst.add.f32.msk $0xffff, v2  }
0x289: {  	s24 =	sor.u32 $0x81B0, s0;
	s25 =	sadd.s32 $0x30, s2;
	v1 =	vld [tilespmem:s0+$0x12180]  }
0x28a: {  	s26 =	sor.u32 $0x200, s25;
	[tilespmem:s24+$0x0] =	vst.add.f32.msk $0xffff, v0  }
0x28b: {  	s11 =	sor.u32 $0x8120, s0;
	v0 =	vld [tilespmem:s26+$0x12000]  }
0x28c: {  	[tilespmem:s11+$0x0] =	vst.add.f32.msk $0xffff, v3  }
0x28d: {  	v2 =	vld [tilespmem:s0+$0x12190]  }
0x28e: {  	s13 =	sor.u32 $0x8180, s0;
	v3 =	vld [tilespmem:s0+$0x121A0]  }
0x28f: {  	[tilespmem:s13+$0x0] =	vst.add.f32.msk $0xffff, v1  }
0x290: {  	s12 =	sor.u32 $0x280, s25;
	[tilespmem:s26+$0x8000] =	vst.add.f32.msk $0xffff, v0  }
0x291: {  	s16 =	sor.u32 $0x8190, s0;
	v0 =	vld [tilespmem:s12+$0x12000]  }
0x292: {  	s14 =	sor.u32 $0x200, s2;
	[tilespmem:s16+$0x0] =	vst.add.f32.msk $0xffff, v2  }
0x293: {  	s11 =	sadd.s32 $0x10, s2;
	s0 =	sor.u32 $0x81A0, s0;
	v1 =	vld [tilespmem:s14+$0x12000]  }
0x294: {  	s17 =	sor.u32 $0x200, s11;
	[tilespmem:s0+$0x0] =	vst.add.f32.msk $0xffff, v3  }
0x295: {  	v2 =	vld [tilespmem:s17+$0x12000]  }
0x296: {  	s15 =	sor.u32 $0x300, s25;
	[tilespmem:s12+$0x8000] =	vst.add.f32.msk $0xffff, v0  }
0x297: {  	v0 =	vld [tilespmem:s15+$0x12000]  }
0x298: {  	s19 =	sor.u32 $0x280, s2;
	s18 =	sadd.s32 $0x20, s2;
	[tilespmem:s14+$0x8000] =	vst.add.f32.msk $0xffff, v1  }
0x299: {  	v3 =	vld [tilespmem:s19+$0x12000];
	s12 =	sor.u32 $0x200, s18  }
0x29a: {  	v1 =	vld [tilespmem:s12+$0x12000]  }
0x29b: {  	[tilespmem:s17+$0x8000] =	vst.add.f32.msk $0xffff, v2  }
0x29c: {  	s23 =	sor.u32 $0x280, s11;
	[tilespmem:s15+$0x8000] =	vst.add.f32.msk $0xffff, v0  }
0x29d: {  	v0 =	vld [tilespmem:s23+$0x12000]  }
0x29e: {  	[tilespmem:s19+$0x8000] =	vst.add.f32.msk $0xffff, v3  }
0x29f: {  	s7 =	sor.u32 $0x380, s25;
	[tilespmem:s12+$0x8000] =	vst.add.f32.msk $0xffff, v1  }
0x2a0: {  	s24 =	sor.u32 $0x280, s18;
	v1 =	vld [tilespmem:s7+$0x12000]  }
0x2a1: {  	v2 =	vld [tilespmem:s24+$0x12000]  }
0x2a2: {  	s2 =	sor.u32 $0x300, s2;
	[tilespmem:s23+$0x8000] =	vst.add.f32.msk $0xffff, v0  }
0x2a3: {  	s25 =	sor.u32 $0x300, s11;
	v0 =	vld [tilespmem:s2+$0x12000]  }
0x2a4: {  	v3 =	vld [tilespmem:s25+$0x12000]  }
0x2a5: {  	[tilespmem:s7+$0x8000] =	vst.add.f32.msk $0xffff, v1  }
0x2a6: {  	s28 =	sor.u32 $0x300, s18;
	[tilespmem:s24+$0x8000] =	vst.add.f32.msk $0xffff, v2  }
0x2a7: {  	v1 =	vld [tilespmem:s28+$0x12000];
	_ =	sdelay $0x1  }
0x2a8: {  	s26 =	sor.u32 s6, s22;
	[tilespmem:s2+$0x8000] =	vst.add.f32.msk $0xffff, v0  }
0x2a9: {  	s30 =	sor.u32 $0x380, s26;
	[tilespmem:s25+$0x8000] =	vst.add.f32.msk $0xffff, v3  }
0x2aa: {  	s29 =	sor.u32 $0x380, s11;
	s24 =	sor.u32 $0x380, s18;
	v2 =	vld [tilespmem:s30+$0x12000]  }
.LBB2_11:
0x2ab: {  	s22 =	sadd.s32 $0x40, s22;
	[tilespmem:s28+$0x8000] =	vst.add.f32.msk $0xffff, v1;
	s6 =	sadd.s32 $0x200, s6  }
0x2ac: {  	s0 =	sand.u32 $0x40, s22;
	s2 =	sand.u32 $0x1C00, s6;
	s4 =	sor.u32 s6, s22;
	v1 =	vld [tilespmem:s29+$0x12000]  }
0x2ad: {  	p1 =	slt.u32 s22, $0x3C0;
	s19 =	sor.u32 s0, s2;
	s4 =	sor.u32 $0x380, s4;
	v0 =	vld [tilespmem:s24+$0x12000]  }
0x2ae: {  	s7 =	sor.u32 $0x8000, s19;
	s10 =	sor.u32 $0x8010, s19;
	s11 =	sor.u32 $0x8020, s19;
	v3 =	vld [tilespmem:s19+$0x12030]  }
0x2af: {  	s12 =	sor.u32 $0x8080, s19;
	s13 =	sor.u32 $0x8090, s19;
	s14 =	sor.u32 $0x80A0, s19;
	v4 =	vld [tilespmem:s19+$0x12000]  }
0x2b0: {  	s2 =	sor.u32 $0x8100, s19;
	s28 =	sor.u32 $0x8110, s19;
	s0 =	sor.u32 $0x8120, s19;
	v5 =	vld [tilespmem:s19+$0x12010]  }
0x2b1: {  	s26 =	sor.u32 $0x8180, s19;
	s9 =	sor.u32 $0x8190, s19;
	s25 =	sor.u32 $0x81A0, s19;
	v6 =	vld [tilespmem:s19+$0x12020]  }
0x2b2: {  	s15 =	sor.u32 $0x8030, s19;
	[tilespmem:s30+$0x8000] =	vst.add.f32.msk $0xffff, v2;
	s30 =	smov.u32 s4  }
0x2b3: {  	[tilespmem:s15+$0x0] =	vst.add.f32.msk $0xffff, v3  }
0x2b4: {  	v2 =	vld [tilespmem:s19+$0x120B0]  }
0x2b5: {  	[tilespmem:s7+$0x0] =	vst.add.f32.msk $0xffff, v4  }
0x2b6: {  	[tilespmem:s10+$0x0] =	vst.add.f32.msk $0xffff, v5  }
0x2b7: {  	[tilespmem:s11+$0x0] =	vst.add.f32.msk $0xffff, v6  }
0x2b8: {  	s4 =	sor.u32 $0x80B0, s19;
	v3 =	vld [tilespmem:s19+$0x12080]  }
0x2b9: {  	[tilespmem:s4+$0x0] =	vst.add.f32.msk $0xffff, v2  }
0x2ba: {  	v2 =	vld [tilespmem:s19+$0x12130]  }
0x2bb: {  	v4 =	vld [tilespmem:s19+$0x12090]  }
0x2bc: {  	v5 =	vld [tilespmem:s19+$0x120A0]  }
0x2bd: {  	[tilespmem:s12+$0x0] =	vst.add.f32.msk $0xffff, v3  }
0x2be: {  	s4 =	sor.u32 $0x8130, s19;
	v3 =	vld [tilespmem:s19+$0x12100]  }
0x2bf: {  	[tilespmem:s4+$0x0] =	vst.add.f32.msk $0xffff, v2  }
0x2c0: {  	p0 =	por !p0, !p0;
	s4 =	simm.s32 $0x1;
	v2 =	vld [tilespmem:s19+$0x121B0]  }
0x2c1: {  	s4 =	simm.s32 @!p0 $0x0;
	[tilespmem:s13+$0x0] =	vst.add.f32.msk $0xffff, v4  }
0x2c2: {  	s4 =	sshll.u32 s4, $0x6;
	[tilespmem:s14+$0x0] =	vst.add.f32.msk $0xffff, v5  }
0x2c3: {  	s4 =	sadd.s32 s4, s6;
	v4 =	vld [tilespmem:s19+$0x12110]  }
0x2c4: {  	s7 =	sor.u32 $0x81B0, s19;
	s10 =	sadd.s32 $0x10, s4;
	s11 =	sadd.s32 $0x30, s4;
	v5 =	vld [tilespmem:s19+$0x12120]  }
0x2c5: {  	s15 =	sadd.s32 $0x20, s4;
	s14 =	sor.u32 $0x200, s10;
	s16 =	sor.u32 $0x200, s11;
	[tilespmem:s7+$0x0] =	vst.add.f32.msk $0xffff, v2  }
0x2c6: {  	s17 =	sor.u32 $0x200, s4;
	s18 =	sor.u32 $0x200, s15;
	s7 =	sor.u32 $0x280, s10;
	v2 =	vld [tilespmem:s16+$0x12000]  }
0x2c7: {  	s23 =	sor.u32 $0x280, s4;
	s13 =	sor.u32 $0x280, s15;
	[tilespmem:s2+$0x0] =	vst.add.f32.msk $0xffff, v3;
	s2 =	sor.u32 $0x300, s10  }
0x2c8: {  	s12 =	sor.u32 $0x300, s4;
	s4 =	sor.u32 $0x380, s10;
	[tilespmem:s28+$0x0] =	vst.add.f32.msk $0xffff, v4;
	s28 =	sor.u32 $0x300, s15  }
0x2c9: {  	[tilespmem:s0+$0x0] =	vst.add.f32.msk $0xffff, v5;
	s0 =	sor.u32 $0x380, s15  }
0x2ca: {  	v3 =	vld [tilespmem:s19+$0x12180]  }
0x2cb: {  	s10 =	sor.u32 $0x280, s11;
	[tilespmem:s16+$0x8000] =	vst.add.f32.msk $0xffff, v2  }
0x2cc: {  	v2 =	vld [tilespmem:s10+$0x12000]  }
0x2cd: {  	v4 =	vld [tilespmem:s19+$0x12190]  }
0x2ce: {  	v5 =	vld [tilespmem:s19+$0x121A0]  }
0x2cf: {  	[tilespmem:s26+$0x0] =	vst.add.f32.msk $0xffff, v3  }
0x2d0: {  	v3 =	vld [tilespmem:s17+$0x12000]  }
0x2d1: {  	[tilespmem:s10+$0x8000] =	vst.add.f32.msk $0xffff, v2;
	s10 =	sor.u32 $0x300, s11  }
0x2d2: {  	v2 =	vld [tilespmem:s10+$0x12000]  }
0x2d3: {  	[tilespmem:s9+$0x0] =	vst.add.f32.msk $0xffff, v4  }
0x2d4: {  	[tilespmem:s25+$0x0] =	vst.add.f32.msk $0xffff, v5  }
0x2d5: {  	v4 =	vld [tilespmem:s14+$0x12000]  }
0x2d6: {  	v5 =	vld [tilespmem:s18+$0x12000]  }
0x2d7: {  	s9 =	sor.u32 $0x380, s11;
	[tilespmem:s10+$0x8000] =	vst.add.f32.msk $0xffff, v2  }
0x2d8: {  	v2 =	vld [tilespmem:s9+$0x12000]  }
0x2d9: {  	[tilespmem:s17+$0x8000] =	vst.add.f32.msk $0xffff, v3  }
0x2da: {  	[tilespmem:s14+$0x8000] =	vst.add.f32.msk $0xffff, v4  }
0x2db: {  	[tilespmem:s18+$0x8000] =	vst.add.f32.msk $0xffff, v5  }
0x2dc: {  	v3 =	vld [tilespmem:s23+$0x12000]  }
0x2dd: {  	[tilespmem:s9+$0x8000] =	vst.add.f32.msk $0xffff, v2  }
0x2de: {  	v2 =	vld [tilespmem:s7+$0x12000]  }
0x2df: {  	v4 =	vld [tilespmem:s13+$0x12000]  }
0x2e0: {  	[tilespmem:s29+$0x8000] =	vst.add.f32.msk $0xffff, v1;
	s29 =	smov.u32 s4  }
0x2e1: {  	[tilespmem:s23+$0x8000] =	vst.add.f32.msk $0xffff, v3  }
0x2e2: {  	v3 =	vld [tilespmem:s12+$0x12000]  }
0x2e3: {  	[tilespmem:s7+$0x8000] =	vst.add.f32.msk $0xffff, v2  }
0x2e4: {  	[tilespmem:s13+$0x8000] =	vst.add.f32.msk $0xffff, v4  }
0x2e5: {  	v4 =	vld [tilespmem:s2+$0x12000]  }
.Ltmp4:
0x2e6: {  	v1 =	vld [tilespmem:s28+$0x12000];
	(pc) =	sbr.rel @p1 .LBB2_11-.Ltmp4, $4  }
0x2e7: {  	[tilespmem:s12+$0x8000] =	vst.add.f32.msk $0xffff, v3  }
0x2e8: {  	v2 =	vld [tilespmem:s30+$0x12000]  }
0x2e9: {  	[tilespmem:s24+$0x8000] =	vst.add.f32.msk $0xffff, v0;
	s24 =	smov.u32 s0  }
0x2ea: {  	[tilespmem:s2+$0x8000] =	vst.add.f32.msk $0xffff, v4  }
0x2eb: {  	[tilespmem:s28+$0x8000] =	vst.add.f32.msk $0xffff, v1  }
0x2ec: {  	v0 =	vld [tilespmem:s29+$0x12000]  }
0x2ed: {  	v1 =	vld [tilespmem:s24+$0x12000]  }
0x2ee: {  	[tilespmem:s30+$0x8000] =	vst.add.f32.msk $0xffff, v2  }
0x2ef: {  	s2 =	rddreg [dreg:$0x12]  }
0x2f0: {  	s0 =	sor.u32 s2, s1  }
0x2f1: {  	[tilespmem:s29+$0x8000] =	vst.add.f32.msk $0xffff, v0;
	s6 =	sshll.u32 s0, $0xA  }
0x2f2: {  	s22 =	simm.s32 $0x0;
	s4 =	simm.s32 $0x8000;
	[tilespmem:s24+$0x8000] =	vst.add.f32.msk $0xffff, v1;
	s0 =	sadd.s32 s5, s6  }
0x2f3: {  	[hbm4b:s0+s22] =	stream.linear.scatter [tilespmem:s4], [sflag:$0xD], $0x2000, $0x38;
	[tilespmem:$0x14000] =	vst v63  }
0x2f4: {  	s4 =	simm.s32 $0x9  }
0x2f5: {  	_ =	swait.ge [sflag:s4], $0x2000  }
0x2f6: {  	s7 =	smin.u32 s21, $0x1F;
	[sflag:s4] =	ssyncset.done $0x0  }
0x2f7: {  	s0 =	sor.u32 s2, s7;
	[sflag:s4] =	ssyncadd.s32 $0xFFFFE000  }
0x2f8: {  	s1 =	sshll.u32 s0, $0xA;
	s9 =	rddreg [dreg:$0x0]  }
0x2f9: {  	s10 =	simm.s32 $0x6;
	s0 =	sadd.s32 s9, s1  }
0x2fa: {  	[tilespmem:s22], [sflag:$0x1] =	stream.linear.gather [hbm4b:s0+s22], $0x2000, $0x38;
	[tilespmem:$0x14000] =	vst v63  }
0x2fb: {  	s21 =	simm.s32 $0x0;
	_ =	swait.ge [sflag:s10], $0x2000  }
0x2fc: {  	s11 =	sand.u32 $0x40, s21;
	s12 =	sand.u32 $0x1C00, s22;
	[sflag:s10] =	ssyncset.done $0x0  }
0x2fd: {  	s0 =	sor.u32 s11, s12;
	[sflag:s10] =	ssyncadd.s32 $0xFFFFE000  }
0x2fe: {  	v0 =	vld [tilespmem:s0+$0x12030]  }
0x2ff: {  	v1 =	vld [tilespmem:s0+$0x12000]  }
0x300: {  	v2 =	vld [tilespmem:s0+$0x12010];
	_ =	sdelay $0x1  }
0x301: {  	s2 =	sor.u32 $0xA030, s0;
	v3 =	vld [tilespmem:s0+$0x12020]  }
0x302: {  	s13 =	sor.u32 $0xA000, s0;
	[tilespmem:s2+$0x0] =	vst.add.f32.msk $0xffff, v0  }
0x303: {  	s14 =	sor.u32 $0xA010, s0;
	[tilespmem:s13+$0x0] =	vst.add.f32.msk $0xffff, v1  }
0x304: {  	[tilespmem:s14+$0x0] =	vst.add.f32.msk $0xffff, v2  }
0x305: {  	v0 =	vld [tilespmem:s0+$0x120B0]  }
0x306: {  	s15 =	sor.u32 $0xA020, s0;
	v1 =	vld [tilespmem:s0+$0x12080]  }
0x307: {  	[tilespmem:s15+$0x0] =	vst.add.f32.msk $0xffff, v3  }
0x308: {  	v2 =	vld [tilespmem:s0+$0x12090]  }
0x309: {  	s16 =	sor.u32 $0xA0B0, s0;
	v3 =	vld [tilespmem:s0+$0x120A0]  }
0x30a: {  	s17 =	sor.u32 $0xA080, s0;
	[tilespmem:s16+$0x0] =	vst.add.f32.msk $0xffff, v0  }
0x30b: {  	[tilespmem:s17+$0x0] =	vst.add.f32.msk $0xffff, v1  }
0x30c: {  	s19 =	sor.u32 $0xA090, s0;
	v0 =	vld [tilespmem:s0+$0x12130]  }
0x30d: {  	s7 =	sor.u32 $0xA0A0, s0;
	[tilespmem:s19+$0x0] =	vst.add.f32.msk $0xffff, v2  }
0x30e: {  	[tilespmem:s7+$0x0] =	vst.add.f32.msk $0xffff, v3  }
0x30f: {  	v1 =	vld [tilespmem:s0+$0x12100]  }
0x310: {  	s18 =	sor.u32 $0xA130, s0;
	v2 =	vld [tilespmem:s0+$0x12110]  }
0x311: {  	[tilespmem:s18+$0x0] =	vst.add.f32.msk $0xffff, v0  }
0x312: {  	p0 =	por $0x0, $0x0;
	s4 =	simm.s32 $0x1;
	v0 =	vld [tilespmem:s0+$0x121B0]  }
0x313: {  	s4 =	simm.s32 @!p0 $0x0;
	s9 =	sor.u32 $0xA100, s0;
	v3 =	vld [tilespmem:s0+$0x12120]  }
0x314: {  	s23 =	sshll.u32 s4, $0x6;
	s10 =	sor.u32 $0xA110, s0;
	[tilespmem:s9+$0x0] =	vst.add.f32.msk $0xffff, v1  }
0x315: {  	s2 =	sadd.s32 $0x0, s23;
	[tilespmem:s10+$0x0] =	vst.add.f32.msk $0xffff, v2  }
0x316: {  	s24 =	sor.u32 $0xA1B0, s0;
	s25 =	sadd.s32 $0x30, s2;
	v1 =	vld [tilespmem:s0+$0x12180]  }
0x317: {  	s26 =	sor.u32 $0x200, s25;
	[tilespmem:s24+$0x0] =	vst.add.f32.msk $0xffff, v0  }
0x318: {  	s11 =	sor.u32 $0xA120, s0;
	v0 =	vld [tilespmem:s26+$0x12000]  }
0x319: {  	[tilespmem:s11+$0x0] =	vst.add.f32.msk $0xffff, v3  }
0x31a: {  	v2 =	vld [tilespmem:s0+$0x12190]  }
0x31b: {  	s13 =	sor.u32 $0xA180, s0;
	v3 =	vld [tilespmem:s0+$0x121A0]  }
0x31c: {  	[tilespmem:s13+$0x0] =	vst.add.f32.msk $0xffff, v1  }
0x31d: {  	s12 =	sor.u32 $0x280, s25;
	[tilespmem:s26+$0xA000] =	vst.add.f32.msk $0xffff, v0  }
0x31e: {  	s16 =	sor.u32 $0xA190, s0;
	v0 =	vld [tilespmem:s12+$0x12000]  }
0x31f: {  	s14 =	sor.u32 $0x200, s2;
	[tilespmem:s16+$0x0] =	vst.add.f32.msk $0xffff, v2  }
0x320: {  	s11 =	sadd.s32 $0x10, s2;
	s0 =	sor.u32 $0xA1A0, s0;
	v1 =	vld [tilespmem:s14+$0x12000]  }
0x321: {  	s17 =	sor.u32 $0x200, s11;
	[tilespmem:s0+$0x0] =	vst.add.f32.msk $0xffff, v3  }
0x322: {  	v2 =	vld [tilespmem:s17+$0x12000]  }
0x323: {  	s15 =	sor.u32 $0x300, s25;
	[tilespmem:s12+$0xA000] =	vst.add.f32.msk $0xffff, v0  }
0x324: {  	v0 =	vld [tilespmem:s15+$0x12000]  }
0x325: {  	s19 =	sor.u32 $0x280, s2;
	s18 =	sadd.s32 $0x20, s2;
	[tilespmem:s14+$0xA000] =	vst.add.f32.msk $0xffff, v1  }
0x326: {  	v3 =	vld [tilespmem:s19+$0x12000];
	s12 =	sor.u32 $0x200, s18  }
0x327: {  	v1 =	vld [tilespmem:s12+$0x12000]  }
0x328: {  	[tilespmem:s17+$0xA000] =	vst.add.f32.msk $0xffff, v2  }
0x329: {  	s23 =	sor.u32 $0x280, s11;
	[tilespmem:s15+$0xA000] =	vst.add.f32.msk $0xffff, v0  }
0x32a: {  	v0 =	vld [tilespmem:s23+$0x12000]  }
0x32b: {  	[tilespmem:s19+$0xA000] =	vst.add.f32.msk $0xffff, v3  }
0x32c: {  	s7 =	sor.u32 $0x380, s25;
	[tilespmem:s12+$0xA000] =	vst.add.f32.msk $0xffff, v1  }
0x32d: {  	s24 =	sor.u32 $0x280, s18;
	v1 =	vld [tilespmem:s7+$0x12000]  }
0x32e: {  	v2 =	vld [tilespmem:s24+$0x12000]  }
0x32f: {  	s2 =	sor.u32 $0x300, s2;
	[tilespmem:s23+$0xA000] =	vst.add.f32.msk $0xffff, v0  }
0x330: {  	s25 =	sor.u32 $0x300, s11;
	v0 =	vld [tilespmem:s2+$0x12000]  }
0x331: {  	v3 =	vld [tilespmem:s25+$0x12000]  }
0x332: {  	[tilespmem:s7+$0xA000] =	vst.add.f32.msk $0xffff, v1  }
0x333: {  	s28 =	sor.u32 $0x300, s18;
	[tilespmem:s24+$0xA000] =	vst.add.f32.msk $0xffff, v2  }
0x334: {  	v1 =	vld [tilespmem:s28+$0x12000];
	_ =	sdelay $0x1  }
0x335: {  	s26 =	sor.u32 s22, s21;
	[tilespmem:s2+$0xA000] =	vst.add.f32.msk $0xffff, v0  }
0x336: {  	s29 =	sor.u32 $0x380, s26;
	[tilespmem:s25+$0xA000] =	vst.add.f32.msk $0xffff, v3  }
0x337: {  	s30 =	sor.u32 $0x380, s11;
	s24 =	sor.u32 $0x380, s18;
	v2 =	vld [tilespmem:s29+$0x12000]  }
.LBB2_13:
0x338: {  	s21 =	sadd.s32 $0x40, s21;
	[tilespmem:s28+$0xA000] =	vst.add.f32.msk $0xffff, v1;
	s22 =	sadd.s32 $0x200, s22  }
0x339: {  	s0 =	sand.u32 $0x40, s21;
	s2 =	sand.u32 $0x1C00, s22;
	s4 =	sor.u32 s22, s21;
	v1 =	vld [tilespmem:s30+$0x12000]  }
0x33a: {  	p1 =	slt.u32 s21, $0x3C0;
	s19 =	sor.u32 s0, s2;
	s4 =	sor.u32 $0x380, s4;
	v0 =	vld [tilespmem:s24+$0x12000]  }
0x33b: {  	s7 =	sor.u32 $0xA000, s19;
	s10 =	sor.u32 $0xA010, s19;
	s11 =	sor.u32 $0xA020, s19;
	v3 =	vld [tilespmem:s19+$0x12030]  }
0x33c: {  	s12 =	sor.u32 $0xA080, s19;
	s13 =	sor.u32 $0xA090, s19;
	s14 =	sor.u32 $0xA0A0, s19;
	v4 =	vld [tilespmem:s19+$0x12000]  }
0x33d: {  	s2 =	sor.u32 $0xA100, s19;
	s28 =	sor.u32 $0xA110, s19;
	s0 =	sor.u32 $0xA120, s19;
	v5 =	vld [tilespmem:s19+$0x12010]  }
0x33e: {  	s26 =	sor.u32 $0xA180, s19;
	s9 =	sor.u32 $0xA190, s19;
	s25 =	sor.u32 $0xA1A0, s19;
	v6 =	vld [tilespmem:s19+$0x12020]  }
0x33f: {  	s15 =	sor.u32 $0xA030, s19;
	[tilespmem:s29+$0xA000] =	vst.add.f32.msk $0xffff, v2;
	s29 =	smov.u32 s4  }
0x340: {  	[tilespmem:s15+$0x0] =	vst.add.f32.msk $0xffff, v3  }
0x341: {  	v2 =	vld [tilespmem:s19+$0x120B0]  }
0x342: {  	[tilespmem:s7+$0x0] =	vst.add.f32.msk $0xffff, v4  }
0x343: {  	[tilespmem:s10+$0x0] =	vst.add.f32.msk $0xffff, v5  }
0x344: {  	[tilespmem:s11+$0x0] =	vst.add.f32.msk $0xffff, v6  }
0x345: {  	s4 =	sor.u32 $0xA0B0, s19;
	v3 =	vld [tilespmem:s19+$0x12080]  }
0x346: {  	[tilespmem:s4+$0x0] =	vst.add.f32.msk $0xffff, v2  }
0x347: {  	v2 =	vld [tilespmem:s19+$0x12130]  }
0x348: {  	v4 =	vld [tilespmem:s19+$0x12090]  }
0x349: {  	v5 =	vld [tilespmem:s19+$0x120A0]  }
0x34a: {  	[tilespmem:s12+$0x0] =	vst.add.f32.msk $0xffff, v3  }
0x34b: {  	s4 =	sor.u32 $0xA130, s19;
	v3 =	vld [tilespmem:s19+$0x12100]  }
0x34c: {  	[tilespmem:s4+$0x0] =	vst.add.f32.msk $0xffff, v2  }
0x34d: {  	p0 =	por !p0, !p0;
	s4 =	simm.s32 $0x1;
	v2 =	vld [tilespmem:s19+$0x121B0]  }
0x34e: {  	s4 =	simm.s32 @!p0 $0x0;
	[tilespmem:s13+$0x0] =	vst.add.f32.msk $0xffff, v4  }
0x34f: {  	s4 =	sshll.u32 s4, $0x6;
	[tilespmem:s14+$0x0] =	vst.add.f32.msk $0xffff, v5  }
0x350: {  	s4 =	sadd.s32 s4, s22;
	v4 =	vld [tilespmem:s19+$0x12110]  }
0x351: {  	s7 =	sor.u32 $0xA1B0, s19;
	s10 =	sadd.s32 $0x10, s4;
	s11 =	sadd.s32 $0x30, s4;
	v5 =	vld [tilespmem:s19+$0x12120]  }
0x352: {  	s15 =	sadd.s32 $0x20, s4;
	s14 =	sor.u32 $0x200, s10;
	s16 =	sor.u32 $0x200, s11;
	[tilespmem:s7+$0x0] =	vst.add.f32.msk $0xffff, v2  }
0x353: {  	s17 =	sor.u32 $0x200, s4;
	s18 =	sor.u32 $0x200, s15;
	s7 =	sor.u32 $0x280, s10;
	v2 =	vld [tilespmem:s16+$0x12000]  }
0x354: {  	s23 =	sor.u32 $0x280, s4;
	s13 =	sor.u32 $0x280, s15;
	[tilespmem:s2+$0x0] =	vst.add.f32.msk $0xffff, v3;
	s2 =	sor.u32 $0x300, s10  }
0x355: {  	s12 =	sor.u32 $0x300, s4;
	s4 =	sor.u32 $0x380, s10;
	[tilespmem:s28+$0x0] =	vst.add.f32.msk $0xffff, v4;
	s28 =	sor.u32 $0x300, s15  }
0x356: {  	[tilespmem:s0+$0x0] =	vst.add.f32.msk $0xffff, v5;
	s0 =	sor.u32 $0x380, s15  }
0x357: {  	v3 =	vld [tilespmem:s19+$0x12180]  }
0x358: {  	s10 =	sor.u32 $0x280, s11;
	[tilespmem:s16+$0xA000] =	vst.add.f32.msk $0xffff, v2  }
0x359: {  	v2 =	vld [tilespmem:s10+$0x12000]  }
0x35a: {  	v4 =	vld [tilespmem:s19+$0x12190]  }
0x35b: {  	v5 =	vld [tilespmem:s19+$0x121A0]  }
0x35c: {  	[tilespmem:s26+$0x0] =	vst.add.f32.msk $0xffff, v3  }
0x35d: {  	v3 =	vld [tilespmem:s17+$0x12000]  }
0x35e: {  	[tilespmem:s10+$0xA000] =	vst.add.f32.msk $0xffff, v2;
	s10 =	sor.u32 $0x300, s11  }
0x35f: {  	v2 =	vld [tilespmem:s10+$0x12000]  }
0x360: {  	[tilespmem:s9+$0x0] =	vst.add.f32.msk $0xffff, v4  }
0x361: {  	[tilespmem:s25+$0x0] =	vst.add.f32.msk $0xffff, v5  }
0x362: {  	v4 =	vld [tilespmem:s14+$0x12000]  }
0x363: {  	v5 =	vld [tilespmem:s18+$0x12000]  }
0x364: {  	s9 =	sor.u32 $0x380, s11;
	[tilespmem:s10+$0xA000] =	vst.add.f32.msk $0xffff, v2  }
0x365: {  	v2 =	vld [tilespmem:s9+$0x12000]  }
0x366: {  	[tilespmem:s17+$0xA000] =	vst.add.f32.msk $0xffff, v3  }
0x367: {  	[tilespmem:s14+$0xA000] =	vst.add.f32.msk $0xffff, v4  }
0x368: {  	[tilespmem:s18+$0xA000] =	vst.add.f32.msk $0xffff, v5  }
0x369: {  	v3 =	vld [tilespmem:s23+$0x12000]  }
0x36a: {  	[tilespmem:s9+$0xA000] =	vst.add.f32.msk $0xffff, v2  }
0x36b: {  	v2 =	vld [tilespmem:s7+$0x12000]  }
0x36c: {  	v4 =	vld [tilespmem:s13+$0x12000]  }
0x36d: {  	[tilespmem:s30+$0xA000] =	vst.add.f32.msk $0xffff, v1;
	s30 =	smov.u32 s4  }
0x36e: {  	[tilespmem:s23+$0xA000] =	vst.add.f32.msk $0xffff, v3  }
0x36f: {  	v3 =	vld [tilespmem:s12+$0x12000]  }
0x370: {  	[tilespmem:s7+$0xA000] =	vst.add.f32.msk $0xffff, v2  }
0x371: {  	[tilespmem:s13+$0xA000] =	vst.add.f32.msk $0xffff, v4  }
0x372: {  	v4 =	vld [tilespmem:s2+$0x12000]  }
.Ltmp5:
0x373: {  	v1 =	vld [tilespmem:s28+$0x12000];
	(pc) =	sbr.rel @p1 .LBB2_13-.Ltmp5, $4  }
0x374: {  	[tilespmem:s12+$0xA000] =	vst.add.f32.msk $0xffff, v3  }
0x375: {  	v2 =	vld [tilespmem:s29+$0x12000]  }
0x376: {  	[tilespmem:s24+$0xA000] =	vst.add.f32.msk $0xffff, v0;
	s24 =	smov.u32 s0  }
0x377: {  	[tilespmem:s2+$0xA000] =	vst.add.f32.msk $0xffff, v4  }
0x378: {  	[tilespmem:s28+$0xA000] =	vst.add.f32.msk $0xffff, v1  }
0x379: {  	v0 =	vld [tilespmem:s30+$0x12000]  }
0x37a: {  	v1 =	vld [tilespmem:s24+$0x12000];
	_ =	sdelay $0x2  }
0x37b: {  	[tilespmem:s29+$0xA000] =	vst.add.f32.msk $0xffff, v2  }
0x37c: {  	s0 =	sor.u32 $0x100000, s6;
	s21 =	simm.s32 $0x0;
	[tilespmem:s30+$0xA000] =	vst.add.f32.msk $0xffff, v0  }
0x37d: {  	s2 =	simm.s32 $0xA000;
	s7 =	simm.s32 $0xA;
	s0 =	sadd.s32 s5, s0;
	[tilespmem:s24+$0xA000] =	vst.add.f32.msk $0xffff, v1  }
0x37e: {  	[hbm4b:s0+s21] =	stream.linear.scatter [tilespmem:s2], [sflag:$0xE], $0x2000, $0x38;
	[tilespmem:$0x14000] =	vst v63  }
0x37f: {  	_ =	swait.ge [sflag:s7], $0x2000  }
0x380: {  	s10 =	simm.s32 $0x2000;
	[sflag:s7] =	ssyncset.done $0x0;
	s9 =	rddreg [dreg:$0x8]  }
0x381: {  	s4 =	simm.s32 $0x7;
	[sflag:s7] =	ssyncadd.s32 $0xFFFFE000;
	s0 =	sadd.s32 s1, s9  }
0x382: {  	[tilespmem:s10], [sflag:$0x2] =	stream.linear.gather [hbm4b:s0+s21], $0x2000, $0x38;
	[tilespmem:$0x14000] =	vst v63  }
0x383: {  	s22 =	simm.s32 $0x0;
	_ =	swait.ge [sflag:s4], $0x2000  }
0x384: {  	s11 =	sand.u32 $0x40, s22;
	s12 =	sand.u32 $0x1C00, s21;
	[sflag:s4] =	ssyncset.done $0x0  }
0x385: {  	s0 =	sor.u32 s11, s12;
	[sflag:s4] =	ssyncadd.s32 $0xFFFFE000  }
0x386: {  	v0 =	vld [tilespmem:s0+$0x12030]  }
0x387: {  	v1 =	vld [tilespmem:s0+$0x12000]  }
0x388: {  	v2 =	vld [tilespmem:s0+$0x12010];
	_ =	sdelay $0x1  }
0x389: {  	s2 =	sor.u32 $0xC030, s0;
	v3 =	vld [tilespmem:s0+$0x12020]  }
0x38a: {  	s13 =	sor.u32 $0xC000, s0;
	[tilespmem:s2+$0x0] =	vst.add.f32.msk $0xffff, v0  }
0x38b: {  	s14 =	sor.u32 $0xC010, s0;
	[tilespmem:s13+$0x0] =	vst.add.f32.msk $0xffff, v1  }
0x38c: {  	[tilespmem:s14+$0x0] =	vst.add.f32.msk $0xffff, v2  }
0x38d: {  	v0 =	vld [tilespmem:s0+$0x120B0]  }
0x38e: {  	s15 =	sor.u32 $0xC020, s0;
	v1 =	vld [tilespmem:s0+$0x12080]  }
0x38f: {  	[tilespmem:s15+$0x0] =	vst.add.f32.msk $0xffff, v3  }
0x390: {  	v2 =	vld [tilespmem:s0+$0x12090]  }
0x391: {  	s16 =	sor.u32 $0xC0B0, s0;
	v3 =	vld [tilespmem:s0+$0x120A0]  }
0x392: {  	s17 =	sor.u32 $0xC080, s0;
	[tilespmem:s16+$0x0] =	vst.add.f32.msk $0xffff, v0  }
0x393: {  	[tilespmem:s17+$0x0] =	vst.add.f32.msk $0xffff, v1  }
0x394: {  	s19 =	sor.u32 $0xC090, s0;
	v0 =	vld [tilespmem:s0+$0x12130]  }
0x395: {  	s7 =	sor.u32 $0xC0A0, s0;
	[tilespmem:s19+$0x0] =	vst.add.f32.msk $0xffff, v2  }
0x396: {  	[tilespmem:s7+$0x0] =	vst.add.f32.msk $0xffff, v3  }
0x397: {  	v1 =	vld [tilespmem:s0+$0x12100]  }
0x398: {  	s18 =	sor.u32 $0xC130, s0;
	v2 =	vld [tilespmem:s0+$0x12110]  }
0x399: {  	[tilespmem:s18+$0x0] =	vst.add.f32.msk $0xffff, v0  }
0x39a: {  	p0 =	por $0x0, $0x0;
	s4 =	simm.s32 $0x1;
	v0 =	vld [tilespmem:s0+$0x121B0]  }
0x39b: {  	s9 =	sor.u32 $0xC100, s0;
	s4 =	simm.s32 @!p0 $0x0;
	v3 =	vld [tilespmem:s0+$0x12120]  }
0x39c: {  	s10 =	sor.u32 $0xC110, s0;
	s23 =	sshll.u32 s4, $0x6;
	[tilespmem:s9+$0x0] =	vst.add.f32.msk $0xffff, v1  }
0x39d: {  	s2 =	sadd.s32 $0x0, s23;
	[tilespmem:s10+$0x0] =	vst.add.f32.msk $0xffff, v2  }
0x39e: {  	s24 =	sor.u32 $0xC1B0, s0;
	s25 =	sadd.s32 $0x30, s2;
	v1 =	vld [tilespmem:s0+$0x12180]  }
0x39f: {  	s26 =	sor.u32 $0x200, s25;
	[tilespmem:s24+$0x0] =	vst.add.f32.msk $0xffff, v0  }
0x3a0: {  	s11 =	sor.u32 $0xC120, s0;
	v0 =	vld [tilespmem:s26+$0x12000]  }
0x3a1: {  	[tilespmem:s11+$0x0] =	vst.add.f32.msk $0xffff, v3  }
0x3a2: {  	v2 =	vld [tilespmem:s0+$0x12190]  }
0x3a3: {  	s13 =	sor.u32 $0xC180, s0;
	v3 =	vld [tilespmem:s0+$0x121A0]  }
0x3a4: {  	[tilespmem:s13+$0x0] =	vst.add.f32.msk $0xffff, v1  }
0x3a5: {  	s12 =	sor.u32 $0x280, s25;
	[tilespmem:s26+$0xC000] =	vst.add.f32.msk $0xffff, v0  }
0x3a6: {  	s16 =	sor.u32 $0xC190, s0;
	v0 =	vld [tilespmem:s12+$0x12000]  }
0x3a7: {  	s14 =	sor.u32 $0x200, s2;
	[tilespmem:s16+$0x0] =	vst.add.f32.msk $0xffff, v2  }
0x3a8: {  	s11 =	sadd.s32 $0x10, s2;
	s0 =	sor.u32 $0xC1A0, s0;
	v1 =	vld [tilespmem:s14+$0x12000]  }
0x3a9: {  	s17 =	sor.u32 $0x200, s11;
	[tilespmem:s0+$0x0] =	vst.add.f32.msk $0xffff, v3  }
0x3aa: {  	v2 =	vld [tilespmem:s17+$0x12000]  }
0x3ab: {  	s15 =	sor.u32 $0x300, s25;
	[tilespmem:s12+$0xC000] =	vst.add.f32.msk $0xffff, v0  }
0x3ac: {  	v0 =	vld [tilespmem:s15+$0x12000]  }
0x3ad: {  	s19 =	sor.u32 $0x280, s2;
	s18 =	sadd.s32 $0x20, s2;
	[tilespmem:s14+$0xC000] =	vst.add.f32.msk $0xffff, v1  }
0x3ae: {  	v3 =	vld [tilespmem:s19+$0x12000];
	s12 =	sor.u32 $0x200, s18  }
0x3af: {  	v1 =	vld [tilespmem:s12+$0x12000]  }
0x3b0: {  	[tilespmem:s17+$0xC000] =	vst.add.f32.msk $0xffff, v2  }
0x3b1: {  	s23 =	sor.u32 $0x280, s11;
	[tilespmem:s15+$0xC000] =	vst.add.f32.msk $0xffff, v0  }
0x3b2: {  	v0 =	vld [tilespmem:s23+$0x12000]  }
0x3b3: {  	[tilespmem:s19+$0xC000] =	vst.add.f32.msk $0xffff, v3  }
0x3b4: {  	s7 =	sor.u32 $0x380, s25;
	[tilespmem:s12+$0xC000] =	vst.add.f32.msk $0xffff, v1  }
0x3b5: {  	s24 =	sor.u32 $0x280, s18;
	v1 =	vld [tilespmem:s7+$0x12000]  }
0x3b6: {  	v2 =	vld [tilespmem:s24+$0x12000]  }
0x3b7: {  	s2 =	sor.u32 $0x300, s2;
	[tilespmem:s23+$0xC000] =	vst.add.f32.msk $0xffff, v0  }
0x3b8: {  	s25 =	sor.u32 $0x300, s11;
	v0 =	vld [tilespmem:s2+$0x12000]  }
0x3b9: {  	v3 =	vld [tilespmem:s25+$0x12000]  }
0x3ba: {  	[tilespmem:s7+$0xC000] =	vst.add.f32.msk $0xffff, v1  }
0x3bb: {  	s28 =	sor.u32 $0x300, s18;
	[tilespmem:s24+$0xC000] =	vst.add.f32.msk $0xffff, v2  }
0x3bc: {  	v1 =	vld [tilespmem:s28+$0x12000];
	_ =	sdelay $0x1  }
0x3bd: {  	s26 =	sor.u32 s21, s22;
	[tilespmem:s2+$0xC000] =	vst.add.f32.msk $0xffff, v0  }
0x3be: {  	s29 =	sor.u32 $0x380, s26;
	[tilespmem:s25+$0xC000] =	vst.add.f32.msk $0xffff, v3  }
0x3bf: {  	s30 =	sor.u32 $0x380, s11;
	s24 =	sor.u32 $0x380, s18;
	v2 =	vld [tilespmem:s29+$0x12000]  }
.LBB2_15:
0x3c0: {  	s22 =	sadd.s32 $0x40, s22;
	[tilespmem:s28+$0xC000] =	vst.add.f32.msk $0xffff, v1;
	s21 =	sadd.s32 $0x200, s21  }
0x3c1: {  	s0 =	sand.u32 $0x40, s22;
	s2 =	sand.u32 $0x1C00, s21;
	s4 =	sor.u32 s21, s22;
	v1 =	vld [tilespmem:s30+$0x12000]  }
0x3c2: {  	p1 =	slt.u32 s22, $0x3C0;
	s19 =	sor.u32 s0, s2;
	s4 =	sor.u32 $0x380, s4;
	v0 =	vld [tilespmem:s24+$0x12000]  }
0x3c3: {  	s7 =	sor.u32 $0xC000, s19;
	s10 =	sor.u32 $0xC010, s19;
	s11 =	sor.u32 $0xC020, s19;
	v3 =	vld [tilespmem:s19+$0x12030]  }
0x3c4: {  	s12 =	sor.u32 $0xC080, s19;
	s13 =	sor.u32 $0xC090, s19;
	s14 =	sor.u32 $0xC0A0, s19;
	v4 =	vld [tilespmem:s19+$0x12000]  }
0x3c5: {  	s2 =	sor.u32 $0xC100, s19;
	s28 =	sor.u32 $0xC110, s19;
	s0 =	sor.u32 $0xC120, s19;
	v5 =	vld [tilespmem:s19+$0x12010]  }
0x3c6: {  	s26 =	sor.u32 $0xC180, s19;
	s9 =	sor.u32 $0xC190, s19;
	s25 =	sor.u32 $0xC1A0, s19;
	v6 =	vld [tilespmem:s19+$0x12020]  }
0x3c7: {  	s15 =	sor.u32 $0xC030, s19;
	[tilespmem:s29+$0xC000] =	vst.add.f32.msk $0xffff, v2;
	s29 =	smov.u32 s4  }
0x3c8: {  	[tilespmem:s15+$0x0] =	vst.add.f32.msk $0xffff, v3  }
0x3c9: {  	v2 =	vld [tilespmem:s19+$0x120B0]  }
0x3ca: {  	[tilespmem:s7+$0x0] =	vst.add.f32.msk $0xffff, v4  }
0x3cb: {  	[tilespmem:s10+$0x0] =	vst.add.f32.msk $0xffff, v5  }
0x3cc: {  	[tilespmem:s11+$0x0] =	vst.add.f32.msk $0xffff, v6  }
0x3cd: {  	s4 =	sor.u32 $0xC0B0, s19;
	v3 =	vld [tilespmem:s19+$0x12080]  }
0x3ce: {  	[tilespmem:s4+$0x0] =	vst.add.f32.msk $0xffff, v2  }
0x3cf: {  	v2 =	vld [tilespmem:s19+$0x12130]  }
0x3d0: {  	v4 =	vld [tilespmem:s19+$0x12090]  }
0x3d1: {  	v5 =	vld [tilespmem:s19+$0x120A0]  }
0x3d2: {  	[tilespmem:s12+$0x0] =	vst.add.f32.msk $0xffff, v3  }
0x3d3: {  	s4 =	sor.u32 $0xC130, s19;
	v3 =	vld [tilespmem:s19+$0x12100]  }
0x3d4: {  	[tilespmem:s4+$0x0] =	vst.add.f32.msk $0xffff, v2  }
0x3d5: {  	p0 =	por !p0, !p0;
	s4 =	simm.s32 $0x1;
	v2 =	vld [tilespmem:s19+$0x121B0]  }
0x3d6: {  	s4 =	simm.s32 @!p0 $0x0;
	[tilespmem:s13+$0x0] =	vst.add.f32.msk $0xffff, v4  }
0x3d7: {  	s4 =	sshll.u32 s4, $0x6;
	[tilespmem:s14+$0x0] =	vst.add.f32.msk $0xffff, v5  }
0x3d8: {  	s4 =	sadd.s32 s4, s21;
	v4 =	vld [tilespmem:s19+$0x12110]  }
0x3d9: {  	s7 =	sor.u32 $0xC1B0, s19;
	s10 =	sadd.s32 $0x10, s4;
	s11 =	sadd.s32 $0x30, s4;
	v5 =	vld [tilespmem:s19+$0x12120]  }
0x3da: {  	s15 =	sadd.s32 $0x20, s4;
	s14 =	sor.u32 $0x200, s10;
	s16 =	sor.u32 $0x200, s11;
	[tilespmem:s7+$0x0] =	vst.add.f32.msk $0xffff, v2  }
0x3db: {  	s17 =	sor.u32 $0x200, s4;
	s18 =	sor.u32 $0x200, s15;
	s7 =	sor.u32 $0x280, s10;
	v2 =	vld [tilespmem:s16+$0x12000]  }
0x3dc: {  	s23 =	sor.u32 $0x280, s4;
	s13 =	sor.u32 $0x280, s15;
	[tilespmem:s2+$0x0] =	vst.add.f32.msk $0xffff, v3;
	s2 =	sor.u32 $0x300, s10  }
0x3dd: {  	s12 =	sor.u32 $0x300, s4;
	s4 =	sor.u32 $0x380, s10;
	[tilespmem:s28+$0x0] =	vst.add.f32.msk $0xffff, v4;
	s28 =	sor.u32 $0x300, s15  }
0x3de: {  	[tilespmem:s0+$0x0] =	vst.add.f32.msk $0xffff, v5;
	s0 =	sor.u32 $0x380, s15  }
0x3df: {  	v3 =	vld [tilespmem:s19+$0x12180]  }
0x3e0: {  	s10 =	sor.u32 $0x280, s11;
	[tilespmem:s16+$0xC000] =	vst.add.f32.msk $0xffff, v2  }
0x3e1: {  	v2 =	vld [tilespmem:s10+$0x12000]  }
0x3e2: {  	v4 =	vld [tilespmem:s19+$0x12190]  }
0x3e3: {  	v5 =	vld [tilespmem:s19+$0x121A0]  }
0x3e4: {  	[tilespmem:s26+$0x0] =	vst.add.f32.msk $0xffff, v3  }
0x3e5: {  	v3 =	vld [tilespmem:s17+$0x12000]  }
0x3e6: {  	[tilespmem:s10+$0xC000] =	vst.add.f32.msk $0xffff, v2;
	s10 =	sor.u32 $0x300, s11  }
0x3e7: {  	v2 =	vld [tilespmem:s10+$0x12000]  }
0x3e8: {  	[tilespmem:s9+$0x0] =	vst.add.f32.msk $0xffff, v4  }
0x3e9: {  	[tilespmem:s25+$0x0] =	vst.add.f32.msk $0xffff, v5  }
0x3ea: {  	v4 =	vld [tilespmem:s14+$0x12000]  }
0x3eb: {  	v5 =	vld [tilespmem:s18+$0x12000]  }
0x3ec: {  	s9 =	sor.u32 $0x380, s11;
	[tilespmem:s10+$0xC000] =	vst.add.f32.msk $0xffff, v2  }
0x3ed: {  	v2 =	vld [tilespmem:s9+$0x12000]  }
0x3ee: {  	[tilespmem:s17+$0xC000] =	vst.add.f32.msk $0xffff, v3  }
0x3ef: {  	[tilespmem:s14+$0xC000] =	vst.add.f32.msk $0xffff, v4  }
0x3f0: {  	[tilespmem:s18+$0xC000] =	vst.add.f32.msk $0xffff, v5  }
0x3f1: {  	v3 =	vld [tilespmem:s23+$0x12000]  }
0x3f2: {  	[tilespmem:s9+$0xC000] =	vst.add.f32.msk $0xffff, v2  }
0x3f3: {  	v2 =	vld [tilespmem:s7+$0x12000]  }
0x3f4: {  	v4 =	vld [tilespmem:s13+$0x12000]  }
0x3f5: {  	[tilespmem:s30+$0xC000] =	vst.add.f32.msk $0xffff, v1;
	s30 =	smov.u32 s4  }
0x3f6: {  	[tilespmem:s23+$0xC000] =	vst.add.f32.msk $0xffff, v3  }
0x3f7: {  	v3 =	vld [tilespmem:s12+$0x12000]  }
0x3f8: {  	[tilespmem:s7+$0xC000] =	vst.add.f32.msk $0xffff, v2  }
0x3f9: {  	[tilespmem:s13+$0xC000] =	vst.add.f32.msk $0xffff, v4  }
0x3fa: {  	v4 =	vld [tilespmem:s2+$0x12000]  }
.Ltmp6:
0x3fb: {  	v1 =	vld [tilespmem:s28+$0x12000];
	(pc) =	sbr.rel @p1 .LBB2_15-.Ltmp6, $4  }
0x3fc: {  	[tilespmem:s12+$0xC000] =	vst.add.f32.msk $0xffff, v3  }
0x3fd: {  	v2 =	vld [tilespmem:s29+$0x12000]  }
0x3fe: {  	[tilespmem:s24+$0xC000] =	vst.add.f32.msk $0xffff, v0;
	s24 =	smov.u32 s0  }
0x3ff: {  	[tilespmem:s2+$0xC000] =	vst.add.f32.msk $0xffff, v4  }
0x400: {  	[tilespmem:s28+$0xC000] =	vst.add.f32.msk $0xffff, v1  }
0x401: {  	v0 =	vld [tilespmem:s30+$0x12000]  }
0x402: {  	v1 =	vld [tilespmem:s24+$0x12000];
	_ =	sdelay $0x2  }
0x403: {  	[tilespmem:s29+$0xC000] =	vst.add.f32.msk $0xffff, v2  }
0x404: {  	s0 =	sor.u32 $0x200000, s6;
	s21 =	simm.s32 $0x0;
	[tilespmem:s30+$0xC000] =	vst.add.f32.msk $0xffff, v0  }
0x405: {  	s2 =	simm.s32 $0xC000;
	s7 =	simm.s32 $0xB;
	s0 =	sadd.s32 s5, s0;
	[tilespmem:s24+$0xC000] =	vst.add.f32.msk $0xffff, v1  }
0x406: {  	[hbm4b:s0+s21] =	stream.linear.scatter [tilespmem:s2], [sflag:$0xF], $0x2000, $0x38;
	[tilespmem:$0x14000] =	vst v63  }
0x407: {  	_ =	swait.ge [sflag:s7], $0x2000  }
0x408: {  	s10 =	simm.s32 $0x4000;
	[sflag:s7] =	ssyncset.done $0x0;
	s9 =	rddreg [dreg:$0x9]  }
0x409: {  	s4 =	simm.s32 $0x8;
	[sflag:s7] =	ssyncadd.s32 $0xFFFFE000;
	s0 =	sadd.s32 s1, s9  }
0x40a: {  	[tilespmem:s10], [sflag:$0x3] =	stream.linear.gather [hbm4b:s0+s21], $0x2000, $0x38;
	[tilespmem:$0x14000] =	vst v63  }
0x40b: {  	s22 =	simm.s32 $0x0;
	_ =	swait.ge [sflag:s4], $0x2000  }
0x40c: {  	s11 =	sand.u32 $0x40, s22;
	s12 =	sand.u32 $0x1C00, s21;
	[sflag:s4] =	ssyncset.done $0x0  }
0x40d: {  	s0 =	sor.u32 s11, s12;
	[sflag:s4] =	ssyncadd.s32 $0xFFFFE000  }
0x40e: {  	v0 =	vld [tilespmem:s0+$0x12030]  }
0x40f: {  	v1 =	vld [tilespmem:s0+$0x12000]  }
0x410: {  	v2 =	vld [tilespmem:s0+$0x12010];
	_ =	sdelay $0x1  }
0x411: {  	s2 =	sor.u32 $0xE030, s0;
	v3 =	vld [tilespmem:s0+$0x12020]  }
0x412: {  	s13 =	sor.u32 $0xE000, s0;
	[tilespmem:s2+$0x0] =	vst.add.f32.msk $0xffff, v0  }
0x413: {  	s14 =	sor.u32 $0xE010, s0;
	[tilespmem:s13+$0x0] =	vst.add.f32.msk $0xffff, v1  }
0x414: {  	[tilespmem:s14+$0x0] =	vst.add.f32.msk $0xffff, v2  }
0x415: {  	v0 =	vld [tilespmem:s0+$0x120B0]  }
0x416: {  	s15 =	sor.u32 $0xE020, s0;
	v1 =	vld [tilespmem:s0+$0x12080]  }
0x417: {  	[tilespmem:s15+$0x0] =	vst.add.f32.msk $0xffff, v3  }
0x418: {  	v2 =	vld [tilespmem:s0+$0x12090]  }
0x419: {  	s16 =	sor.u32 $0xE0B0, s0;
	v3 =	vld [tilespmem:s0+$0x120A0]  }
0x41a: {  	s17 =	sor.u32 $0xE080, s0;
	[tilespmem:s16+$0x0] =	vst.add.f32.msk $0xffff, v0  }
0x41b: {  	[tilespmem:s17+$0x0] =	vst.add.f32.msk $0xffff, v1  }
0x41c: {  	s19 =	sor.u32 $0xE090, s0;
	v0 =	vld [tilespmem:s0+$0x12130]  }
0x41d: {  	s7 =	sor.u32 $0xE0A0, s0;
	[tilespmem:s19+$0x0] =	vst.add.f32.msk $0xffff, v2  }
0x41e: {  	[tilespmem:s7+$0x0] =	vst.add.f32.msk $0xffff, v3  }
0x41f: {  	v1 =	vld [tilespmem:s0+$0x12100]  }
0x420: {  	s18 =	sor.u32 $0xE130, s0;
	v2 =	vld [tilespmem:s0+$0x12110]  }
0x421: {  	[tilespmem:s18+$0x0] =	vst.add.f32.msk $0xffff, v0  }
0x422: {  	p0 =	por $0x0, $0x0;
	s4 =	simm.s32 $0x1;
	v0 =	vld [tilespmem:s0+$0x121B0]  }
0x423: {  	s9 =	sor.u32 $0xE100, s0;
	s4 =	simm.s32 @!p0 $0x0;
	v3 =	vld [tilespmem:s0+$0x12120]  }
0x424: {  	s10 =	sor.u32 $0xE110, s0;
	s23 =	sshll.u32 s4, $0x6;
	[tilespmem:s9+$0x0] =	vst.add.f32.msk $0xffff, v1  }
0x425: {  	s2 =	sadd.s32 $0x0, s23;
	[tilespmem:s10+$0x0] =	vst.add.f32.msk $0xffff, v2  }
0x426: {  	s24 =	sor.u32 $0xE1B0, s0;
	s25 =	sadd.s32 $0x30, s2;
	v1 =	vld [tilespmem:s0+$0x12180]  }
0x427: {  	s26 =	sor.u32 $0x200, s25;
	[tilespmem:s24+$0x0] =	vst.add.f32.msk $0xffff, v0  }
0x428: {  	s11 =	sor.u32 $0xE120, s0;
	v0 =	vld [tilespmem:s26+$0x12000]  }
0x429: {  	[tilespmem:s11+$0x0] =	vst.add.f32.msk $0xffff, v3  }
0x42a: {  	v2 =	vld [tilespmem:s0+$0x12190]  }
0x42b: {  	s13 =	sor.u32 $0xE180, s0;
	v3 =	vld [tilespmem:s0+$0x121A0]  }
0x42c: {  	[tilespmem:s13+$0x0] =	vst.add.f32.msk $0xffff, v1  }
0x42d: {  	s12 =	sor.u32 $0x280, s25;
	[tilespmem:s26+$0xE000] =	vst.add.f32.msk $0xffff, v0  }
0x42e: {  	s16 =	sor.u32 $0xE190, s0;
	v0 =	vld [tilespmem:s12+$0x12000]  }
0x42f: {  	s14 =	sor.u32 $0x200, s2;
	[tilespmem:s16+$0x0] =	vst.add.f32.msk $0xffff, v2  }
0x430: {  	s11 =	sadd.s32 $0x10, s2;
	s0 =	sor.u32 $0xE1A0, s0;
	v1 =	vld [tilespmem:s14+$0x12000]  }
0x431: {  	s17 =	sor.u32 $0x200, s11;
	[tilespmem:s0+$0x0] =	vst.add.f32.msk $0xffff, v3  }
0x432: {  	v2 =	vld [tilespmem:s17+$0x12000]  }
0x433: {  	s15 =	sor.u32 $0x300, s25;
	[tilespmem:s12+$0xE000] =	vst.add.f32.msk $0xffff, v0  }
0x434: {  	v0 =	vld [tilespmem:s15+$0x12000]  }
0x435: {  	s19 =	sor.u32 $0x280, s2;
	s18 =	sadd.s32 $0x20, s2;
	[tilespmem:s14+$0xE000] =	vst.add.f32.msk $0xffff, v1  }
0x436: {  	v3 =	vld [tilespmem:s19+$0x12000];
	s12 =	sor.u32 $0x200, s18  }
0x437: {  	v1 =	vld [tilespmem:s12+$0x12000]  }
0x438: {  	[tilespmem:s17+$0xE000] =	vst.add.f32.msk $0xffff, v2  }
0x439: {  	s23 =	sor.u32 $0x280, s11;
	[tilespmem:s15+$0xE000] =	vst.add.f32.msk $0xffff, v0  }
0x43a: {  	v0 =	vld [tilespmem:s23+$0x12000]  }
0x43b: {  	[tilespmem:s19+$0xE000] =	vst.add.f32.msk $0xffff, v3  }
0x43c: {  	s7 =	sor.u32 $0x380, s25;
	[tilespmem:s12+$0xE000] =	vst.add.f32.msk $0xffff, v1  }
0x43d: {  	s24 =	sor.u32 $0x280, s18;
	v1 =	vld [tilespmem:s7+$0x12000]  }
0x43e: {  	v2 =	vld [tilespmem:s24+$0x12000]  }
0x43f: {  	s2 =	sor.u32 $0x300, s2;
	[tilespmem:s23+$0xE000] =	vst.add.f32.msk $0xffff, v0  }
0x440: {  	s25 =	sor.u32 $0x300, s11;
	v0 =	vld [tilespmem:s2+$0x12000]  }
0x441: {  	v3 =	vld [tilespmem:s25+$0x12000]  }
0x442: {  	[tilespmem:s7+$0xE000] =	vst.add.f32.msk $0xffff, v1  }
0x443: {  	s28 =	sor.u32 $0x300, s18;
	[tilespmem:s24+$0xE000] =	vst.add.f32.msk $0xffff, v2  }
0x444: {  	v1 =	vld [tilespmem:s28+$0x12000];
	_ =	sdelay $0x1  }
0x445: {  	s26 =	sor.u32 s21, s22;
	[tilespmem:s2+$0xE000] =	vst.add.f32.msk $0xffff, v0  }
0x446: {  	s24 =	sor.u32 $0x380, s26;
	[tilespmem:s25+$0xE000] =	vst.add.f32.msk $0xffff, v3  }
0x447: {  	s29 =	sor.u32 $0x380, s11;
	s30 =	sor.u32 $0x380, s18;
	v2 =	vld [tilespmem:s24+$0x12000]  }
.LBB2_17:
0x448: {  	s22 =	sadd.s32 $0x40, s22;
	[tilespmem:s28+$0xE000] =	vst.add.f32.msk $0xffff, v1;
	s21 =	sadd.s32 $0x200, s21  }
0x449: {  	s0 =	sand.u32 $0x40, s22;
	s2 =	sand.u32 $0x1C00, s21;
	s4 =	sor.u32 s21, s22;
	v1 =	vld [tilespmem:s29+$0x12000]  }
0x44a: {  	p1 =	slt.u32 s22, $0x3C0;
	s19 =	sor.u32 s0, s2;
	s4 =	sor.u32 $0x380, s4;
	v0 =	vld [tilespmem:s30+$0x12000]  }
0x44b: {  	s7 =	sor.u32 $0xE000, s19;
	s10 =	sor.u32 $0xE010, s19;
	s11 =	sor.u32 $0xE020, s19;
	v3 =	vld [tilespmem:s19+$0x12030]  }
0x44c: {  	s12 =	sor.u32 $0xE080, s19;
	s13 =	sor.u32 $0xE090, s19;
	s14 =	sor.u32 $0xE0A0, s19;
	v4 =	vld [tilespmem:s19+$0x12000]  }
0x44d: {  	s2 =	sor.u32 $0xE100, s19;
	s28 =	sor.u32 $0xE110, s19;
	s0 =	sor.u32 $0xE120, s19;
	v5 =	vld [tilespmem:s19+$0x12010]  }
0x44e: {  	s26 =	sor.u32 $0xE180, s19;
	s9 =	sor.u32 $0xE190, s19;
	s25 =	sor.u32 $0xE1A0, s19;
	v6 =	vld [tilespmem:s19+$0x12020]  }
0x44f: {  	s15 =	sor.u32 $0xE030, s19;
	[tilespmem:s24+$0xE000] =	vst.add.f32.msk $0xffff, v2;
	s24 =	smov.u32 s4  }
0x450: {  	[tilespmem:s15+$0x0] =	vst.add.f32.msk $0xffff, v3  }
0x451: {  	v2 =	vld [tilespmem:s19+$0x120B0]  }
0x452: {  	[tilespmem:s7+$0x0] =	vst.add.f32.msk $0xffff, v4  }
0x453: {  	[tilespmem:s10+$0x0] =	vst.add.f32.msk $0xffff, v5  }
0x454: {  	[tilespmem:s11+$0x0] =	vst.add.f32.msk $0xffff, v6  }
0x455: {  	s4 =	sor.u32 $0xE0B0, s19;
	v3 =	vld [tilespmem:s19+$0x12080]  }
0x456: {  	[tilespmem:s4+$0x0] =	vst.add.f32.msk $0xffff, v2  }
0x457: {  	v2 =	vld [tilespmem:s19+$0x12130]  }
0x458: {  	v4 =	vld [tilespmem:s19+$0x12090]  }
0x459: {  	v5 =	vld [tilespmem:s19+$0x120A0]  }
0x45a: {  	[tilespmem:s12+$0x0] =	vst.add.f32.msk $0xffff, v3  }
0x45b: {  	s4 =	sor.u32 $0xE130, s19;
	v3 =	vld [tilespmem:s19+$0x12100]  }
0x45c: {  	[tilespmem:s4+$0x0] =	vst.add.f32.msk $0xffff, v2  }
0x45d: {  	p0 =	por !p0, !p0;
	s4 =	simm.s32 $0x1;
	v2 =	vld [tilespmem:s19+$0x121B0]  }
0x45e: {  	s4 =	simm.s32 @!p0 $0x0;
	[tilespmem:s13+$0x0] =	vst.add.f32.msk $0xffff, v4  }
0x45f: {  	s4 =	sshll.u32 s4, $0x6;
	[tilespmem:s14+$0x0] =	vst.add.f32.msk $0xffff, v5  }
0x460: {  	s4 =	sadd.s32 s4, s21;
	v4 =	vld [tilespmem:s19+$0x12110]  }
0x461: {  	s7 =	sor.u32 $0xE1B0, s19;
	s10 =	sadd.s32 $0x10, s4;
	s11 =	sadd.s32 $0x30, s4;
	v5 =	vld [tilespmem:s19+$0x12120]  }
0x462: {  	s15 =	sadd.s32 $0x20, s4;
	s14 =	sor.u32 $0x200, s10;
	s16 =	sor.u32 $0x200, s11;
	[tilespmem:s7+$0x0] =	vst.add.f32.msk $0xffff, v2  }
0x463: {  	s17 =	sor.u32 $0x200, s4;
	s18 =	sor.u32 $0x200, s15;
	s7 =	sor.u32 $0x280, s10;
	v2 =	vld [tilespmem:s16+$0x12000]  }
0x464: {  	s23 =	sor.u32 $0x280, s4;
	s13 =	sor.u32 $0x280, s15;
	[tilespmem:s2+$0x0] =	vst.add.f32.msk $0xffff, v3;
	s2 =	sor.u32 $0x300, s10  }
0x465: {  	s12 =	sor.u32 $0x300, s4;
	s4 =	sor.u32 $0x380, s10;
	[tilespmem:s28+$0x0] =	vst.add.f32.msk $0xffff, v4;
	s28 =	sor.u32 $0x300, s15  }
0x466: {  	[tilespmem:s0+$0x0] =	vst.add.f32.msk $0xffff, v5;
	s0 =	sor.u32 $0x380, s15  }
0x467: {  	v3 =	vld [tilespmem:s19+$0x12180]  }
0x468: {  	s10 =	sor.u32 $0x280, s11;
	[tilespmem:s16+$0xE000] =	vst.add.f32.msk $0xffff, v2  }
0x469: {  	v2 =	vld [tilespmem:s10+$0x12000]  }
0x46a: {  	v4 =	vld [tilespmem:s19+$0x12190]  }
0x46b: {  	v5 =	vld [tilespmem:s19+$0x121A0]  }
0x46c: {  	[tilespmem:s26+$0x0] =	vst.add.f32.msk $0xffff, v3  }
0x46d: {  	v3 =	vld [tilespmem:s17+$0x12000]  }
0x46e: {  	[tilespmem:s10+$0xE000] =	vst.add.f32.msk $0xffff, v2;
	s10 =	sor.u32 $0x300, s11  }
0x46f: {  	v2 =	vld [tilespmem:s10+$0x12000]  }
0x470: {  	[tilespmem:s9+$0x0] =	vst.add.f32.msk $0xffff, v4  }
0x471: {  	[tilespmem:s25+$0x0] =	vst.add.f32.msk $0xffff, v5  }
0x472: {  	v4 =	vld [tilespmem:s14+$0x12000]  }
0x473: {  	v5 =	vld [tilespmem:s18+$0x12000]  }
0x474: {  	s9 =	sor.u32 $0x380, s11;
	[tilespmem:s10+$0xE000] =	vst.add.f32.msk $0xffff, v2  }
0x475: {  	v2 =	vld [tilespmem:s9+$0x12000]  }
0x476: {  	[tilespmem:s17+$0xE000] =	vst.add.f32.msk $0xffff, v3  }
0x477: {  	[tilespmem:s14+$0xE000] =	vst.add.f32.msk $0xffff, v4  }
0x478: {  	[tilespmem:s18+$0xE000] =	vst.add.f32.msk $0xffff, v5  }
0x479: {  	v3 =	vld [tilespmem:s23+$0x12000]  }
0x47a: {  	[tilespmem:s9+$0xE000] =	vst.add.f32.msk $0xffff, v2  }
0x47b: {  	v2 =	vld [tilespmem:s7+$0x12000]  }
0x47c: {  	v4 =	vld [tilespmem:s13+$0x12000]  }
0x47d: {  	[tilespmem:s29+$0xE000] =	vst.add.f32.msk $0xffff, v1;
	s29 =	smov.u32 s4  }
0x47e: {  	[tilespmem:s23+$0xE000] =	vst.add.f32.msk $0xffff, v3  }
0x47f: {  	v3 =	vld [tilespmem:s12+$0x12000]  }
0x480: {  	[tilespmem:s7+$0xE000] =	vst.add.f32.msk $0xffff, v2  }
0x481: {  	[tilespmem:s13+$0xE000] =	vst.add.f32.msk $0xffff, v4  }
0x482: {  	v4 =	vld [tilespmem:s2+$0x12000]  }
.Ltmp7:
0x483: {  	v1 =	vld [tilespmem:s28+$0x12000];
	(pc) =	sbr.rel @p1 .LBB2_17-.Ltmp7, $4  }
0x484: {  	[tilespmem:s12+$0xE000] =	vst.add.f32.msk $0xffff, v3  }
0x485: {  	v2 =	vld [tilespmem:s24+$0x12000]  }
0x486: {  	[tilespmem:s30+$0xE000] =	vst.add.f32.msk $0xffff, v0;
	s30 =	smov.u32 s0  }
0x487: {  	[tilespmem:s2+$0xE000] =	vst.add.f32.msk $0xffff, v4  }
0x488: {  	[tilespmem:s28+$0xE000] =	vst.add.f32.msk $0xffff, v1  }
0x489: {  	v0 =	vld [tilespmem:s29+$0x12000]  }
0x48a: {  	v1 =	vld [tilespmem:s30+$0x12000];
	_ =	sdelay $0x2  }
0x48b: {  	[tilespmem:s24+$0xE000] =	vst.add.f32.msk $0xffff, v2  }
0x48c: {  	[tilespmem:s29+$0xE000] =	vst.add.f32.msk $0xffff, v0  }
0x48d: {  	[tilespmem:s30+$0xE000] =	vst.add.f32.msk $0xffff, v1  }
0x48e: {  	s2 =	simm.s32 $0x0;
	s4 =	simm.s32 $0xE000;
	s0 =	rddreg [dreg:$0x15]  }
0x48f: {  	s25 =	smin.u32 s3, $0x1C;
	s26 =	rddreg [dreg:$0x16];
	s0 =	sadd.s32 s6, s0  }
0x490: {  	[hbm4b:s0+s2] =	stream.linear.scatter [tilespmem:s4], [sflag:$0x10], $0x2000, $0x38;
	[tilespmem:$0x14000] =	vst v63  }
0x491: {  	s0 =	sadd.s32 s25, s26  }
0x492: {  	s8 =	sadd.s32 $0x1, s8;
	s0 =	sshll.u32 s0, $0xA  }
0x493: {  	s28 =	simm.s32 $0x12000;
	p0 =	sne.s32 s8, $0x10;
	s0 =	sadd.s32 s20, s0  }
0x494: {  	[tilespmem:s28], [sflag:$0x12] =	stream.linear.gather [hbm4b:s0+s2], $0x2000, $0x38;
	[tilespmem:$0x14000] =	vst v63  }
.Ltmp8:
0x495: {  	s29 =	simm.s32 $0xC;
	(pc) =	sbr.rel @p0 .LBB2_2-.Ltmp8, $4  }
0x496: {  	_ =	swait.ge [sflag:s29], $0x2000  }
0x497: {  	s30 =	sadd.s32 s1, s31;
	[sflag:s29] =	ssyncset.done $0x0  }
0x498: {  	s31 =	simm.s32 $0x6000;
	s20 =	simm.s32 $0x0;
	[sflag:s29] =	ssyncadd.s32 $0xFFFFE000  }
0x499: {  	[tilespmem:s31], [sflag:$0x4] =	stream.linear.gather [hbm4b:s30+s2], $0x2000, $0x38;
	[tilespmem:$0x14000] =	vst v63  }
0x49a: {  	s0 =	simm.s32 $0xD  }
0x49b: {  	_ =	swait.ge [sflag:s0], $0x2000  }
0x49c: {  	[sflag:s0] =	ssyncset.done $0x0  }
0x49d: {  	s22 =	simm.s32 $0xE;
	[sflag:s0] =	ssyncadd.s32 $0xFFFFE000  }
0x49e: {  	_ =	swait.ge [sflag:s22], $0x2000  }
0x49f: {  	[sflag:s22] =	ssyncset.done $0x0  }
0x4a0: {  	s23 =	simm.s32 $0xF;
	[sflag:s22] =	ssyncadd.s32 $0xFFFFE000  }
0x4a1: {  	_ =	swait.ge [sflag:s23], $0x2000  }
0x4a2: {  	[sflag:s23] =	ssyncset.done $0x0  }
0x4a3: {  	s24 =	simm.s32 $0x10;
	[sflag:s23] =	ssyncadd.s32 $0xFFFFE000  }
0x4a4: {  	_ =	swait.ge [sflag:s24], $0x2000  }
0x4a5: {  	[sflag:s24] =	ssyncset.done $0x0  }
0x4a6: {  	s25 =	simm.s32 $0x1;
	[sflag:s24] =	ssyncadd.s32 $0xFFFFE000  }
0x4a7: {  	_ =	swait.ge [sflag:s25], $0x2000  }
0x4a8: {  	[sflag:s25] =	ssyncset.done $0x0  }
0x4a9: {  	s26 =	simm.s32 $0x2;
	[sflag:s25] =	ssyncadd.s32 $0xFFFFE000  }
0x4aa: {  	_ =	swait.ge [sflag:s26], $0x2000  }
0x4ab: {  	[sflag:s26] =	ssyncset.done $0x0  }
0x4ac: {  	s28 =	simm.s32 $0x3;
	[sflag:s26] =	ssyncadd.s32 $0xFFFFE000  }
0x4ad: {  	_ =	swait.ge [sflag:s28], $0x2000  }
0x4ae: {  	[sflag:s28] =	ssyncset.done $0x0  }
0x4af: {  	s29 =	simm.s32 $0x4;
	[sflag:s28] =	ssyncadd.s32 $0xFFFFE000  }
0x4b0: {  	_ =	swait.ge [sflag:s29], $0x2000  }
0x4b1: {  	[sflag:s29] =	ssyncset.done $0x0  }
0x4b2: {  	s30 =	simm.s32 $0x11;
	[sflag:s29] =	ssyncadd.s32 $0xFFFFE000  }
0x4b3: {  	_ =	swait.ge [sflag:s30], $0x2000  }
0x4b4: {  	[sflag:s30] =	ssyncset.done $0x0  }
0x4b5: {  	s1 =	simm.s32 $0x12;
	[sflag:s30] =	ssyncadd.s32 $0xFFFFE000  }
0x4b6: {  	_ =	swait.ge [sflag:s1], $0x2000  }
0x4b7: {  	s2 =	rddreg [dreg:$0x18]  }
0x4b8: {  	s31 =	rddreg [dreg:$0x17];
	s2 =	sadd.s32 $0x1, s2  }
0x4b9: {  	p0 =	sne.s32 s2, s31  }
.Ltmp9:
0x4ba: {  	_ = 	snop;
	(pc) =	sbr.rel @p0 .LBB2_1-.Ltmp9, $3  }
0x4bb: {  	_ =	sdelay $0x1  }
0x4bc: {  	[sflag:s1] =	ssyncset.done $0x0  }
0x4bd: {  	[sflag:s1] =	ssyncadd.s32 $0xFFFFE000  }
0x4be: {  	_ =	sfence.sel $0x180000  }
0x4bf: {  	[bflag:$0x0] =	sbarrier.arrive $0xFFFF  }
0x4c0: {  	_ =	strace $0x90000047  }
0x4c1: {  	s0 =	stileid.u32;
	[bflag:$0x2] =	sbarrier.arrive $0xFFFF  }
0x4c2: {  	p0 =	sne.s32 s0, $0x0;
	s0 =	rddreg [dreg:$0x3]  }
0x4c3: {  	s0 =	sadd.s32 @!p0 $0x100000, s0  }
0x4c4: {  	[sflag:s0] =	ssyncadd.tile.s32 @!p0 $0x1;
	_ =	shalt  }
.Lfunc_end2:
_tile_overlayer_lowered:
.L_overlay_start_2:
0x4c5: {  	(tag) =	ssettag $0x2  }
0x4c6: {  	s0 =	rddreg [dreg:$0x0];
	s2 =	stileid.u32  }
0x4c7: {  	s1 =	rddreg [dreg:$0x1];
	p0 =	sne.s32 s2, $0x0  }
0x4c8: {  	s3 =	rddreg [dreg:$0x2];
	[bflag:$0x3] =	sbarrier.arrive $0xFFFF;
	s2 =	simm.s32 @!p0 $0x1C13  }
0x4c9: {  	[timem:s3], [sflag:s2] =	dma.local @!p0 [hbm:s0], s1  }
0x4ca: {  	s0 =	simm.s32 @!p0 $0x13  }
0x4cb: {  	_ =	swait.ge @!p0 [sflag:s0], s1  }
0x4cc: {  	s1 =	ssub.s32 @!p0 $0x0, s1;
	[sflag:s0] =	ssyncset.done @!p0 $0x0  }
0x4cd: {  	[sflag:s0] =	ssyncadd.s32 @!p0 s1  }
0x4ce: {  	[bflag:$0x3] =	sbarrier.arrive $0xFFFF  }
0x4cf: {  	_ =	shalt  }

</sc_bundles>
